<compile_context>
chip_gen: v7x
topology: tpu7x:2x2x1
jax: 0.10.2.dev20260603
libtpu: 0.0.44.dev20260713+nightly
codegen_flags: <defaults>
</compile_context>

<pallas_src>
import functools

import jax
import jax.numpy as jnp
from jax import lax
from jax.experimental import pallas as pl
from jax.experimental.pallas import tpu as pltpu
from jax.experimental.pallas import tpu_sc as plsc

N_CHANNELS = 4096
N_BINS = 8192
BLOCK_ROWS = 256

SC_ROWS = 512
TC_ROWS = N_CHANNELS - SC_ROWS
SC_BASE = TC_ROWS

NUM_WORKERS = 32
R_PER = SC_ROWS // NUM_WORKERS
CHUNK = 4
NCHUNKS = R_PER // CHUNK
LANES = 16


def _flux(params_ref, energies_ref):
    alpha = params_ref[0]
    norm = params_ref[1]
    p = 1.0 - alpha
    e_low = energies_ref[0:1, :]
    e_high = energies_ref[1:2, :]
    return norm * (jnp.power(e_high, p) - jnp.power(e_low, p)) / p


def _flux_body(params_ref, energies_ref, out_ref):
    out_ref[...] = _flux(params_ref, energies_ref)


def _tc_body(params_ref, energies_ref, tm_ref, out_ref, flux_ref):
    @pl.when(pl.program_id(0) == 0)
    def _():
        flux_ref[...] = _flux(params_ref, energies_ref)

    acc = jax.lax.dot_general(
        tm_ref[...], flux_ref[...],
        (((1,), (1,)), ((), ())),
        preferred_element_type=jnp.float32,
    )
    out_ref[...] = jnp.maximum(acc, 1e-6)


def _sc_body(tm_hbm, flux_hbm, out_hbm, flux_v, rows_v, acc_v, out_v,
             sem0, sem1):
    wid = lax.axis_index("s") * 2 + lax.axis_index("c")
    row0 = SC_BASE + wid * R_PER

    def copy(i, slot, sem):
        return pltpu.make_async_copy(
            tm_hbm.at[pl.ds(row0 + i * CHUNK, CHUNK), :],
            rows_v.at[slot],
            sem,
        )

    copy(0, 0, sem0).start()
    pltpu.sync_copy(flux_hbm, flux_v)

    iota = lax.iota(jnp.int32, LANES)
    for i in range(NCHUNKS):
        slot = i % 2
        sem = sem0 if slot == 0 else sem1
        if i + 1 < NCHUNKS:
            nslot = (i + 1) % 2
            copy(i + 1, nslot, sem1 if nslot else sem0).start()
        copy(i, slot, sem).wait()
        for r in range(CHUNK):
            def step(c, acc, _slot=slot, _r=r):
                a = rows_v[_slot, _r, pl.ds(c * 64, LANES)]
                b = flux_v[pl.ds(c * 64, LANES)]
                acc = acc + a * b
                for j in range(1, 4):
                    a = rows_v[_slot, _r, pl.ds(c * 64 + j * LANES, LANES)]
                    b = flux_v[pl.ds(c * 64 + j * LANES, LANES)]
                    acc = acc + a * b
                return acc

            acc = lax.fori_loop(0, N_BINS // 64, step,
                                jnp.zeros((LANES,), jnp.float32))
            acc_v[i * CHUNK + r] = acc

    tot = jnp.zeros((LANES,), jnp.float32)
    for c in range(LANES):
        tot = tot + plsc.load_gather(
            acc_v, [iota, jnp.full((LANES,), c, jnp.int32)])
    out_v[...] = jnp.maximum(tot, 1e-6)
    pltpu.sync_copy(out_v, out_hbm.at[pl.ds(wid * R_PER, R_PER)])


_sc_gemv = pl.kernel(
    _sc_body,
    out_type=jax.ShapeDtypeStruct((SC_ROWS,), jnp.float32),
    mesh=plsc.VectorSubcoreMesh(core_axis_name="c", subcore_axis_name="s"),
    compiler_params=pltpu.CompilerParams(needs_layout_passes=False),
    cost_estimate=pl.CostEstimate(
        flops=2 * SC_ROWS * N_BINS,
        transcendentals=0,
        bytes_accessed=SC_ROWS * N_BINS * 4 + N_BINS * 4 + SC_ROWS * 4,
    ),
    scratch_types=[
        pltpu.VMEM((N_BINS,), jnp.float32),
        pltpu.VMEM((2, CHUNK, N_BINS), jnp.float32),
        pltpu.VMEM((LANES, LANES), jnp.float32),
        pltpu.VMEM((R_PER,), jnp.float32),
        pltpu.SemaphoreType.DMA,
        pltpu.SemaphoreType.DMA,
    ],
)


def kernel(parameters, transfer_matrix, energies):
    flux = pl.pallas_call(
        _flux_body,
        in_specs=[
            pl.BlockSpec(memory_space=pltpu.MemorySpace.SMEM),
            pl.BlockSpec(memory_space=pltpu.MemorySpace.VMEM),
        ],
        out_specs=pl.BlockSpec(memory_space=pltpu.MemorySpace.VMEM),
        out_shape=jax.ShapeDtypeStruct((1, N_BINS), jnp.float32),
    )(parameters, energies)

    sc_out = _sc_gemv(transfer_matrix, flux.reshape(N_BINS))

    tc_out = pl.pallas_call(
        _tc_body,
        grid=(TC_ROWS // BLOCK_ROWS,),
        in_specs=[
            pl.BlockSpec(memory_space=pltpu.MemorySpace.SMEM),
            pl.BlockSpec((2, N_BINS), lambda i: (0, 0)),
            pl.BlockSpec((BLOCK_ROWS, N_BINS), lambda i: (i, 0)),
        ],
        out_specs=pl.BlockSpec((BLOCK_ROWS, 1), lambda i: (i, 0)),
        out_shape=jax.ShapeDtypeStruct((TC_ROWS, 1), jnp.float32),
        scratch_shapes=[pltpu.MemorySpace.VMEM((1, N_BINS), jnp.float32)],
        cost_estimate=pl.CostEstimate(
            flops=2 * TC_ROWS * N_BINS,
            transcendentals=2 * N_BINS,
            bytes_accessed=TC_ROWS * N_BINS * 4,
        ),
    )(parameters, energies, transfer_matrix)

    return jnp.concatenate([tc_out.reshape(TC_ROWS), sc_out])

# --- scband reference (transcript-rebuilt; emitter-appended) ---
"""Pipeline reference for scband-count-forward-model-86414741995839 (READ-ONLY COPY).

The authoritative reference and input builder live on the scoring server;
editing this copy changes nothing except your own understanding.
"""

import jax, jax.numpy as jnp
import numpy as np

N_CHANNELS = 4096
N_BINS = 8192


def photon_flux(parameters, e_low, e_high):
    # Power-law spectral model integrated over each energy bin:
    # norm * int_{e_low}^{e_high} E^{-alpha} dE = norm * (e_high^(1-alpha) - e_low^(1-alpha)) / (1-alpha)
    alpha = parameters[0]
    norm = parameters[1]
    p = 1.0 - alpha
    return norm * (jnp.power(e_high, p) - jnp.power(e_low, p)) / p


def setup_inputs(seed: int = 0) -> dict:
    key = jax.random.key(seed)
    k1, k2 = jax.random.split(key)

    # spectral parameters: photon index alpha in [1.2, 2.5] (away from 1), norm ~ 1e-2
    alpha = jax.random.uniform(k1, (), minval=1.2, maxval=2.5)
    norm = jnp.asarray(1e-2, dtype=jnp.float32)
    parameters = jnp.stack([alpha, norm]).astype(jnp.float32)

    # dense instrument response (RMF x ARF folded): [n_channels, n_energy_bins]
    transfer_matrix = (jax.random.uniform(k2, (N_CHANNELS, N_BINS), dtype=jnp.float32) * 0.01)

    # input energy bin edges (keV), monotonically increasing: energies[0]=e_low, energies[1]=e_high
    edges = jnp.linspace(0.3, 12.0, N_BINS + 1, dtype=jnp.float32)
    energies = jnp.stack([edges[:-1], edges[1:]])

    return {"parameters": parameters, "transfer_matrix": transfer_matrix, "energies": energies}


def reference(parameters, transfer_matrix, energies):
    flux = photon_flux(parameters, energies[0], energies[1])
    expected_counts = transfer_matrix @ flux
    return jnp.clip(expected_counts, 1e-06)

if __name__ == "__main__":
    import jax
    _d = setup_inputs()
    print(jax.jit(kernel)(*tuple(_d.values())))

</pallas_src>

<mosaic_0001>
#map = affine_map<(d0, d1) -> (0, 0)>
#map1 = affine_map<(d0, d1) -> (0)>
module attributes {stable_mosaic.version = 14 : i64} {
  func.func @_sc_body(%arg0: i32, %arg1: i32, %arg2: memref<4096x8192xf32, #tpu.memory_space<hbm>>, %arg3: memref<8192xf32, #tpu.memory_space<hbm>>, %arg4: memref<512xf32, #tpu.memory_space<hbm>>, %arg5: memref<8192xf32, #tpu.memory_space<vmem>>, %arg6: memref<2x4x8192xf32, #tpu.memory_space<vmem>>, %arg7: memref<16x16xf32, #tpu.memory_space<vmem>>, %arg8: memref<16xf32, #tpu.memory_space<vmem>>, %arg9: memref<!tpu.dma_semaphore, #tpu.memory_space<semaphore_mem>>, %arg10: memref<!tpu.dma_semaphore, #tpu.memory_space<semaphore_mem>>) attributes {dimension_semantics = [#tpu.dimension_semantics<core_parallel>, #tpu.dimension_semantics<subcore_parallel>], iteration_bounds = array<i64: 2, 16>, scalar_prefetch = 0 : i64, scratch_operands = 6 : i64, tpu.core_type = #tpu.core_type<sc_vector_subcore>, window_params = [{transform_indices = #map}, {transform_indices = #map1}, {transform_indices = #map1}]} {
    %mul3A = arith.constant 2 : i32
    %mul3A_0 = arith.muli %arg1, %mul3A : i32
    %add3A = arith.addi %mul3A_0, %arg0 : i32
    %mul3A_1 = arith.constant 16 : i32
    %mul3A_2 = arith.muli %add3A, %mul3A_1 : i32
    %add3A_3 = arith.constant 3584 : i32
    %add3A_4 = arith.addi %add3A_3, %mul3A_2 : i32
    %add3A_5 = arith.constant 0 : i32
    %add3A_6 = arith.addi %add3A_4, %add3A_5 : i32
    %dma_start3A = arith.constant 0 : i32
    %dma_start3A_7 = arith.constant 0 : i32
    %dma_start3A_8 = arith.constant 0 : i32
    %dma_start3A_9 = tpu.memref_slice %arg6[%dma_start3A, %dma_start3A_7, %dma_start3A_8] : memref<2x4x8192xf32, #tpu.memory_space<vmem>> -> memref<1x4x8192xf32, #tpu.memory_space<vmem>>
    %dma_start3A_10 = tpu.memref_squeeze %dma_start3A_9 : memref<1x4x8192xf32, #tpu.memory_space<vmem>> -> memref<4x8192xf32, #tpu.memory_space<vmem>>
    %dma_start3A_11 = arith.constant 0 : i32
    %dma_start3A_12 = tpu.memref_slice %arg2[%add3A_6, %dma_start3A_11] : memref<4096x8192xf32, #tpu.memory_space<hbm>> -> memref<4x8192xf32, #tpu.memory_space<hbm>>
    %dma_start3A_13 = arith.constant 0 : i32
    %dma_start3A_14 = arith.constant 0 : i32
    %dma_start3A_15 = tpu.memref_slice %arg6[%dma_start3A, %dma_start3A_13, %dma_start3A_14] : memref<2x4x8192xf32, #tpu.memory_space<vmem>> -> memref<1x4x8192xf32, #tpu.memory_space<vmem>>
    %dma_start3A_16 = tpu.memref_squeeze %dma_start3A_15 : memref<1x4x8192xf32, #tpu.memory_space<vmem>> -> memref<4x8192xf32, #tpu.memory_space<vmem>>
    %dma_start3A_17 = arith.constant 0 : i32
    %dma_start3A_18 = tpu.memref_slice %arg2[%add3A_6, %dma_start3A_17] : memref<4096x8192xf32, #tpu.memory_space<hbm>> -> memref<4x8192xf32, #tpu.memory_space<hbm>>
    tpu.enqueue_dma source(%dma_start3A_18 : memref<4x8192xf32, #tpu.memory_space<hbm>>) target(%dma_start3A_16 : memref<4x8192xf32, #tpu.memory_space<vmem>>) target_semaphore(%arg9 : memref<!tpu.dma_semaphore, #tpu.memory_space<semaphore_mem>>)
    "tpu.region"() ({
      %run_scoped3A = tpu.sem_alloc : memref<!tpu.dma_semaphore, #tpu.memory_space<semaphore_mem>>
      tpu.enqueue_dma source(%arg3 : memref<8192xf32, #tpu.memory_space<hbm>>) target(%arg5 : memref<8192xf32, #tpu.memory_space<vmem>>) target_semaphore(%run_scoped3A : memref<!tpu.dma_semaphore, #tpu.memory_space<semaphore_mem>>)
      tpu.wait_dma2 semaphore(%run_scoped3A : memref<!tpu.dma_semaphore, #tpu.memory_space<semaphore_mem>>) src(%arg3 : memref<8192xf32, #tpu.memory_space<hbm>>) dst(%arg5 : memref<8192xf32, #tpu.memory_space<vmem>>)
      tpu.yield
    }) : () -> ()
    %iota3A = tpu.iota {dimensions = array<i32: 0>} : vector<16xi32>
    %add3A_19 = arith.constant 4 : i32
    %add3A_20 = arith.addi %add3A_4, %add3A_19 : i32
    %dma_start3A_21 = arith.constant 1 : i32
    %dma_start3A_22 = arith.constant 0 : i32
    %dma_start3A_23 = arith.constant 0 : i32
    %dma_start3A_24 = tpu.memref_slice %arg6[%dma_start3A_21, %dma_start3A_22, %dma_start3A_23] : memref<2x4x8192xf32, #tpu.memory_space<vmem>> -> memref<1x4x8192xf32, #tpu.memory_space<vmem>>
    %dma_start3A_25 = tpu.memref_squeeze %dma_start3A_24 : memref<1x4x8192xf32, #tpu.memory_space<vmem>> -> memref<4x8192xf32, #tpu.memory_space<vmem>>
    %dma_start3A_26 = arith.constant 0 : i32
    %dma_start3A_27 = tpu.memref_slice %arg2[%add3A_20, %dma_start3A_26] : memref<4096x8192xf32, #tpu.memory_space<hbm>> -> memref<4x8192xf32, #tpu.memory_space<hbm>>
    %dma_start3A_28 = arith.constant 0 : i32
    %dma_start3A_29 = arith.constant 0 : i32
    %dma_start3A_30 = tpu.memref_slice %arg6[%dma_start3A_21, %dma_start3A_28, %dma_start3A_29] : memref<2x4x8192xf32, #tpu.memory_space<vmem>> -> memref<1x4x8192xf32, #tpu.memory_space<vmem>>
    %dma_start3A_31 = tpu.memref_squeeze %dma_start3A_30 : memref<1x4x8192xf32, #tpu.memory_space<vmem>> -> memref<4x8192xf32, #tpu.memory_space<vmem>>
    %dma_start3A_32 = arith.constant 0 : i32
    %dma_start3A_33 = tpu.memref_slice %arg2[%add3A_20, %dma_start3A_32] : memref<4096x8192xf32, #tpu.memory_space<hbm>> -> memref<4x8192xf32, #tpu.memory_space<hbm>>
    tpu.enqueue_dma source(%dma_start3A_33 : memref<4x8192xf32, #tpu.memory_space<hbm>>) target(%dma_start3A_31 : memref<4x8192xf32, #tpu.memory_space<vmem>>) target_semaphore(%arg10 : memref<!tpu.dma_semaphore, #tpu.memory_space<semaphore_mem>>)
    %add3A_34 = arith.constant 0 : i32
    %add3A_35 = arith.addi %add3A_4, %add3A_34 : i32
    %dma_wait3A = arith.constant 0 : i32
    %dma_wait3A_36 = arith.constant 0 : i32
    %dma_wait3A_37 = arith.constant 0 : i32
    %dma_wait3A_38 = tpu.memref_slice %arg6[%dma_wait3A, %dma_wait3A_36, %dma_wait3A_37] : memref<2x4x8192xf32, #tpu.memory_space<vmem>> -> memref<1x4x8192xf32, #tpu.memory_space<vmem>>
    %dma_wait3A_39 = tpu.memref_squeeze %dma_wait3A_38 : memref<1x4x8192xf32, #tpu.memory_space<vmem>> -> memref<4x8192xf32, #tpu.memory_space<vmem>>
    %dma_wait3A_40 = arith.constant 0 : i32
    %dma_wait3A_41 = tpu.memref_slice %arg2[%add3A_35, %dma_wait3A_40] : memref<4096x8192xf32, #tpu.memory_space<hbm>> -> memref<4x8192xf32, #tpu.memory_space<hbm>>
    %dma_wait3A_42 = arith.constant 0 : i32
    %dma_wait3A_43 = arith.constant 0 : i32
    %dma_wait3A_44 = tpu.memref_slice %arg6[%dma_wait3A, %dma_wait3A_42, %dma_wait3A_43] : memref<2x4x8192xf32, #tpu.memory_space<vmem>> -> memref<1x4x8192xf32, #tpu.memory_space<vmem>>
    %dma_wait3A_45 = tpu.memref_squeeze %dma_wait3A_44 : memref<1x4x8192xf32, #tpu.memory_space<vmem>> -> memref<4x8192xf32, #tpu.memory_space<vmem>>
    %dma_wait3A_46 = arith.constant 0 : i32
    %dma_wait3A_47 = tpu.memref_slice %arg2[%add3A_35, %dma_wait3A_46] : memref<4096x8192xf32, #tpu.memory_space<hbm>> -> memref<4x8192xf32, #tpu.memory_space<hbm>>
    tpu.wait_dma2 semaphore(%arg9 : memref<!tpu.dma_semaphore, #tpu.memory_space<semaphore_mem>>) src(%dma_wait3A_47 : memref<4x8192xf32, #tpu.memory_space<hbm>>) dst(%dma_wait3A_45 : memref<4x8192xf32, #tpu.memory_space<vmem>>)
    %broadcast_in_dim3A = arith.constant 0.000000e+00 : f32
    %broadcast_in_dim3A_48 = vector.broadcast %broadcast_in_dim3A : f32 to vector<16xf32>
    %scan3A = arith.constant 0 : i32
    %scan3A_49 = arith.constant 128 : i32
    %scan3A_50 = arith.addi %scan3A, %scan3A_49 : i32
    %scan3A_51 = arith.constant 1 : i32
    %scan3A_52 = scf.for %scan3A_383 = %scan3A to %scan3A_50 step %scan3A_51 iter_args(%scan3A_384 = %broadcast_in_dim3A_48) -> (vector<16xf32>)  : i32 {
      %mul3A_385 = arith.constant 64 : i32
      %mul3A_386 = arith.muli %scan3A_383, %mul3A_385 : i32
      %get3A = arith.constant 0 : i32
      %get3A_387 = arith.constant 0 : i32
      %get3A_388 = arith.index_cast %get3A : i32 to index
      %get3A_389 = arith.index_cast %get3A_387 : i32 to index
      %get3A_390 = arith.index_cast %mul3A_386 : i32 to index
      %get3A_391 = tpu.vector_load %arg6[%get3A_388, %get3A_389, %get3A_390] {strides = array<i32>} : memref<2x4x8192xf32, #tpu.memory_space<vmem>>, vector<16xf32>,
      %mul3A_392 = arith.constant 64 : i32
      %mul3A_393 = arith.muli %scan3A_383, %mul3A_392 : i32
      %get3A_394 = arith.index_cast %mul3A_393 : i32 to index
      %get3A_395 = tpu.vector_load %arg5[%get3A_394] {strides = array<i32>} : memref<8192xf32, #tpu.memory_space<vmem>>, vector<16xf32>,
      %mul3A_396 = arith.mulf %get3A_391, %get3A_395 : vector<16xf32>
      %add3A_397 = arith.addf %scan3A_384, %mul3A_396 : vector<16xf32>
      %mul3A_398 = arith.constant 64 : i32
      %mul3A_399 = arith.muli %scan3A_383, %mul3A_398 : i32
      %add3A_400 = arith.constant 16 : i32
      %add3A_401 = arith.addi %mul3A_399, %add3A_400 : i32
      %get3A_402 = arith.constant 0 : i32
      %get3A_403 = arith.constant 0 : i32
      %get3A_404 = arith.index_cast %get3A_402 : i32 to index
      %get3A_405 = arith.index_cast %get3A_403 : i32 to index
      %get3A_406 = arith.index_cast %add3A_401 : i32 to index
      %get3A_407 = tpu.vector_load %arg6[%get3A_404, %get3A_405, %get3A_406] {strides = array<i32>} : memref<2x4x8192xf32, #tpu.memory_space<vmem>>, vector<16xf32>,
      %mul3A_408 = arith.constant 64 : i32
      %mul3A_409 = arith.muli %scan3A_383, %mul3A_408 : i32
      %add3A_410 = arith.constant 16 : i32
      %add3A_411 = arith.addi %mul3A_409, %add3A_410 : i32
      %get3A_412 = arith.index_cast %add3A_411 : i32 to index
      %get3A_413 = tpu.vector_load %arg5[%get3A_412] {strides = array<i32>} : memref<8192xf32, #tpu.memory_space<vmem>>, vector<16xf32>,
      %mul3A_414 = arith.mulf %get3A_407, %get3A_413 : vector<16xf32>
      %add3A_415 = arith.addf %add3A_397, %mul3A_414 : vector<16xf32>
      %mul3A_416 = arith.constant 64 : i32
      %mul3A_417 = arith.muli %scan3A_383, %mul3A_416 : i32
      %add3A_418 = arith.constant 32 : i32
      %add3A_419 = arith.addi %mul3A_417, %add3A_418 : i32
      %get3A_420 = arith.constant 0 : i32
      %get3A_421 = arith.constant 0 : i32
      %get3A_422 = arith.index_cast %get3A_420 : i32 to index
      %get3A_423 = arith.index_cast %get3A_421 : i32 to index
      %get3A_424 = arith.index_cast %add3A_419 : i32 to index
      %get3A_425 = tpu.vector_load %arg6[%get3A_422, %get3A_423, %get3A_424] {strides = array<i32>} : memref<2x4x8192xf32, #tpu.memory_space<vmem>>, vector<16xf32>,
      %mul3A_426 = arith.constant 64 : i32
      %mul3A_427 = arith.muli %scan3A_383, %mul3A_426 : i32
      %add3A_428 = arith.constant 32 : i32
      %add3A_429 = arith.addi %mul3A_427, %add3A_428 : i32
      %get3A_430 = arith.index_cast %add3A_429 : i32 to index
      %get3A_431 = tpu.vector_load %arg5[%get3A_430] {strides = array<i32>} : memref<8192xf32, #tpu.memory_space<vmem>>, vector<16xf32>,
      %mul3A_432 = arith.mulf %get3A_425, %get3A_431 : vector<16xf32>
      %add3A_433 = arith.addf %add3A_415, %mul3A_432 : vector<16xf32>
      %mul3A_434 = arith.constant 64 : i32
      %mul3A_435 = arith.muli %scan3A_383, %mul3A_434 : i32
      %add3A_436 = arith.constant 48 : i32
      %add3A_437 = arith.addi %mul3A_435, %add3A_436 : i32
      %get3A_438 = arith.constant 0 : i32
      %get3A_439 = arith.constant 0 : i32
      %get3A_440 = arith.index_cast %get3A_438 : i32 to index
      %get3A_441 = arith.index_cast %get3A_439 : i32 to index
      %get3A_442 = arith.index_cast %add3A_437 : i32 to index
      %get3A_443 = tpu.vector_load %arg6[%get3A_440, %get3A_441, %get3A_442] {strides = array<i32>} : memref<2x4x8192xf32, #tpu.memory_space<vmem>>, vector<16xf32>,
      %mul3A_444 = arith.constant 64 : i32
      %mul3A_445 = arith.muli %scan3A_383, %mul3A_444 : i32
      %add3A_446 = arith.constant 48 : i32
      %add3A_447 = arith.addi %mul3A_445, %add3A_446 : i32
      %get3A_448 = arith.index_cast %add3A_447 : i32 to index
      %get3A_449 = tpu.vector_load %arg5[%get3A_448] {strides = array<i32>} : memref<8192xf32, #tpu.memory_space<vmem>>, vector<16xf32>,
      %mul3A_450 = arith.mulf %get3A_443, %get3A_449 : vector<16xf32>
      %add3A_451 = arith.addf %add3A_433, %mul3A_450 : vector<16xf32>
      scf.yield %add3A_451 : vector<16xf32>
    }
    %scan3A_53 = arith.constant 128 : i32
    %swap3A = arith.constant 0 : i32
    %swap3A_54 = arith.index_cast %swap3A : i32 to index
    %swap3A_55 = arith.constant 0 : index
    %swap3A_56 = tpu.vector_load %arg7[%swap3A_54, %swap3A_55] {strides = array<i32>} : memref<16x16xf32, #tpu.memory_space<vmem>>, vector<16xf32>,
    tpu.vector_store %arg7[%swap3A_54, %swap3A_55], %scan3A_52 {strides = array<i32>} : memref<16x16xf32, #tpu.memory_space<vmem>>, vector<16xf32>,
    %broadcast_in_dim3A_57 = arith.constant 0.000000e+00 : f32
    %broadcast_in_dim3A_58 = vector.broadcast %broadcast_in_dim3A_57 : f32 to vector<16xf32>
    %scan3A_59 = arith.constant 0 : i32
    %scan3A_60 = arith.constant 128 : i32
    %scan3A_61 = arith.addi %scan3A_59, %scan3A_60 : i32
    %scan3A_62 = arith.constant 1 : i32
    %scan3A_63 = scf.for %scan3A_383 = %scan3A_59 to %scan3A_61 step %scan3A_62 iter_args(%scan3A_384 = %broadcast_in_dim3A_58) -> (vector<16xf32>)  : i32 {
      %mul3A_385 = arith.constant 64 : i32
      %mul3A_386 = arith.muli %scan3A_383, %mul3A_385 : i32
      %get3A = arith.constant 0 : i32
      %get3A_387 = arith.constant 1 : i32
      %get3A_388 = arith.index_cast %get3A : i32 to index
      %get3A_389 = arith.index_cast %get3A_387 : i32 to index
      %get3A_390 = arith.index_cast %mul3A_386 : i32 to index
      %get3A_391 = tpu.vector_load %arg6[%get3A_388, %get3A_389, %get3A_390] {strides = array<i32>} : memref<2x4x8192xf32, #tpu.memory_space<vmem>>, vector<16xf32>,
      %mul3A_392 = arith.constant 64 : i32
      %mul3A_393 = arith.muli %scan3A_383, %mul3A_392 : i32
      %get3A_394 = arith.index_cast %mul3A_393 : i32 to index
      %get3A_395 = tpu.vector_load %arg5[%get3A_394] {strides = array<i32>} : memref<8192xf32, #tpu.memory_space<vmem>>, vector<16xf32>,
      %mul3A_396 = arith.mulf %get3A_391, %get3A_395 : vector<16xf32>
      %add3A_397 = arith.addf %scan3A_384, %mul3A_396 : vector<16xf32>
      %mul3A_398 = arith.constant 64 : i32
      %mul3A_399 = arith.muli %scan3A_383, %mul3A_398 : i32
      %add3A_400 = arith.constant 16 : i32
      %add3A_401 = arith.addi %mul3A_399, %add3A_400 : i32
      %get3A_402 = arith.constant 0 : i32
      %get3A_403 = arith.constant 1 : i32
      %get3A_404 = arith.index_cast %get3A_402 : i32 to index
      %get3A_405 = arith.index_cast %get3A_403 : i32 to index
      %get3A_406 = arith.index_cast %add3A_401 : i32 to index
      %get3A_407 = tpu.vector_load %arg6[%get3A_404, %get3A_405, %get3A_406] {strides = array<i32>} : memref<2x4x8192xf32, #tpu.memory_space<vmem>>, vector<16xf32>,
      %mul3A_408 = arith.constant 64 : i32
      %mul3A_409 = arith.muli %scan3A_383, %mul3A_408 : i32
      %add3A_410 = arith.constant 16 : i32
      %add3A_411 = arith.addi %mul3A_409, %add3A_410 : i32
      %get3A_412 = arith.index_cast %add3A_411 : i32 to index
      %get3A_413 = tpu.vector_load %arg5[%get3A_412] {strides = array<i32>} : memref<8192xf32, #tpu.memory_space<vmem>>, vector<16xf32>,
      %mul3A_414 = arith.mulf %get3A_407, %get3A_413 : vector<16xf32>
      %add3A_415 = arith.addf %add3A_397, %mul3A_414 : vector<16xf32>
      %mul3A_416 = arith.constant 64 : i32
      %mul3A_417 = arith.muli %scan3A_383, %mul3A_416 : i32
      %add3A_418 = arith.constant 32 : i32
      %add3A_419 = arith.addi %mul3A_417, %add3A_418 : i32
      %get3A_420 = arith.constant 0 : i32
      %get3A_421 = arith.constant 1 : i32
      %get3A_422 = arith.index_cast %get3A_420 : i32 to index
      %get3A_423 = arith.index_cast %get3A_421 : i32 to index
      %get3A_424 = arith.index_cast %add3A_419 : i32 to index
      %get3A_425 = tpu.vector_load %arg6[%get3A_422, %get3A_423, %get3A_424] {strides = array<i32>} : memref<2x4x8192xf32, #tpu.memory_space<vmem>>, vector<16xf32>,
      %mul3A_426 = arith.constant 64 : i32
      %mul3A_427 = arith.muli %scan3A_383, %mul3A_426 : i32
      %add3A_428 = arith.constant 32 : i32
      %add3A_429 = arith.addi %mul3A_427, %add3A_428 : i32
      %get3A_430 = arith.index_cast %add3A_429 : i32 to index
      %get3A_431 = tpu.vector_load %arg5[%get3A_430] {strides = array<i32>} : memref<8192xf32, #tpu.memory_space<vmem>>, vector<16xf32>,
      %mul3A_432 = arith.mulf %get3A_425, %get3A_431 : vector<16xf32>
      %add3A_433 = arith.addf %add3A_415, %mul3A_432 : vector<16xf32>
      %mul3A_434 = arith.constant 64 : i32
      %mul3A_435 = arith.muli %scan3A_383, %mul3A_434 : i32
      %add3A_436 = arith.constant 48 : i32
      %add3A_437 = arith.addi %mul3A_435, %add3A_436 : i32
      %get3A_438 = arith.constant 0 : i32
      %get3A_439 = arith.constant 1 : i32
      %get3A_440 = arith.index_cast %get3A_438 : i32 to index
      %get3A_441 = arith.index_cast %get3A_439 : i32 to index
      %get3A_442 = arith.index_cast %add3A_437 : i32 to index
      %get3A_443 = tpu.vector_load %arg6[%get3A_440, %get3A_441, %get3A_442] {strides = array<i32>} : memref<2x4x8192xf32, #tpu.memory_space<vmem>>, vector<16xf32>,
      %mul3A_444 = arith.constant 64 : i32
      %mul3A_445 = arith.muli %scan3A_383, %mul3A_444 : i32
      %add3A_446 = arith.constant 48 : i32
      %add3A_447 = arith.addi %mul3A_445, %add3A_446 : i32
      %get3A_448 = arith.index_cast %add3A_447 : i32 to index
      %get3A_449 = tpu.vector_load %arg5[%get3A_448] {strides = array<i32>} : memref<8192xf32, #tpu.memory_space<vmem>>, vector<16xf32>,
      %mul3A_450 = arith.mulf %get3A_443, %get3A_449 : vector<16xf32>
      %add3A_451 = arith.addf %add3A_433, %mul3A_450 : vector<16xf32>
      scf.yield %add3A_451 : vector<16xf32>
    }
    %scan3A_64 = arith.constant 128 : i32
    %swap3A_65 = arith.constant 1 : i32
    %swap3A_66 = arith.index_cast %swap3A_65 : i32 to index
    %swap3A_67 = arith.constant 0 : index
    %swap3A_68 = tpu.vector_load %arg7[%swap3A_66, %swap3A_67] {strides = array<i32>} : memref<16x16xf32, #tpu.memory_space<vmem>>, vector<16xf32>,
    tpu.vector_store %arg7[%swap3A_66, %swap3A_67], %scan3A_63 {strides = array<i32>} : memref<16x16xf32, #tpu.memory_space<vmem>>, vector<16xf32>,
    %broadcast_in_dim3A_69 = arith.constant 0.000000e+00 : f32
    %broadcast_in_dim3A_70 = vector.broadcast %broadcast_in_dim3A_69 : f32 to vector<16xf32>
    %scan3A_71 = arith.constant 0 : i32
    %scan3A_72 = arith.constant 128 : i32
    %scan3A_73 = arith.addi %scan3A_71, %scan3A_72 : i32
    %scan3A_74 = arith.constant 1 : i32
    %scan3A_75 = scf.for %scan3A_383 = %scan3A_71 to %scan3A_73 step %scan3A_74 iter_args(%scan3A_384 = %broadcast_in_dim3A_70) -> (vector<16xf32>)  : i32 {
      %mul3A_385 = arith.constant 64 : i32
      %mul3A_386 = arith.muli %scan3A_383, %mul3A_385 : i32
      %get3A = arith.constant 0 : i32
      %get3A_387 = arith.constant 2 : i32
      %get3A_388 = arith.index_cast %get3A : i32 to index
      %get3A_389 = arith.index_cast %get3A_387 : i32 to index
      %get3A_390 = arith.index_cast %mul3A_386 : i32 to index
      %get3A_391 = tpu.vector_load %arg6[%get3A_388, %get3A_389, %get3A_390] {strides = array<i32>} : memref<2x4x8192xf32, #tpu.memory_space<vmem>>, vector<16xf32>,
      %mul3A_392 = arith.constant 64 : i32
      %mul3A_393 = arith.muli %scan3A_383, %mul3A_392 : i32
      %get3A_394 = arith.index_cast %mul3A_393 : i32 to index
      %get3A_395 = tpu.vector_load %arg5[%get3A_394] {strides = array<i32>} : memref<8192xf32, #tpu.memory_space<vmem>>, vector<16xf32>,
      %mul3A_396 = arith.mulf %get3A_391, %get3A_395 : vector<16xf32>
      %add3A_397 = arith.addf %scan3A_384, %mul3A_396 : vector<16xf32>
      %mul3A_398 = arith.constant 64 : i32
      %mul3A_399 = arith.muli %scan3A_383, %mul3A_398 : i32
      %add3A_400 = arith.constant 16 : i32
      %add3A_401 = arith.addi %mul3A_399, %add3A_400 : i32
      %get3A_402 = arith.constant 0 : i32
      %get3A_403 = arith.constant 2 : i32
      %get3A_404 = arith.index_cast %get3A_402 : i32 to index
      %get3A_405 = arith.index_cast %get3A_403 : i32 to index
      %get3A_406 = arith.index_cast %add3A_401 : i32 to index
      %get3A_407 = tpu.vector_load %arg6[%get3A_404, %get3A_405, %get3A_406] {strides = array<i32>} : memref<2x4x8192xf32, #tpu.memory_space<vmem>>, vector<16xf32>,
      %mul3A_408 = arith.constant 64 : i32
      %mul3A_409 = arith.muli %scan3A_383, %mul3A_408 : i32
      %add3A_410 = arith.constant 16 : i32
      %add3A_411 = arith.addi %mul3A_409, %add3A_410 : i32
      %get3A_412 = arith.index_cast %add3A_411 : i32 to index
      %get3A_413 = tpu.vector_load %arg5[%get3A_412] {strides = array<i32>} : memref<8192xf32, #tpu.memory_space<vmem>>, vector<16xf32>,
      %mul3A_414 = arith.mulf %get3A_407, %get3A_413 : vector<16xf32>
      %add3A_415 = arith.addf %add3A_397, %mul3A_414 : vector<16xf32>
      %mul3A_416 = arith.constant 64 : i32
      %mul3A_417 = arith.muli %scan3A_383, %mul3A_416 : i32
      %add3A_418 = arith.constant 32 : i32
      %add3A_419 = arith.addi %mul3A_417, %add3A_418 : i32
      %get3A_420 = arith.constant 0 : i32
      %get3A_421 = arith.constant 2 : i32
      %get3A_422 = arith.index_cast %get3A_420 : i32 to index
      %get3A_423 = arith.index_cast %get3A_421 : i32 to index
      %get3A_424 = arith.index_cast %add3A_419 : i32 to index
      %get3A_425 = tpu.vector_load %arg6[%get3A_422, %get3A_423, %get3A_424] {strides = array<i32>} : memref<2x4x8192xf32, #tpu.memory_space<vmem>>, vector<16xf32>,
      %mul3A_426 = arith.constant 64 : i32
      %mul3A_427 = arith.muli %scan3A_383, %mul3A_426 : i32
      %add3A_428 = arith.constant 32 : i32
      %add3A_429 = arith.addi %mul3A_427, %add3A_428 : i32
      %get3A_430 = arith.index_cast %add3A_429 : i32 to index
      %get3A_431 = tpu.vector_load %arg5[%get3A_430] {strides = array<i32>} : memref<8192xf32, #tpu.memory_space<vmem>>, vector<16xf32>,
      %mul3A_432 = arith.mulf %get3A_425, %get3A_431 : vector<16xf32>
      %add3A_433 = arith.addf %add3A_415, %mul3A_432 : vector<16xf32>
      %mul3A_434 = arith.constant 64 : i32
      %mul3A_435 = arith.muli %scan3A_383, %mul3A_434 : i32
      %add3A_436 = arith.constant 48 : i32
      %add3A_437 = arith.addi %mul3A_435, %add3A_436 : i32
      %get3A_438 = arith.constant 0 : i32
      %get3A_439 = arith.constant 2 : i32
      %get3A_440 = arith.index_cast %get3A_438 : i32 to index
      %get3A_441 = arith.index_cast %get3A_439 : i32 to index
      %get3A_442 = arith.index_cast %add3A_437 : i32 to index
      %get3A_443 = tpu.vector_load %arg6[%get3A_440, %get3A_441, %get3A_442] {strides = array<i32>} : memref<2x4x8192xf32, #tpu.memory_space<vmem>>, vector<16xf32>,
      %mul3A_444 = arith.constant 64 : i32
      %mul3A_445 = arith.muli %scan3A_383, %mul3A_444 : i32
      %add3A_446 = arith.constant 48 : i32
      %add3A_447 = arith.addi %mul3A_445, %add3A_446 : i32
      %get3A_448 = arith.index_cast %add3A_447 : i32 to index
      %get3A_449 = tpu.vector_load %arg5[%get3A_448] {strides = array<i32>} : memref<8192xf32, #tpu.memory_space<vmem>>, vector<16xf32>,
      %mul3A_450 = arith.mulf %get3A_443, %get3A_449 : vector<16xf32>
      %add3A_451 = arith.addf %add3A_433, %mul3A_450 : vector<16xf32>
      scf.yield %add3A_451 : vector<16xf32>
    }
    %scan3A_76 = arith.constant 128 : i32
    %swap3A_77 = arith.constant 2 : i32
    %swap3A_78 = arith.index_cast %swap3A_77 : i32 to index
    %swap3A_79 = arith.constant 0 : index
    %swap3A_80 = tpu.vector_load %arg7[%swap3A_78, %swap3A_79] {strides = array<i32>} : memref<16x16xf32, #tpu.memory_space<vmem>>, vector<16xf32>,
    tpu.vector_store %arg7[%swap3A_78, %swap3A_79], %scan3A_75 {strides = array<i32>} : memref<16x16xf32, #tpu.memory_space<vmem>>, vector<16xf32>,
    %broadcast_in_dim3A_81 = arith.constant 0.000000e+00 : f32
    %broadcast_in_dim3A_82 = vector.broadcast %broadcast_in_dim3A_81 : f32 to vector<16xf32>
    %scan3A_83 = arith.constant 0 : i32
    %scan3A_84 = arith.constant 128 : i32
    %scan3A_85 = arith.addi %scan3A_83, %scan3A_84 : i32
    %scan3A_86 = arith.constant 1 : i32
    %scan3A_87 = scf.for %scan3A_383 = %scan3A_83 to %scan3A_85 step %scan3A_86 iter_args(%scan3A_384 = %broadcast_in_dim3A_82) -> (vector<16xf32>)  : i32 {
      %mul3A_385 = arith.constant 64 : i32
      %mul3A_386 = arith.muli %scan3A_383, %mul3A_385 : i32
      %get3A = arith.constant 0 : i32
      %get3A_387 = arith.constant 3 : i32
      %get3A_388 = arith.index_cast %get3A : i32 to index
      %get3A_389 = arith.index_cast %get3A_387 : i32 to index
      %get3A_390 = arith.index_cast %mul3A_386 : i32 to index
      %get3A_391 = tpu.vector_load %arg6[%get3A_388, %get3A_389, %get3A_390] {strides = array<i32>} : memref<2x4x8192xf32, #tpu.memory_space<vmem>>, vector<16xf32>,
      %mul3A_392 = arith.constant 64 : i32
      %mul3A_393 = arith.muli %scan3A_383, %mul3A_392 : i32
      %get3A_394 = arith.index_cast %mul3A_393 : i32 to index
      %get3A_395 = tpu.vector_load %arg5[%get3A_394] {strides = array<i32>} : memref<8192xf32, #tpu.memory_space<vmem>>, vector<16xf32>,
      %mul3A_396 = arith.mulf %get3A_391, %get3A_395 : vector<16xf32>
      %add3A_397 = arith.addf %scan3A_384, %mul3A_396 : vector<16xf32>
      %mul3A_398 = arith.constant 64 : i32
      %mul3A_399 = arith.muli %scan3A_383, %mul3A_398 : i32
      %add3A_400 = arith.constant 16 : i32
      %add3A_401 = arith.addi %mul3A_399, %add3A_400 : i32
      %get3A_402 = arith.constant 0 : i32
      %get3A_403 = arith.constant 3 : i32
      %get3A_404 = arith.index_cast %get3A_402 : i32 to index
      %get3A_405 = arith.index_cast %get3A_403 : i32 to index
      %get3A_406 = arith.index_cast %add3A_401 : i32 to index
      %get3A_407 = tpu.vector_load %arg6[%get3A_404, %get3A_405, %get3A_406] {strides = array<i32>} : memref<2x4x8192xf32, #tpu.memory_space<vmem>>, vector<16xf32>,
      %mul3A_408 = arith.constant 64 : i32
      %mul3A_409 = arith.muli %scan3A_383, %mul3A_408 : i32
      %add3A_410 = arith.constant 16 : i32
      %add3A_411 = arith.addi %mul3A_409, %add3A_410 : i32
      %get3A_412 = arith.index_cast %add3A_411 : i32 to index
      %get3A_413 = tpu.vector_load %arg5[%get3A_412] {strides = array<i32>} : memref<8192xf32, #tpu.memory_space<vmem>>, vector<16xf32>,
      %mul3A_414 = arith.mulf %get3A_407, %get3A_413 : vector<16xf32>
      %add3A_415 = arith.addf %add3A_397, %mul3A_414 : vector<16xf32>
      %mul3A_416 = arith.constant 64 : i32
      %mul3A_417 = arith.muli %scan3A_383, %mul3A_416 : i32
      %add3A_418 = arith.constant 32 : i32
      %add3A_419 = arith.addi %mul3A_417, %add3A_418 : i32
      %get3A_420 = arith.constant 0 : i32
      %get3A_421 = arith.constant 3 : i32
      %get3A_422 = arith.index_cast %get3A_420 : i32 to index
      %get3A_423 = arith.index_cast %get3A_421 : i32 to index
      %get3A_424 = arith.index_cast %add3A_419 : i32 to index
      %get3A_425 = tpu.vector_load %arg6[%get3A_422, %get3A_423, %get3A_424] {strides = array<i32>} : memref<2x4x8192xf32, #tpu.memory_space<vmem>>, vector<16xf32>,
      %mul3A_426 = arith.constant 64 : i32
      %mul3A_427 = arith.muli %scan3A_383, %mul3A_426 : i32
      %add3A_428 = arith.constant 32 : i32
      %add3A_429 = arith.addi %mul3A_427, %add3A_428 : i32
      %get3A_430 = arith.index_cast %add3A_429 : i32 to index
      %get3A_431 = tpu.vector_load %arg5[%get3A_430] {strides = array<i32>} : memref<8192xf32, #tpu.memory_space<vmem>>, vector<16xf32>,
      %mul3A_432 = arith.mulf %get3A_425, %get3A_431 : vector<16xf32>
      %add3A_433 = arith.addf %add3A_415, %mul3A_432 : vector<16xf32>
      %mul3A_434 = arith.constant 64 : i32
      %mul3A_435 = arith.muli %scan3A_383, %mul3A_434 : i32
      %add3A_436 = arith.constant 48 : i32
      %add3A_437 = arith.addi %mul3A_435, %add3A_436 : i32
      %get3A_438 = arith.constant 0 : i32
      %get3A_439 = arith.constant 3 : i32
      %get3A_440 = arith.index_cast %get3A_438 : i32 to index
      %get3A_441 = arith.index_cast %get3A_439 : i32 to index
      %get3A_442 = arith.index_cast %add3A_437 : i32 to index
      %get3A_443 = tpu.vector_load %arg6[%get3A_440, %get3A_441, %get3A_442] {strides = array<i32>} : memref<2x4x8192xf32, #tpu.memory_space<vmem>>, vector<16xf32>,
      %mul3A_444 = arith.constant 64 : i32
      %mul3A_445 = arith.muli %scan3A_383, %mul3A_444 : i32
      %add3A_446 = arith.constant 48 : i32
      %add3A_447 = arith.addi %mul3A_445, %add3A_446 : i32
      %get3A_448 = arith.index_cast %add3A_447 : i32 to index
      %get3A_449 = tpu.vector_load %arg5[%get3A_448] {strides = array<i32>} : memref<8192xf32, #tpu.memory_space<vmem>>, vector<16xf32>,
      %mul3A_450 = arith.mulf %get3A_443, %get3A_449 : vector<16xf32>
      %add3A_451 = arith.addf %add3A_433, %mul3A_450 : vector<16xf32>
      scf.yield %add3A_451 : vector<16xf32>
    }
    %scan3A_88 = arith.constant 128 : i32
    %swap3A_89 = arith.constant 3 : i32
    %swap3A_90 = arith.index_cast %swap3A_89 : i32 to index
    %swap3A_91 = arith.constant 0 : index
    %swap3A_92 = tpu.vector_load %arg7[%swap3A_90, %swap3A_91] {strides = array<i32>} : memref<16x16xf32, #tpu.memory_space<vmem>>, vector<16xf32>,
    tpu.vector_store %arg7[%swap3A_90, %swap3A_91], %scan3A_87 {strides = array<i32>} : memref<16x16xf32, #tpu.memory_space<vmem>>, vector<16xf32>,
    %add3A_93 = arith.constant 8 : i32
    %add3A_94 = arith.addi %add3A_4, %add3A_93 : i32
    %dma_start3A_95 = arith.constant 0 : i32
    %dma_start3A_96 = arith.constant 0 : i32
    %dma_start3A_97 = arith.constant 0 : i32
    %dma_start3A_98 = tpu.memref_slice %arg6[%dma_start3A_95, %dma_start3A_96, %dma_start3A_97] : memref<2x4x8192xf32, #tpu.memory_space<vmem>> -> memref<1x4x8192xf32, #tpu.memory_space<vmem>>
    %dma_start3A_99 = tpu.memref_squeeze %dma_start3A_98 : memref<1x4x8192xf32, #tpu.memory_space<vmem>> -> memref<4x8192xf32, #tpu.memory_space<vmem>>
    %dma_start3A_100 = arith.constant 0 : i32
    %dma_start3A_101 = tpu.memref_slice %arg2[%add3A_94, %dma_start3A_100] : memref<4096x8192xf32, #tpu.memory_space<hbm>> -> memref<4x8192xf32, #tpu.memory_space<hbm>>
    %dma_start3A_102 = arith.constant 0 : i32
    %dma_start3A_103 = arith.constant 0 : i32
    %dma_start3A_104 = tpu.memref_slice %arg6[%dma_start3A_95, %dma_start3A_102, %dma_start3A_103] : memref<2x4x8192xf32, #tpu.memory_space<vmem>> -> memref<1x4x8192xf32, #tpu.memory_space<vmem>>
    %dma_start3A_105 = tpu.memref_squeeze %dma_start3A_104 : memref<1x4x8192xf32, #tpu.memory_space<vmem>> -> memref<4x8192xf32, #tpu.memory_space<vmem>>
    %dma_start3A_106 = arith.constant 0 : i32
    %dma_start3A_107 = tpu.memref_slice %arg2[%add3A_94, %dma_start3A_106] : memref<4096x8192xf32, #tpu.memory_space<hbm>> -> memref<4x8192xf32, #tpu.memory_space<hbm>>
    tpu.enqueue_dma source(%dma_start3A_107 : memref<4x8192xf32, #tpu.memory_space<hbm>>) target(%dma_start3A_105 : memref<4x8192xf32, #tpu.memory_space<vmem>>) target_semaphore(%arg9 : memref<!tpu.dma_semaphore, #tpu.memory_space<semaphore_mem>>)
    %add3A_108 = arith.constant 4 : i32
    %add3A_109 = arith.addi %add3A_4, %add3A_108 : i32
    %dma_wait3A_110 = arith.constant 1 : i32
    %dma_wait3A_111 = arith.constant 0 : i32
    %dma_wait3A_112 = arith.constant 0 : i32
    %dma_wait3A_113 = tpu.memref_slice %arg6[%dma_wait3A_110, %dma_wait3A_111, %dma_wait3A_112] : memref<2x4x8192xf32, #tpu.memory_space<vmem>> -> memref<1x4x8192xf32, #tpu.memory_space<vmem>>
    %dma_wait3A_114 = tpu.memref_squeeze %dma_wait3A_113 : memref<1x4x8192xf32, #tpu.memory_space<vmem>> -> memref<4x8192xf32, #tpu.memory_space<vmem>>
    %dma_wait3A_115 = arith.constant 0 : i32
    %dma_wait3A_116 = tpu.memref_slice %arg2[%add3A_109, %dma_wait3A_115] : memref<4096x8192xf32, #tpu.memory_space<hbm>> -> memref<4x8192xf32, #tpu.memory_space<hbm>>
    %dma_wait3A_117 = arith.constant 0 : i32
    %dma_wait3A_118 = arith.constant 0 : i32
    %dma_wait3A_119 = tpu.memref_slice %arg6[%dma_wait3A_110, %dma_wait3A_117, %dma_wait3A_118] : memref<2x4x8192xf32, #tpu.memory_space<vmem>> -> memref<1x4x8192xf32, #tpu.memory_space<vmem>>
    %dma_wait3A_120 = tpu.memref_squeeze %dma_wait3A_119 : memref<1x4x8192xf32, #tpu.memory_space<vmem>> -> memref<4x8192xf32, #tpu.memory_space<vmem>>
    %dma_wait3A_121 = arith.constant 0 : i32
    %dma_wait3A_122 = tpu.memref_slice %arg2[%add3A_109, %dma_wait3A_121] : memref<4096x8192xf32, #tpu.memory_space<hbm>> -> memref<4x8192xf32, #tpu.memory_space<hbm>>
    tpu.wait_dma2 semaphore(%arg10 : memref<!tpu.dma_semaphore, #tpu.memory_space<semaphore_mem>>) src(%dma_wait3A_122 : memref<4x8192xf32, #tpu.memory_space<hbm>>) dst(%dma_wait3A_120 : memref<4x8192xf32, #tpu.memory_space<vmem>>)
    %broadcast_in_dim3A_123 = arith.constant 0.000000e+00 : f32
    %broadcast_in_dim3A_124 = vector.broadcast %broadcast_in_dim3A_123 : f32 to vector<16xf32>
    %scan3A_125 = arith.constant 0 : i32
    %scan3A_126 = arith.constant 128 : i32
    %scan3A_127 = arith.addi %scan3A_125, %scan3A_126 : i32
    %scan3A_128 = arith.constant 1 : i32
    %scan3A_129 = scf.for %scan3A_383 = %scan3A_125 to %scan3A_127 step %scan3A_128 iter_args(%scan3A_384 = %broadcast_in_dim3A_124) -> (vector<16xf32>)  : i32 {
      %mul3A_385 = arith.constant 64 : i32
      %mul3A_386 = arith.muli %scan3A_383, %mul3A_385 : i32
      %get3A = arith.constant 1 : i32
      %get3A_387 = arith.constant 0 : i32
      %get3A_388 = arith.index_cast %get3A : i32 to index
      %get3A_389 = arith.index_cast %get3A_387 : i32 to index
      %get3A_390 = arith.index_cast %mul3A_386 : i32 to index
      %get3A_391 = tpu.vector_load %arg6[%get3A_388, %get3A_389, %get3A_390] {strides = array<i32>} : memref<2x4x8192xf32, #tpu.memory_space<vmem>>, vector<16xf32>,
      %mul3A_392 = arith.constant 64 : i32
      %mul3A_393 = arith.muli %scan3A_383, %mul3A_392 : i32
      %get3A_394 = arith.index_cast %mul3A_393 : i32 to index
      %get3A_395 = tpu.vector_load %arg5[%get3A_394] {strides = array<i32>} : memref<8192xf32, #tpu.memory_space<vmem>>, vector<16xf32>,
      %mul3A_396 = arith.mulf %get3A_391, %get3A_395 : vector<16xf32>
      %add3A_397 = arith.addf %scan3A_384, %mul3A_396 : vector<16xf32>
      %mul3A_398 = arith.constant 64 : i32
      %mul3A_399 = arith.muli %scan3A_383, %mul3A_398 : i32
      %add3A_400 = arith.constant 16 : i32
      %add3A_401 = arith.addi %mul3A_399, %add3A_400 : i32
      %get3A_402 = arith.constant 1 : i32
      %get3A_403 = arith.constant 0 : i32
      %get3A_404 = arith.index_cast %get3A_402 : i32 to index
      %get3A_405 = arith.index_cast %get3A_403 : i32 to index
      %get3A_406 = arith.index_cast %add3A_401 : i32 to index
      %get3A_407 = tpu.vector_load %arg6[%get3A_404, %get3A_405, %get3A_406] {strides = array<i32>} : memref<2x4x8192xf32, #tpu.memory_space<vmem>>, vector<16xf32>,
      %mul3A_408 = arith.constant 64 : i32
      %mul3A_409 = arith.muli %scan3A_383, %mul3A_408 : i32
      %add3A_410 = arith.constant 16 : i32
      %add3A_411 = arith.addi %mul3A_409, %add3A_410 : i32
      %get3A_412 = arith.index_cast %add3A_411 : i32 to index
      %get3A_413 = tpu.vector_load %arg5[%get3A_412] {strides = array<i32>} : memref<8192xf32, #tpu.memory_space<vmem>>, vector<16xf32>,
      %mul3A_414 = arith.mulf %get3A_407, %get3A_413 : vector<16xf32>
      %add3A_415 = arith.addf %add3A_397, %mul3A_414 : vector<16xf32>
      %mul3A_416 = arith.constant 64 : i32
      %mul3A_417 = arith.muli %scan3A_383, %mul3A_416 : i32
      %add3A_418 = arith.constant 32 : i32
      %add3A_419 = arith.addi %mul3A_417, %add3A_418 : i32
      %get3A_420 = arith.constant 1 : i32
      %get3A_421 = arith.constant 0 : i32
      %get3A_422 = arith.index_cast %get3A_420 : i32 to index
      %get3A_423 = arith.index_cast %get3A_421 : i32 to index
      %get3A_424 = arith.index_cast %add3A_419 : i32 to index
      %get3A_425 = tpu.vector_load %arg6[%get3A_422, %get3A_423, %get3A_424] {strides = array<i32>} : memref<2x4x8192xf32, #tpu.memory_space<vmem>>, vector<16xf32>,
      %mul3A_426 = arith.constant 64 : i32
      %mul3A_427 = arith.muli %scan3A_383, %mul3A_426 : i32
      %add3A_428 = arith.constant 32 : i32
      %add3A_429 = arith.addi %mul3A_427, %add3A_428 : i32
      %get3A_430 = arith.index_cast %add3A_429 : i32 to index
      %get3A_431 = tpu.vector_load %arg5[%get3A_430] {strides = array<i32>} : memref<8192xf32, #tpu.memory_space<vmem>>, vector<16xf32>,
      %mul3A_432 = arith.mulf %get3A_425, %get3A_431 : vector<16xf32>
      %add3A_433 = arith.addf %add3A_415, %mul3A_432 : vector<16xf32>
      %mul3A_434 = arith.constant 64 : i32
      %mul3A_435 = arith.muli %scan3A_383, %mul3A_434 : i32
      %add3A_436 = arith.constant 48 : i32
      %add3A_437 = arith.addi %mul3A_435, %add3A_436 : i32
      %get3A_438 = arith.constant 1 : i32
      %get3A_439 = arith.constant 0 : i32
      %get3A_440 = arith.index_cast %get3A_438 : i32 to index
      %get3A_441 = arith.index_cast %get3A_439 : i32 to index
      %get3A_442 = arith.index_cast %add3A_437 : i32 to index
      %get3A_443 = tpu.vector_load %arg6[%get3A_440, %get3A_441, %get3A_442] {strides = array<i32>} : memref<2x4x8192xf32, #tpu.memory_space<vmem>>, vector<16xf32>,
      %mul3A_444 = arith.constant 64 : i32
      %mul3A_445 = arith.muli %scan3A_383, %mul3A_444 : i32
      %add3A_446 = arith.constant 48 : i32
      %add3A_447 = arith.addi %mul3A_445, %add3A_446 : i32
      %get3A_448 = arith.index_cast %add3A_447 : i32 to index
      %get3A_449 = tpu.vector_load %arg5[%get3A_448] {strides = array<i32>} : memref<8192xf32, #tpu.memory_space<vmem>>, vector<16xf32>,
      %mul3A_450 = arith.mulf %get3A_443, %get3A_449 : vector<16xf32>
      %add3A_451 = arith.addf %add3A_433, %mul3A_450 : vector<16xf32>
      scf.yield %add3A_451 : vector<16xf32>
    }
    %scan3A_130 = arith.constant 128 : i32
    %swap3A_131 = arith.constant 4 : i32
    %swap3A_132 = arith.index_cast %swap3A_131 : i32 to index
    %swap3A_133 = arith.constant 0 : index
    %swap3A_134 = tpu.vector_load %arg7[%swap3A_132, %swap3A_133] {strides = array<i32>} : memref<16x16xf32, #tpu.memory_space<vmem>>, vector<16xf32>,
    tpu.vector_store %arg7[%swap3A_132, %swap3A_133], %scan3A_129 {strides = array<i32>} : memref<16x16xf32, #tpu.memory_space<vmem>>, vector<16xf32>,
    %broadcast_in_dim3A_135 = arith.constant 0.000000e+00 : f32
    %broadcast_in_dim3A_136 = vector.broadcast %broadcast_in_dim3A_135 : f32 to vector<16xf32>
    %scan3A_137 = arith.constant 0 : i32
    %scan3A_138 = arith.constant 128 : i32
    %scan3A_139 = arith.addi %scan3A_137, %scan3A_138 : i32
    %scan3A_140 = arith.constant 1 : i32
    %scan3A_141 = scf.for %scan3A_383 = %scan3A_137 to %scan3A_139 step %scan3A_140 iter_args(%scan3A_384 = %broadcast_in_dim3A_136) -> (vector<16xf32>)  : i32 {
      %mul3A_385 = arith.constant 64 : i32
      %mul3A_386 = arith.muli %scan3A_383, %mul3A_385 : i32
      %get3A = arith.constant 1 : i32
      %get3A_387 = arith.constant 1 : i32
      %get3A_388 = arith.index_cast %get3A : i32 to index
      %get3A_389 = arith.index_cast %get3A_387 : i32 to index
      %get3A_390 = arith.index_cast %mul3A_386 : i32 to index
      %get3A_391 = tpu.vector_load %arg6[%get3A_388, %get3A_389, %get3A_390] {strides = array<i32>} : memref<2x4x8192xf32, #tpu.memory_space<vmem>>, vector<16xf32>,
      %mul3A_392 = arith.constant 64 : i32
      %mul3A_393 = arith.muli %scan3A_383, %mul3A_392 : i32
      %get3A_394 = arith.index_cast %mul3A_393 : i32 to index
      %get3A_395 = tpu.vector_load %arg5[%get3A_394] {strides = array<i32>} : memref<8192xf32, #tpu.memory_space<vmem>>, vector<16xf32>,
      %mul3A_396 = arith.mulf %get3A_391, %get3A_395 : vector<16xf32>
      %add3A_397 = arith.addf %scan3A_384, %mul3A_396 : vector<16xf32>
      %mul3A_398 = arith.constant 64 : i32
      %mul3A_399 = arith.muli %scan3A_383, %mul3A_398 : i32
      %add3A_400 = arith.constant 16 : i32
      %add3A_401 = arith.addi %mul3A_399, %add3A_400 : i32
      %get3A_402 = arith.constant 1 : i32
      %get3A_403 = arith.constant 1 : i32
      %get3A_404 = arith.index_cast %get3A_402 : i32 to index
      %get3A_405 = arith.index_cast %get3A_403 : i32 to index
      %get3A_406 = arith.index_cast %add3A_401 : i32 to index
      %get3A_407 = tpu.vector_load %arg6[%get3A_404, %get3A_405, %get3A_406] {strides = array<i32>} : memref<2x4x8192xf32, #tpu.memory_space<vmem>>, vector<16xf32>,
      %mul3A_408 = arith.constant 64 : i32
      %mul3A_409 = arith.muli %scan3A_383, %mul3A_408 : i32
      %add3A_410 = arith.constant 16 : i32
      %add3A_411 = arith.addi %mul3A_409, %add3A_410 : i32
      %get3A_412 = arith.index_cast %add3A_411 : i32 to index
      %get3A_413 = tpu.vector_load %arg5[%get3A_412] {strides = array<i32>} : memref<8192xf32, #tpu.memory_space<vmem>>, vector<16xf32>,
      %mul3A_414 = arith.mulf %get3A_407, %get3A_413 : vector<16xf32>
      %add3A_415 = arith.addf %add3A_397, %mul3A_414 : vector<16xf32>
      %mul3A_416 = arith.constant 64 : i32
      %mul3A_417 = arith.muli %scan3A_383, %mul3A_416 : i32
      %add3A_418 = arith.constant 32 : i32
      %add3A_419 = arith.addi %mul3A_417, %add3A_418 : i32
      %get3A_420 = arith.constant 1 : i32
      %get3A_421 = arith.constant 1 : i32
      %get3A_422 = arith.index_cast %get3A_420 : i32 to index
      %get3A_423 = arith.index_cast %get3A_421 : i32 to index
      %get3A_424 = arith.index_cast %add3A_419 : i32 to index
      %get3A_425 = tpu.vector_load %arg6[%get3A_422, %get3A_423, %get3A_424] {strides = array<i32>} : memref<2x4x8192xf32, #tpu.memory_space<vmem>>, vector<16xf32>,
      %mul3A_426 = arith.constant 64 : i32
      %mul3A_427 = arith.muli %scan3A_383, %mul3A_426 : i32
      %add3A_428 = arith.constant 32 : i32
      %add3A_429 = arith.addi %mul3A_427, %add3A_428 : i32
      %get3A_430 = arith.index_cast %add3A_429 : i32 to index
      %get3A_431 = tpu.vector_load %arg5[%get3A_430] {strides = array<i32>} : memref<8192xf32, #tpu.memory_space<vmem>>, vector<16xf32>,
      %mul3A_432 = arith.mulf %get3A_425, %get3A_431 : vector<16xf32>
      %add3A_433 = arith.addf %add3A_415, %mul3A_432 : vector<16xf32>
      %mul3A_434 = arith.constant 64 : i32
      %mul3A_435 = arith.muli %scan3A_383, %mul3A_434 : i32
      %add3A_436 = arith.constant 48 : i32
      %add3A_437 = arith.addi %mul3A_435, %add3A_436 : i32
      %get3A_438 = arith.constant 1 : i32
      %get3A_439 = arith.constant 1 : i32
      %get3A_440 = arith.index_cast %get3A_438 : i32 to index
      %get3A_441 = arith.index_cast %get3A_439 : i32 to index
      %get3A_442 = arith.index_cast %add3A_437 : i32 to index
      %get3A_443 = tpu.vector_load %arg6[%get3A_440, %get3A_441, %get3A_442] {strides = array<i32>} : memref<2x4x8192xf32, #tpu.memory_space<vmem>>, vector<16xf32>,
      %mul3A_444 = arith.constant 64 : i32
      %mul3A_445 = arith.muli %scan3A_383, %mul3A_444 : i32
      %add3A_446 = arith.constant 48 : i32
      %add3A_447 = arith.addi %mul3A_445, %add3A_446 : i32
      %get3A_448 = arith.index_cast %add3A_447 : i32 to index
      %get3A_449 = tpu.vector_load %arg5[%get3A_448] {strides = array<i32>} : memref<8192xf32, #tpu.memory_space<vmem>>, vector<16xf32>,
      %mul3A_450 = arith.mulf %get3A_443, %get3A_449 : vector<16xf32>
      %add3A_451 = arith.addf %add3A_433, %mul3A_450 : vector<16xf32>
      scf.yield %add3A_451 : vector<16xf32>
    }
    %scan3A_142 = arith.constant 128 : i32
    %swap3A_143 = arith.constant 5 : i32
    %swap3A_144 = arith.index_cast %swap3A_143 : i32 to index
    %swap3A_145 = arith.constant 0 : index
    %swap3A_146 = tpu.vector_load %arg7[%swap3A_144, %swap3A_145] {strides = array<i32>} : memref<16x16xf32, #tpu.memory_space<vmem>>, vector<16xf32>,
    tpu.vector_store %arg7[%swap3A_144, %swap3A_145], %scan3A_141 {strides = array<i32>} : memref<16x16xf32, #tpu.memory_space<vmem>>, vector<16xf32>,
    %broadcast_in_dim3A_147 = arith.constant 0.000000e+00 : f32
    %broadcast_in_dim3A_148 = vector.broadcast %broadcast_in_dim3A_147 : f32 to vector<16xf32>
    %scan3A_149 = arith.constant 0 : i32
    %scan3A_150 = arith.constant 128 : i32
    %scan3A_151 = arith.addi %scan3A_149, %scan3A_150 : i32
    %scan3A_152 = arith.constant 1 : i32
    %scan3A_153 = scf.for %scan3A_383 = %scan3A_149 to %scan3A_151 step %scan3A_152 iter_args(%scan3A_384 = %broadcast_in_dim3A_148) -> (vector<16xf32>)  : i32 {
      %mul3A_385 = arith.constant 64 : i32
      %mul3A_386 = arith.muli %scan3A_383, %mul3A_385 : i32
      %get3A = arith.constant 1 : i32
      %get3A_387 = arith.constant 2 : i32
      %get3A_388 = arith.index_cast %get3A : i32 to index
      %get3A_389 = arith.index_cast %get3A_387 : i32 to index
      %get3A_390 = arith.index_cast %mul3A_386 : i32 to index
      %get3A_391 = tpu.vector_load %arg6[%get3A_388, %get3A_389, %get3A_390] {strides = array<i32>} : memref<2x4x8192xf32, #tpu.memory_space<vmem>>, vector<16xf32>,
      %mul3A_392 = arith.constant 64 : i32
      %mul3A_393 = arith.muli %scan3A_383, %mul3A_392 : i32
      %get3A_394 = arith.index_cast %mul3A_393 : i32 to index
      %get3A_395 = tpu.vector_load %arg5[%get3A_394] {strides = array<i32>} : memref<8192xf32, #tpu.memory_space<vmem>>, vector<16xf32>,
      %mul3A_396 = arith.mulf %get3A_391, %get3A_395 : vector<16xf32>
      %add3A_397 = arith.addf %scan3A_384, %mul3A_396 : vector<16xf32>
      %mul3A_398 = arith.constant 64 : i32
      %mul3A_399 = arith.muli %scan3A_383, %mul3A_398 : i32
      %add3A_400 = arith.constant 16 : i32
      %add3A_401 = arith.addi %mul3A_399, %add3A_400 : i32
      %get3A_402 = arith.constant 1 : i32
      %get3A_403 = arith.constant 2 : i32
      %get3A_404 = arith.index_cast %get3A_402 : i32 to index
      %get3A_405 = arith.index_cast %get3A_403 : i32 to index
      %get3A_406 = arith.index_cast %add3A_401 : i32 to index
      %get3A_407 = tpu.vector_load %arg6[%get3A_404, %get3A_405, %get3A_406] {strides = array<i32>} : memref<2x4x8192xf32, #tpu.memory_space<vmem>>, vector<16xf32>,
      %mul3A_408 = arith.constant 64 : i32
      %mul3A_409 = arith.muli %scan3A_383, %mul3A_408 : i32
      %add3A_410 = arith.constant 16 : i32
      %add3A_411 = arith.addi %mul3A_409, %add3A_410 : i32
      %get3A_412 = arith.index_cast %add3A_411 : i32 to index
      %get3A_413 = tpu.vector_load %arg5[%get3A_412] {strides = array<i32>} : memref<8192xf32, #tpu.memory_space<vmem>>, vector<16xf32>,
      %mul3A_414 = arith.mulf %get3A_407, %get3A_413 : vector<16xf32>
      %add3A_415 = arith.addf %add3A_397, %mul3A_414 : vector<16xf32>
      %mul3A_416 = arith.constant 64 : i32
      %mul3A_417 = arith.muli %scan3A_383, %mul3A_416 : i32
      %add3A_418 = arith.constant 32 : i32
      %add3A_419 = arith.addi %mul3A_417, %add3A_418 : i32
      %get3A_420 = arith.constant 1 : i32
      %get3A_421 = arith.constant 2 : i32
      %get3A_422 = arith.index_cast %get3A_420 : i32 to index
      %get3A_423 = arith.index_cast %get3A_421 : i32 to index
      %get3A_424 = arith.index_cast %add3A_419 : i32 to index
      %get3A_425 = tpu.vector_load %arg6[%get3A_422, %get3A_423, %get3A_424] {strides = array<i32>} : memref<2x4x8192xf32, #tpu.memory_space<vmem>>, vector<16xf32>,
      %mul3A_426 = arith.constant 64 : i32
      %mul3A_427 = arith.muli %scan3A_383, %mul3A_426 : i32
      %add3A_428 = arith.constant 32 : i32
      %add3A_429 = arith.addi %mul3A_427, %add3A_428 : i32
      %get3A_430 = arith.index_cast %add3A_429 : i32 to index
      %get3A_431 = tpu.vector_load %arg5[%get3A_430] {strides = array<i32>} : memref<8192xf32, #tpu.memory_space<vmem>>, vector<16xf32>,
      %mul3A_432 = arith.mulf %get3A_425, %get3A_431 : vector<16xf32>
      %add3A_433 = arith.addf %add3A_415, %mul3A_432 : vector<16xf32>
      %mul3A_434 = arith.constant 64 : i32
      %mul3A_435 = arith.muli %scan3A_383, %mul3A_434 : i32
      %add3A_436 = arith.constant 48 : i32
      %add3A_437 = arith.addi %mul3A_435, %add3A_436 : i32
      %get3A_438 = arith.constant 1 : i32
      %get3A_439 = arith.constant 2 : i32
      %get3A_440 = arith.index_cast %get3A_438 : i32 to index
      %get3A_441 = arith.index_cast %get3A_439 : i32 to index
      %get3A_442 = arith.index_cast %add3A_437 : i32 to index
      %get3A_443 = tpu.vector_load %arg6[%get3A_440, %get3A_441, %get3A_442] {strides = array<i32>} : memref<2x4x8192xf32, #tpu.memory_space<vmem>>, vector<16xf32>,
      %mul3A_444 = arith.constant 64 : i32
      %mul3A_445 = arith.muli %scan3A_383, %mul3A_444 : i32
      %add3A_446 = arith.constant 48 : i32
      %add3A_447 = arith.addi %mul3A_445, %add3A_446 : i32
      %get3A_448 = arith.index_cast %add3A_447 : i32 to index
      %get3A_449 = tpu.vector_load %arg5[%get3A_448] {strides = array<i32>} : memref<8192xf32, #tpu.memory_space<vmem>>, vector<16xf32>,
      %mul3A_450 = arith.mulf %get3A_443, %get3A_449 : vector<16xf32>
      %add3A_451 = arith.addf %add3A_433, %mul3A_450 : vector<16xf32>
      scf.yield %add3A_451 : vector<16xf32>
    }
    %scan3A_154 = arith.constant 128 : i32
    %swap3A_155 = arith.constant 6 : i32
    %swap3A_156 = arith.index_cast %swap3A_155 : i32 to index
    %swap3A_157 = arith.constant 0 : index
    %swap3A_158 = tpu.vector_load %arg7[%swap3A_156, %swap3A_157] {strides = array<i32>} : memref<16x16xf32, #tpu.memory_space<vmem>>, vector<16xf32>,
    tpu.vector_store %arg7[%swap3A_156, %swap3A_157], %scan3A_153 {strides = array<i32>} : memref<16x16xf32, #tpu.memory_space<vmem>>, vector<16xf32>,
    %broadcast_in_dim3A_159 = arith.constant 0.000000e+00 : f32
    %broadcast_in_dim3A_160 = vector.broadcast %broadcast_in_dim3A_159 : f32 to vector<16xf32>
    %scan3A_161 = arith.constant 0 : i32
    %scan3A_162 = arith.constant 128 : i32
    %scan3A_163 = arith.addi %scan3A_161, %scan3A_162 : i32
    %scan3A_164 = arith.constant 1 : i32
    %scan3A_165 = scf.for %scan3A_383 = %scan3A_161 to %scan3A_163 step %scan3A_164 iter_args(%scan3A_384 = %broadcast_in_dim3A_160) -> (vector<16xf32>)  : i32 {
      %mul3A_385 = arith.constant 64 : i32
      %mul3A_386 = arith.muli %scan3A_383, %mul3A_385 : i32
      %get3A = arith.constant 1 : i32
      %get3A_387 = arith.constant 3 : i32
      %get3A_388 = arith.index_cast %get3A : i32 to index
      %get3A_389 = arith.index_cast %get3A_387 : i32 to index
      %get3A_390 = arith.index_cast %mul3A_386 : i32 to index
      %get3A_391 = tpu.vector_load %arg6[%get3A_388, %get3A_389, %get3A_390] {strides = array<i32>} : memref<2x4x8192xf32, #tpu.memory_space<vmem>>, vector<16xf32>,
      %mul3A_392 = arith.constant 64 : i32
      %mul3A_393 = arith.muli %scan3A_383, %mul3A_392 : i32
      %get3A_394 = arith.index_cast %mul3A_393 : i32 to index
      %get3A_395 = tpu.vector_load %arg5[%get3A_394] {strides = array<i32>} : memref<8192xf32, #tpu.memory_space<vmem>>, vector<16xf32>,
      %mul3A_396 = arith.mulf %get3A_391, %get3A_395 : vector<16xf32>
      %add3A_397 = arith.addf %scan3A_384, %mul3A_396 : vector<16xf32>
      %mul3A_398 = arith.constant 64 : i32
      %mul3A_399 = arith.muli %scan3A_383, %mul3A_398 : i32
      %add3A_400 = arith.constant 16 : i32
      %add3A_401 = arith.addi %mul3A_399, %add3A_400 : i32
      %get3A_402 = arith.constant 1 : i32
      %get3A_403 = arith.constant 3 : i32
      %get3A_404 = arith.index_cast %get3A_402 : i32 to index
      %get3A_405 = arith.index_cast %get3A_403 : i32 to index
      %get3A_406 = arith.index_cast %add3A_401 : i32 to index
      %get3A_407 = tpu.vector_load %arg6[%get3A_404, %get3A_405, %get3A_406] {strides = array<i32>} : memref<2x4x8192xf32, #tpu.memory_space<vmem>>, vector<16xf32>,
      %mul3A_408 = arith.constant 64 : i32
      %mul3A_409 = arith.muli %scan3A_383, %mul3A_408 : i32
      %add3A_410 = arith.constant 16 : i32
      %add3A_411 = arith.addi %mul3A_409, %add3A_410 : i32
      %get3A_412 = arith.index_cast %add3A_411 : i32 to index
      %get3A_413 = tpu.vector_load %arg5[%get3A_412] {strides = array<i32>} : memref<8192xf32, #tpu.memory_space<vmem>>, vector<16xf32>,
      %mul3A_414 = arith.mulf %get3A_407, %get3A_413 : vector<16xf32>
      %add3A_415 = arith.addf %add3A_397, %mul3A_414 : vector<16xf32>
      %mul3A_416 = arith.constant 64 : i32
      %mul3A_417 = arith.muli %scan3A_383, %mul3A_416 : i32
      %add3A_418 = arith.constant 32 : i32
      %add3A_419 = arith.addi %mul3A_417, %add3A_418 : i32
      %get3A_420 = arith.constant 1 : i32
      %get3A_421 = arith.constant 3 : i32
      %get3A_422 = arith.index_cast %get3A_420 : i32 to index
      %get3A_423 = arith.index_cast %get3A_421 : i32 to index
      %get3A_424 = arith.index_cast %add3A_419 : i32 to index
      %get3A_425 = tpu.vector_load %arg6[%get3A_422, %get3A_423, %get3A_424] {strides = array<i32>} : memref<2x4x8192xf32, #tpu.memory_space<vmem>>, vector<16xf32>,
      %mul3A_426 = arith.constant 64 : i32
      %mul3A_427 = arith.muli %scan3A_383, %mul3A_426 : i32
      %add3A_428 = arith.constant 32 : i32
      %add3A_429 = arith.addi %mul3A_427, %add3A_428 : i32
      %get3A_430 = arith.index_cast %add3A_429 : i32 to index
      %get3A_431 = tpu.vector_load %arg5[%get3A_430] {strides = array<i32>} : memref<8192xf32, #tpu.memory_space<vmem>>, vector<16xf32>,
      %mul3A_432 = arith.mulf %get3A_425, %get3A_431 : vector<16xf32>
      %add3A_433 = arith.addf %add3A_415, %mul3A_432 : vector<16xf32>
      %mul3A_434 = arith.constant 64 : i32
      %mul3A_435 = arith.muli %scan3A_383, %mul3A_434 : i32
      %add3A_436 = arith.constant 48 : i32
      %add3A_437 = arith.addi %mul3A_435, %add3A_436 : i32
      %get3A_438 = arith.constant 1 : i32
      %get3A_439 = arith.constant 3 : i32
      %get3A_440 = arith.index_cast %get3A_438 : i32 to index
      %get3A_441 = arith.index_cast %get3A_439 : i32 to index
      %get3A_442 = arith.index_cast %add3A_437 : i32 to index
      %get3A_443 = tpu.vector_load %arg6[%get3A_440, %get3A_441, %get3A_442] {strides = array<i32>} : memref<2x4x8192xf32, #tpu.memory_space<vmem>>, vector<16xf32>,
      %mul3A_444 = arith.constant 64 : i32
      %mul3A_445 = arith.muli %scan3A_383, %mul3A_444 : i32
      %add3A_446 = arith.constant 48 : i32
      %add3A_447 = arith.addi %mul3A_445, %add3A_446 : i32
      %get3A_448 = arith.index_cast %add3A_447 : i32 to index
      %get3A_449 = tpu.vector_load %arg5[%get3A_448] {strides = array<i32>} : memref<8192xf32, #tpu.memory_space<vmem>>, vector<16xf32>,
      %mul3A_450 = arith.mulf %get3A_443, %get3A_449 : vector<16xf32>
      %add3A_451 = arith.addf %add3A_433, %mul3A_450 : vector<16xf32>
      scf.yield %add3A_451 : vector<16xf32>
    }
    %scan3A_166 = arith.constant 128 : i32
    %swap3A_167 = arith.constant 7 : i32
    %swap3A_168 = arith.index_cast %swap3A_167 : i32 to index
    %swap3A_169 = arith.constant 0 : index
    %swap3A_170 = tpu.vector_load %arg7[%swap3A_168, %swap3A_169] {strides = array<i32>} : memref<16x16xf32, #tpu.memory_space<vmem>>, vector<16xf32>,
    tpu.vector_store %arg7[%swap3A_168, %swap3A_169], %scan3A_165 {strides = array<i32>} : memref<16x16xf32, #tpu.memory_space<vmem>>, vector<16xf32>,
    %add3A_171 = arith.constant 12 : i32
    %add3A_172 = arith.addi %add3A_4, %add3A_171 : i32
    %dma_start3A_173 = arith.constant 1 : i32
    %dma_start3A_174 = arith.constant 0 : i32
    %dma_start3A_175 = arith.constant 0 : i32
    %dma_start3A_176 = tpu.memref_slice %arg6[%dma_start3A_173, %dma_start3A_174, %dma_start3A_175] : memref<2x4x8192xf32, #tpu.memory_space<vmem>> -> memref<1x4x8192xf32, #tpu.memory_space<vmem>>
    %dma_start3A_177 = tpu.memref_squeeze %dma_start3A_176 : memref<1x4x8192xf32, #tpu.memory_space<vmem>> -> memref<4x8192xf32, #tpu.memory_space<vmem>>
    %dma_start3A_178 = arith.constant 0 : i32
    %dma_start3A_179 = tpu.memref_slice %arg2[%add3A_172, %dma_start3A_178] : memref<4096x8192xf32, #tpu.memory_space<hbm>> -> memref<4x8192xf32, #tpu.memory_space<hbm>>
    %dma_start3A_180 = arith.constant 0 : i32
    %dma_start3A_181 = arith.constant 0 : i32
    %dma_start3A_182 = tpu.memref_slice %arg6[%dma_start3A_173, %dma_start3A_180, %dma_start3A_181] : memref<2x4x8192xf32, #tpu.memory_space<vmem>> -> memref<1x4x8192xf32, #tpu.memory_space<vmem>>
    %dma_start3A_183 = tpu.memref_squeeze %dma_start3A_182 : memref<1x4x8192xf32, #tpu.memory_space<vmem>> -> memref<4x8192xf32, #tpu.memory_space<vmem>>
    %dma_start3A_184 = arith.constant 0 : i32
    %dma_start3A_185 = tpu.memref_slice %arg2[%add3A_172, %dma_start3A_184] : memref<4096x8192xf32, #tpu.memory_space<hbm>> -> memref<4x8192xf32, #tpu.memory_space<hbm>>
    tpu.enqueue_dma source(%dma_start3A_185 : memref<4x8192xf32, #tpu.memory_space<hbm>>) target(%dma_start3A_183 : memref<4x8192xf32, #tpu.memory_space<vmem>>) target_semaphore(%arg10 : memref<!tpu.dma_semaphore, #tpu.memory_space<semaphore_mem>>)
    %add3A_186 = arith.constant 8 : i32
    %add3A_187 = arith.addi %add3A_4, %add3A_186 : i32
    %dma_wait3A_188 = arith.constant 0 : i32
    %dma_wait3A_189 = arith.constant 0 : i32
    %dma_wait3A_190 = arith.constant 0 : i32
    %dma_wait3A_191 = tpu.memref_slice %arg6[%dma_wait3A_188, %dma_wait3A_189, %dma_wait3A_190] : memref<2x4x8192xf32, #tpu.memory_space<vmem>> -> memref<1x4x8192xf32, #tpu.memory_space<vmem>>
    %dma_wait3A_192 = tpu.memref_squeeze %dma_wait3A_191 : memref<1x4x8192xf32, #tpu.memory_space<vmem>> -> memref<4x8192xf32, #tpu.memory_space<vmem>>
    %dma_wait3A_193 = arith.constant 0 : i32
    %dma_wait3A_194 = tpu.memref_slice %arg2[%add3A_187, %dma_wait3A_193] : memref<4096x8192xf32, #tpu.memory_space<hbm>> -> memref<4x8192xf32, #tpu.memory_space<hbm>>
    %dma_wait3A_195 = arith.constant 0 : i32
    %dma_wait3A_196 = arith.constant 0 : i32
    %dma_wait3A_197 = tpu.memref_slice %arg6[%dma_wait3A_188, %dma_wait3A_195, %dma_wait3A_196] : memref<2x4x8192xf32, #tpu.memory_space<vmem>> -> memref<1x4x8192xf32, #tpu.memory_space<vmem>>
    %dma_wait3A_198 = tpu.memref_squeeze %dma_wait3A_197 : memref<1x4x8192xf32, #tpu.memory_space<vmem>> -> memref<4x8192xf32, #tpu.memory_space<vmem>>
    %dma_wait3A_199 = arith.constant 0 : i32
    %dma_wait3A_200 = tpu.memref_slice %arg2[%add3A_187, %dma_wait3A_199] : memref<4096x8192xf32, #tpu.memory_space<hbm>> -> memref<4x8192xf32, #tpu.memory_space<hbm>>
    tpu.wait_dma2 semaphore(%arg9 : memref<!tpu.dma_semaphore, #tpu.memory_space<semaphore_mem>>) src(%dma_wait3A_200 : memref<4x8192xf32, #tpu.memory_space<hbm>>) dst(%dma_wait3A_198 : memref<4x8192xf32, #tpu.memory_space<vmem>>)
    %broadcast_in_dim3A_201 = arith.constant 0.000000e+00 : f32
    %broadcast_in_dim3A_202 = vector.broadcast %broadcast_in_dim3A_201 : f32 to vector<16xf32>
    %scan3A_203 = arith.constant 0 : i32
    %scan3A_204 = arith.constant 128 : i32
    %scan3A_205 = arith.addi %scan3A_203, %scan3A_204 : i32
    %scan3A_206 = arith.constant 1 : i32
    %scan3A_207 = scf.for %scan3A_383 = %scan3A_203 to %scan3A_205 step %scan3A_206 iter_args(%scan3A_384 = %broadcast_in_dim3A_202) -> (vector<16xf32>)  : i32 {
      %mul3A_385 = arith.constant 64 : i32
      %mul3A_386 = arith.muli %scan3A_383, %mul3A_385 : i32
      %get3A = arith.constant 0 : i32
      %get3A_387 = arith.constant 0 : i32
      %get3A_388 = arith.index_cast %get3A : i32 to index
      %get3A_389 = arith.index_cast %get3A_387 : i32 to index
      %get3A_390 = arith.index_cast %mul3A_386 : i32 to index
      %get3A_391 = tpu.vector_load %arg6[%get3A_388, %get3A_389, %get3A_390] {strides = array<i32>} : memref<2x4x8192xf32, #tpu.memory_space<vmem>>, vector<16xf32>,
      %mul3A_392 = arith.constant 64 : i32
      %mul3A_393 = arith.muli %scan3A_383, %mul3A_392 : i32
      %get3A_394 = arith.index_cast %mul3A_393 : i32 to index
      %get3A_395 = tpu.vector_load %arg5[%get3A_394] {strides = array<i32>} : memref<8192xf32, #tpu.memory_space<vmem>>, vector<16xf32>,
      %mul3A_396 = arith.mulf %get3A_391, %get3A_395 : vector<16xf32>
      %add3A_397 = arith.addf %scan3A_384, %mul3A_396 : vector<16xf32>
      %mul3A_398 = arith.constant 64 : i32
      %mul3A_399 = arith.muli %scan3A_383, %mul3A_398 : i32
      %add3A_400 = arith.constant 16 : i32
      %add3A_401 = arith.addi %mul3A_399, %add3A_400 : i32
      %get3A_402 = arith.constant 0 : i32
      %get3A_403 = arith.constant 0 : i32
      %get3A_404 = arith.index_cast %get3A_402 : i32 to index
      %get3A_405 = arith.index_cast %get3A_403 : i32 to index
      %get3A_406 = arith.index_cast %add3A_401 : i32 to index
      %get3A_407 = tpu.vector_load %arg6[%get3A_404, %get3A_405, %get3A_406] {strides = array<i32>} : memref<2x4x8192xf32, #tpu.memory_space<vmem>>, vector<16xf32>,
      %mul3A_408 = arith.constant 64 : i32
      %mul3A_409 = arith.muli %scan3A_383, %mul3A_408 : i32
      %add3A_410 = arith.constant 16 : i32
      %add3A_411 = arith.addi %mul3A_409, %add3A_410 : i32
      %get3A_412 = arith.index_cast %add3A_411 : i32 to index
      %get3A_413 = tpu.vector_load %arg5[%get3A_412] {strides = array<i32>} : memref<8192xf32, #tpu.memory_space<vmem>>, vector<16xf32>,
      %mul3A_414 = arith.mulf %get3A_407, %get3A_413 : vector<16xf32>
      %add3A_415 = arith.addf %add3A_397, %mul3A_414 : vector<16xf32>
      %mul3A_416 = arith.constant 64 : i32
      %mul3A_417 = arith.muli %scan3A_383, %mul3A_416 : i32
      %add3A_418 = arith.constant 32 : i32
      %add3A_419 = arith.addi %mul3A_417, %add3A_418 : i32
      %get3A_420 = arith.constant 0 : i32
      %get3A_421 = arith.constant 0 : i32
      %get3A_422 = arith.index_cast %get3A_420 : i32 to index
      %get3A_423 = arith.index_cast %get3A_421 : i32 to index
      %get3A_424 = arith.index_cast %add3A_419 : i32 to index
      %get3A_425 = tpu.vector_load %arg6[%get3A_422, %get3A_423, %get3A_424] {strides = array<i32>} : memref<2x4x8192xf32, #tpu.memory_space<vmem>>, vector<16xf32>,
      %mul3A_426 = arith.constant 64 : i32
      %mul3A_427 = arith.muli %scan3A_383, %mul3A_426 : i32
      %add3A_428 = arith.constant 32 : i32
      %add3A_429 = arith.addi %mul3A_427, %add3A_428 : i32
      %get3A_430 = arith.index_cast %add3A_429 : i32 to index
      %get3A_431 = tpu.vector_load %arg5[%get3A_430] {strides = array<i32>} : memref<8192xf32, #tpu.memory_space<vmem>>, vector<16xf32>,
      %mul3A_432 = arith.mulf %get3A_425, %get3A_431 : vector<16xf32>
      %add3A_433 = arith.addf %add3A_415, %mul3A_432 : vector<16xf32>
      %mul3A_434 = arith.constant 64 : i32
      %mul3A_435 = arith.muli %scan3A_383, %mul3A_434 : i32
      %add3A_436 = arith.constant 48 : i32
      %add3A_437 = arith.addi %mul3A_435, %add3A_436 : i32
      %get3A_438 = arith.constant 0 : i32
      %get3A_439 = arith.constant 0 : i32
      %get3A_440 = arith.index_cast %get3A_438 : i32 to index
      %get3A_441 = arith.index_cast %get3A_439 : i32 to index
      %get3A_442 = arith.index_cast %add3A_437 : i32 to index
      %get3A_443 = tpu.vector_load %arg6[%get3A_440, %get3A_441, %get3A_442] {strides = array<i32>} : memref<2x4x8192xf32, #tpu.memory_space<vmem>>, vector<16xf32>,
      %mul3A_444 = arith.constant 64 : i32
      %mul3A_445 = arith.muli %scan3A_383, %mul3A_444 : i32
      %add3A_446 = arith.constant 48 : i32
      %add3A_447 = arith.addi %mul3A_445, %add3A_446 : i32
      %get3A_448 = arith.index_cast %add3A_447 : i32 to index
      %get3A_449 = tpu.vector_load %arg5[%get3A_448] {strides = array<i32>} : memref<8192xf32, #tpu.memory_space<vmem>>, vector<16xf32>,
      %mul3A_450 = arith.mulf %get3A_443, %get3A_449 : vector<16xf32>
      %add3A_451 = arith.addf %add3A_433, %mul3A_450 : vector<16xf32>
      scf.yield %add3A_451 : vector<16xf32>
    }
    %scan3A_208 = arith.constant 128 : i32
    %swap3A_209 = arith.constant 8 : i32
    %swap3A_210 = arith.index_cast %swap3A_209 : i32 to index
    %swap3A_211 = arith.constant 0 : index
    %swap3A_212 = tpu.vector_load %arg7[%swap3A_210, %swap3A_211] {strides = array<i32>} : memref<16x16xf32, #tpu.memory_space<vmem>>, vector<16xf32>,
    tpu.vector_store %arg7[%swap3A_210, %swap3A_211], %scan3A_207 {strides = array<i32>} : memref<16x16xf32, #tpu.memory_space<vmem>>, vector<16xf32>,
    %broadcast_in_dim3A_213 = arith.constant 0.000000e+00 : f32
    %broadcast_in_dim3A_214 = vector.broadcast %broadcast_in_dim3A_213 : f32 to vector<16xf32>
    %scan3A_215 = arith.constant 0 : i32
    %scan3A_216 = arith.constant 128 : i32
    %scan3A_217 = arith.addi %scan3A_215, %scan3A_216 : i32
    %scan3A_218 = arith.constant 1 : i32
    %scan3A_219 = scf.for %scan3A_383 = %scan3A_215 to %scan3A_217 step %scan3A_218 iter_args(%scan3A_384 = %broadcast_in_dim3A_214) -> (vector<16xf32>)  : i32 {
      %mul3A_385 = arith.constant 64 : i32
      %mul3A_386 = arith.muli %scan3A_383, %mul3A_385 : i32
      %get3A = arith.constant 0 : i32
      %get3A_387 = arith.constant 1 : i32
      %get3A_388 = arith.index_cast %get3A : i32 to index
      %get3A_389 = arith.index_cast %get3A_387 : i32 to index
      %get3A_390 = arith.index_cast %mul3A_386 : i32 to index
      %get3A_391 = tpu.vector_load %arg6[%get3A_388, %get3A_389, %get3A_390] {strides = array<i32>} : memref<2x4x8192xf32, #tpu.memory_space<vmem>>, vector<16xf32>,
      %mul3A_392 = arith.constant 64 : i32
      %mul3A_393 = arith.muli %scan3A_383, %mul3A_392 : i32
      %get3A_394 = arith.index_cast %mul3A_393 : i32 to index
      %get3A_395 = tpu.vector_load %arg5[%get3A_394] {strides = array<i32>} : memref<8192xf32, #tpu.memory_space<vmem>>, vector<16xf32>,
      %mul3A_396 = arith.mulf %get3A_391, %get3A_395 : vector<16xf32>
      %add3A_397 = arith.addf %scan3A_384, %mul3A_396 : vector<16xf32>
      %mul3A_398 = arith.constant 64 : i32
      %mul3A_399 = arith.muli %scan3A_383, %mul3A_398 : i32
      %add3A_400 = arith.constant 16 : i32
      %add3A_401 = arith.addi %mul3A_399, %add3A_400 : i32
      %get3A_402 = arith.constant 0 : i32
      %get3A_403 = arith.constant 1 : i32
      %get3A_404 = arith.index_cast %get3A_402 : i32 to index
      %get3A_405 = arith.index_cast %get3A_403 : i32 to index
      %get3A_406 = arith.index_cast %add3A_401 : i32 to index
      %get3A_407 = tpu.vector_load %arg6[%get3A_404, %get3A_405, %get3A_406] {strides = array<i32>} : memref<2x4x8192xf32, #tpu.memory_space<vmem>>, vector<16xf32>,
      %mul3A_408 = arith.constant 64 : i32
      %mul3A_409 = arith.muli %scan3A_383, %mul3A_408 : i32
      %add3A_410 = arith.constant 16 : i32
      %add3A_411 = arith.addi %mul3A_409, %add3A_410 : i32
      %get3A_412 = arith.index_cast %add3A_411 : i32 to index
      %get3A_413 = tpu.vector_load %arg5[%get3A_412] {strides = array<i32>} : memref<8192xf32, #tpu.memory_space<vmem>>, vector<16xf32>,
      %mul3A_414 = arith.mulf %get3A_407, %get3A_413 : vector<16xf32>
      %add3A_415 = arith.addf %add3A_397, %mul3A_414 : vector<16xf32>
      %mul3A_416 = arith.constant 64 : i32
      %mul3A_417 = arith.muli %scan3A_383, %mul3A_416 : i32
      %add3A_418 = arith.constant 32 : i32
      %add3A_419 = arith.addi %mul3A_417, %add3A_418 : i32
      %get3A_420 = arith.constant 0 : i32
      %get3A_421 = arith.constant 1 : i32
      %get3A_422 = arith.index_cast %get3A_420 : i32 to index
      %get3A_423 = arith.index_cast %get3A_421 : i32 to index
      %get3A_424 = arith.index_cast %add3A_419 : i32 to index
      %get3A_425 = tpu.vector_load %arg6[%get3A_422, %get3A_423, %get3A_424] {strides = array<i32>} : memref<2x4x8192xf32, #tpu.memory_space<vmem>>, vector<16xf32>,
      %mul3A_426 = arith.constant 64 : i32
      %mul3A_427 = arith.muli %scan3A_383, %mul3A_426 : i32
      %add3A_428 = arith.constant 32 : i32
      %add3A_429 = arith.addi %mul3A_427, %add3A_428 : i32
      %get3A_430 = arith.index_cast %add3A_429 : i32 to index
      %get3A_431 = tpu.vector_load %arg5[%get3A_430] {strides = array<i32>} : memref<8192xf32, #tpu.memory_space<vmem>>, vector<16xf32>,
      %mul3A_432 = arith.mulf %get3A_425, %get3A_431 : vector<16xf32>
      %add3A_433 = arith.addf %add3A_415, %mul3A_432 : vector<16xf32>
      %mul3A_434 = arith.constant 64 : i32
      %mul3A_435 = arith.muli %scan3A_383, %mul3A_434 : i32
      %add3A_436 = arith.constant 48 : i32
      %add3A_437 = arith.addi %mul3A_435, %add3A_436 : i32
      %get3A_438 = arith.constant 0 : i32
      %get3A_439 = arith.constant 1 : i32
      %get3A_440 = arith.index_cast %get3A_438 : i32 to index
      %get3A_441 = arith.index_cast %get3A_439 : i32 to index
      %get3A_442 = arith.index_cast %add3A_437 : i32 to index
      %get3A_443 = tpu.vector_load %arg6[%get3A_440, %get3A_441, %get3A_442] {strides = array<i32>} : memref<2x4x8192xf32, #tpu.memory_space<vmem>>, vector<16xf32>,
      %mul3A_444 = arith.constant 64 : i32
      %mul3A_445 = arith.muli %scan3A_383, %mul3A_444 : i32
      %add3A_446 = arith.constant 48 : i32
      %add3A_447 = arith.addi %mul3A_445, %add3A_446 : i32
      %get3A_448 = arith.index_cast %add3A_447 : i32 to index
      %get3A_449 = tpu.vector_load %arg5[%get3A_448] {strides = array<i32>} : memref<8192xf32, #tpu.memory_space<vmem>>, vector<16xf32>,
      %mul3A_450 = arith.mulf %get3A_443, %get3A_449 : vector<16xf32>
      %add3A_451 = arith.addf %add3A_433, %mul3A_450 : vector<16xf32>
      scf.yield %add3A_451 : vector<16xf32>
    }
    %scan3A_220 = arith.constant 128 : i32
    %swap3A_221 = arith.constant 9 : i32
    %swap3A_222 = arith.index_cast %swap3A_221 : i32 to index
    %swap3A_223 = arith.constant 0 : index
    %swap3A_224 = tpu.vector_load %arg7[%swap3A_222, %swap3A_223] {strides = array<i32>} : memref<16x16xf32, #tpu.memory_space<vmem>>, vector<16xf32>,
    tpu.vector_store %arg7[%swap3A_222, %swap3A_223], %scan3A_219 {strides = array<i32>} : memref<16x16xf32, #tpu.memory_space<vmem>>, vector<16xf32>,
    %broadcast_in_dim3A_225 = arith.constant 0.000000e+00 : f32
    %broadcast_in_dim3A_226 = vector.broadcast %broadcast_in_dim3A_225 : f32 to vector<16xf32>
    %scan3A_227 = arith.constant 0 : i32
    %scan3A_228 = arith.constant 128 : i32
    %scan3A_229 = arith.addi %scan3A_227, %scan3A_228 : i32
    %scan3A_230 = arith.constant 1 : i32
    %scan3A_231 = scf.for %scan3A_383 = %scan3A_227 to %scan3A_229 step %scan3A_230 iter_args(%scan3A_384 = %broadcast_in_dim3A_226) -> (vector<16xf32>)  : i32 {
      %mul3A_385 = arith.constant 64 : i32
      %mul3A_386 = arith.muli %scan3A_383, %mul3A_385 : i32
      %get3A = arith.constant 0 : i32
      %get3A_387 = arith.constant 2 : i32
      %get3A_388 = arith.index_cast %get3A : i32 to index
      %get3A_389 = arith.index_cast %get3A_387 : i32 to index
      %get3A_390 = arith.index_cast %mul3A_386 : i32 to index
      %get3A_391 = tpu.vector_load %arg6[%get3A_388, %get3A_389, %get3A_390] {strides = array<i32>} : memref<2x4x8192xf32, #tpu.memory_space<vmem>>, vector<16xf32>,
      %mul3A_392 = arith.constant 64 : i32
      %mul3A_393 = arith.muli %scan3A_383, %mul3A_392 : i32
      %get3A_394 = arith.index_cast %mul3A_393 : i32 to index
      %get3A_395 = tpu.vector_load %arg5[%get3A_394] {strides = array<i32>} : memref<8192xf32, #tpu.memory_space<vmem>>, vector<16xf32>,
      %mul3A_396 = arith.mulf %get3A_391, %get3A_395 : vector<16xf32>
      %add3A_397 = arith.addf %scan3A_384, %mul3A_396 : vector<16xf32>
      %mul3A_398 = arith.constant 64 : i32
      %mul3A_399 = arith.muli %scan3A_383, %mul3A_398 : i32
      %add3A_400 = arith.constant 16 : i32
      %add3A_401 = arith.addi %mul3A_399, %add3A_400 : i32
      %get3A_402 = arith.constant 0 : i32
      %get3A_403 = arith.constant 2 : i32
      %get3A_404 = arith.index_cast %get3A_402 : i32 to index
      %get3A_405 = arith.index_cast %get3A_403 : i32 to index
      %get3A_406 = arith.index_cast %add3A_401 : i32 to index
      %get3A_407 = tpu.vector_load %arg6[%get3A_404, %get3A_405, %get3A_406] {strides = array<i32>} : memref<2x4x8192xf32, #tpu.memory_space<vmem>>, vector<16xf32>,
      %mul3A_408 = arith.constant 64 : i32
      %mul3A_409 = arith.muli %scan3A_383, %mul3A_408 : i32
      %add3A_410 = arith.constant 16 : i32
      %add3A_411 = arith.addi %mul3A_409, %add3A_410 : i32
      %get3A_412 = arith.index_cast %add3A_411 : i32 to index
      %get3A_413 = tpu.vector_load %arg5[%get3A_412] {strides = array<i32>} : memref<8192xf32, #tpu.memory_space<vmem>>, vector<16xf32>,
      %mul3A_414 = arith.mulf %get3A_407, %get3A_413 : vector<16xf32>
      %add3A_415 = arith.addf %add3A_397, %mul3A_414 : vector<16xf32>
      %mul3A_416 = arith.constant 64 : i32
      %mul3A_417 = arith.muli %scan3A_383, %mul3A_416 : i32
      %add3A_418 = arith.constant 32 : i32
      %add3A_419 = arith.addi %mul3A_417, %add3A_418 : i32
      %get3A_420 = arith.constant 0 : i32
      %get3A_421 = arith.constant 2 : i32
      %get3A_422 = arith.index_cast %get3A_420 : i32 to index
      %get3A_423 = arith.index_cast %get3A_421 : i32 to index
      %get3A_424 = arith.index_cast %add3A_419 : i32 to index
      %get3A_425 = tpu.vector_load %arg6[%get3A_422, %get3A_423, %get3A_424] {strides = array<i32>} : memref<2x4x8192xf32, #tpu.memory_space<vmem>>, vector<16xf32>,
      %mul3A_426 = arith.constant 64 : i32
      %mul3A_427 = arith.muli %scan3A_383, %mul3A_426 : i32
      %add3A_428 = arith.constant 32 : i32
      %add3A_429 = arith.addi %mul3A_427, %add3A_428 : i32
      %get3A_430 = arith.index_cast %add3A_429 : i32 to index
      %get3A_431 = tpu.vector_load %arg5[%get3A_430] {strides = array<i32>} : memref<8192xf32, #tpu.memory_space<vmem>>, vector<16xf32>,
      %mul3A_432 = arith.mulf %get3A_425, %get3A_431 : vector<16xf32>
      %add3A_433 = arith.addf %add3A_415, %mul3A_432 : vector<16xf32>
      %mul3A_434 = arith.constant 64 : i32
      %mul3A_435 = arith.muli %scan3A_383, %mul3A_434 : i32
      %add3A_436 = arith.constant 48 : i32
      %add3A_437 = arith.addi %mul3A_435, %add3A_436 : i32
      %get3A_438 = arith.constant 0 : i32
      %get3A_439 = arith.constant 2 : i32
      %get3A_440 = arith.index_cast %get3A_438 : i32 to index
      %get3A_441 = arith.index_cast %get3A_439 : i32 to index
      %get3A_442 = arith.index_cast %add3A_437 : i32 to index
      %get3A_443 = tpu.vector_load %arg6[%get3A_440, %get3A_441, %get3A_442] {strides = array<i32>} : memref<2x4x8192xf32, #tpu.memory_space<vmem>>, vector<16xf32>,
      %mul3A_444 = arith.constant 64 : i32
      %mul3A_445 = arith.muli %scan3A_383, %mul3A_444 : i32
      %add3A_446 = arith.constant 48 : i32
      %add3A_447 = arith.addi %mul3A_445, %add3A_446 : i32
      %get3A_448 = arith.index_cast %add3A_447 : i32 to index
      %get3A_449 = tpu.vector_load %arg5[%get3A_448] {strides = array<i32>} : memref<8192xf32, #tpu.memory_space<vmem>>, vector<16xf32>,
      %mul3A_450 = arith.mulf %get3A_443, %get3A_449 : vector<16xf32>
      %add3A_451 = arith.addf %add3A_433, %mul3A_450 : vector<16xf32>
      scf.yield %add3A_451 : vector<16xf32>
    }
    %scan3A_232 = arith.constant 128 : i32
    %swap3A_233 = arith.constant 10 : i32
    %swap3A_234 = arith.index_cast %swap3A_233 : i32 to index
    %swap3A_235 = arith.constant 0 : index
    %swap3A_236 = tpu.vector_load %arg7[%swap3A_234, %swap3A_235] {strides = array<i32>} : memref<16x16xf32, #tpu.memory_space<vmem>>, vector<16xf32>,
    tpu.vector_store %arg7[%swap3A_234, %swap3A_235], %scan3A_231 {strides = array<i32>} : memref<16x16xf32, #tpu.memory_space<vmem>>, vector<16xf32>,
    %broadcast_in_dim3A_237 = arith.constant 0.000000e+00 : f32
    %broadcast_in_dim3A_238 = vector.broadcast %broadcast_in_dim3A_237 : f32 to vector<16xf32>
    %scan3A_239 = arith.constant 0 : i32
    %scan3A_240 = arith.constant 128 : i32
    %scan3A_241 = arith.addi %scan3A_239, %scan3A_240 : i32
    %scan3A_242 = arith.constant 1 : i32
    %scan3A_243 = scf.for %scan3A_383 = %scan3A_239 to %scan3A_241 step %scan3A_242 iter_args(%scan3A_384 = %broadcast_in_dim3A_238) -> (vector<16xf32>)  : i32 {
      %mul3A_385 = arith.constant 64 : i32
      %mul3A_386 = arith.muli %scan3A_383, %mul3A_385 : i32
      %get3A = arith.constant 0 : i32
      %get3A_387 = arith.constant 3 : i32
      %get3A_388 = arith.index_cast %get3A : i32 to index
      %get3A_389 = arith.index_cast %get3A_387 : i32 to index
      %get3A_390 = arith.index_cast %mul3A_386 : i32 to index
      %get3A_391 = tpu.vector_load %arg6[%get3A_388, %get3A_389, %get3A_390] {strides = array<i32>} : memref<2x4x8192xf32, #tpu.memory_space<vmem>>, vector<16xf32>,
      %mul3A_392 = arith.constant 64 : i32
      %mul3A_393 = arith.muli %scan3A_383, %mul3A_392 : i32
      %get3A_394 = arith.index_cast %mul3A_393 : i32 to index
      %get3A_395 = tpu.vector_load %arg5[%get3A_394] {strides = array<i32>} : memref<8192xf32, #tpu.memory_space<vmem>>, vector<16xf32>,
      %mul3A_396 = arith.mulf %get3A_391, %get3A_395 : vector<16xf32>
      %add3A_397 = arith.addf %scan3A_384, %mul3A_396 : vector<16xf32>
      %mul3A_398 = arith.constant 64 : i32
      %mul3A_399 = arith.muli %scan3A_383, %mul3A_398 : i32
      %add3A_400 = arith.constant 16 : i32
      %add3A_401 = arith.addi %mul3A_399, %add3A_400 : i32
      %get3A_402 = arith.constant 0 : i32
      %get3A_403 = arith.constant 3 : i32
      %get3A_404 = arith.index_cast %get3A_402 : i32 to index
      %get3A_405 = arith.index_cast %get3A_403 : i32 to index
      %get3A_406 = arith.index_cast %add3A_401 : i32 to index
      %get3A_407 = tpu.vector_load %arg6[%get3A_404, %get3A_405, %get3A_406] {strides = array<i32>} : memref<2x4x8192xf32, #tpu.memory_space<vmem>>, vector<16xf32>,
      %mul3A_408 = arith.constant 64 : i32
      %mul3A_409 = arith.muli %scan3A_383, %mul3A_408 : i32
      %add3A_410 = arith.constant 16 : i32
      %add3A_411 = arith.addi %mul3A_409, %add3A_410 : i32
      %get3A_412 = arith.index_cast %add3A_411 : i32 to index
      %get3A_413 = tpu.vector_load %arg5[%get3A_412] {strides = array<i32>} : memref<8192xf32, #tpu.memory_space<vmem>>, vector<16xf32>,
      %mul3A_414 = arith.mulf %get3A_407, %get3A_413 : vector<16xf32>
      %add3A_415 = arith.addf %add3A_397, %mul3A_414 : vector<16xf32>
      %mul3A_416 = arith.constant 64 : i32
      %mul3A_417 = arith.muli %scan3A_383, %mul3A_416 : i32
      %add3A_418 = arith.constant 32 : i32
      %add3A_419 = arith.addi %mul3A_417, %add3A_418 : i32
      %get3A_420 = arith.constant 0 : i32
      %get3A_421 = arith.constant 3 : i32
      %get3A_422 = arith.index_cast %get3A_420 : i32 to index
      %get3A_423 = arith.index_cast %get3A_421 : i32 to index
      %get3A_424 = arith.index_cast %add3A_419 : i32 to index
      %get3A_425 = tpu.vector_load %arg6[%get3A_422, %get3A_423, %get3A_424] {strides = array<i32>} : memref<2x4x8192xf32, #tpu.memory_space<vmem>>, vector<16xf32>,
      %mul3A_426 = arith.constant 64 : i32
      %mul3A_427 = arith.muli %scan3A_383, %mul3A_426 : i32
      %add3A_428 = arith.constant 32 : i32
      %add3A_429 = arith.addi %mul3A_427, %add3A_428 : i32
      %get3A_430 = arith.index_cast %add3A_429 : i32 to index
      %get3A_431 = tpu.vector_load %arg5[%get3A_430] {strides = array<i32>} : memref<8192xf32, #tpu.memory_space<vmem>>, vector<16xf32>,
      %mul3A_432 = arith.mulf %get3A_425, %get3A_431 : vector<16xf32>
      %add3A_433 = arith.addf %add3A_415, %mul3A_432 : vector<16xf32>
      %mul3A_434 = arith.constant 64 : i32
      %mul3A_435 = arith.muli %scan3A_383, %mul3A_434 : i32
      %add3A_436 = arith.constant 48 : i32
      %add3A_437 = arith.addi %mul3A_435, %add3A_436 : i32
      %get3A_438 = arith.constant 0 : i32
      %get3A_439 = arith.constant 3 : i32
      %get3A_440 = arith.index_cast %get3A_438 : i32 to index
      %get3A_441 = arith.index_cast %get3A_439 : i32 to index
      %get3A_442 = arith.index_cast %add3A_437 : i32 to index
      %get3A_443 = tpu.vector_load %arg6[%get3A_440, %get3A_441, %get3A_442] {strides = array<i32>} : memref<2x4x8192xf32, #tpu.memory_space<vmem>>, vector<16xf32>,
      %mul3A_444 = arith.constant 64 : i32
      %mul3A_445 = arith.muli %scan3A_383, %mul3A_444 : i32
      %add3A_446 = arith.constant 48 : i32
      %add3A_447 = arith.addi %mul3A_445, %add3A_446 : i32
      %get3A_448 = arith.index_cast %add3A_447 : i32 to index
      %get3A_449 = tpu.vector_load %arg5[%get3A_448] {strides = array<i32>} : memref<8192xf32, #tpu.memory_space<vmem>>, vector<16xf32>,
      %mul3A_450 = arith.mulf %get3A_443, %get3A_449 : vector<16xf32>
      %add3A_451 = arith.addf %add3A_433, %mul3A_450 : vector<16xf32>
      scf.yield %add3A_451 : vector<16xf32>
    }
    %scan3A_244 = arith.constant 128 : i32
    %swap3A_245 = arith.constant 11 : i32
    %swap3A_246 = arith.index_cast %swap3A_245 : i32 to index
    %swap3A_247 = arith.constant 0 : index
    %swap3A_248 = tpu.vector_load %arg7[%swap3A_246, %swap3A_247] {strides = array<i32>} : memref<16x16xf32, #tpu.memory_space<vmem>>, vector<16xf32>,
    tpu.vector_store %arg7[%swap3A_246, %swap3A_247], %scan3A_243 {strides = array<i32>} : memref<16x16xf32, #tpu.memory_space<vmem>>, vector<16xf32>,
    %add3A_249 = arith.constant 12 : i32
    %add3A_250 = arith.addi %add3A_4, %add3A_249 : i32
    %dma_wait3A_251 = arith.constant 1 : i32
    %dma_wait3A_252 = arith.constant 0 : i32
    %dma_wait3A_253 = arith.constant 0 : i32
    %dma_wait3A_254 = tpu.memref_slice %arg6[%dma_wait3A_251, %dma_wait3A_252, %dma_wait3A_253] : memref<2x4x8192xf32, #tpu.memory_space<vmem>> -> memref<1x4x8192xf32, #tpu.memory_space<vmem>>
    %dma_wait3A_255 = tpu.memref_squeeze %dma_wait3A_254 : memref<1x4x8192xf32, #tpu.memory_space<vmem>> -> memref<4x8192xf32, #tpu.memory_space<vmem>>
    %dma_wait3A_256 = arith.constant 0 : i32
    %dma_wait3A_257 = tpu.memref_slice %arg2[%add3A_250, %dma_wait3A_256] : memref<4096x8192xf32, #tpu.memory_space<hbm>> -> memref<4x8192xf32, #tpu.memory_space<hbm>>
    %dma_wait3A_258 = arith.constant 0 : i32
    %dma_wait3A_259 = arith.constant 0 : i32
    %dma_wait3A_260 = tpu.memref_slice %arg6[%dma_wait3A_251, %dma_wait3A_258, %dma_wait3A_259] : memref<2x4x8192xf32, #tpu.memory_space<vmem>> -> memref<1x4x8192xf32, #tpu.memory_space<vmem>>
    %dma_wait3A_261 = tpu.memref_squeeze %dma_wait3A_260 : memref<1x4x8192xf32, #tpu.memory_space<vmem>> -> memref<4x8192xf32, #tpu.memory_space<vmem>>
    %dma_wait3A_262 = arith.constant 0 : i32
    %dma_wait3A_263 = tpu.memref_slice %arg2[%add3A_250, %dma_wait3A_262] : memref<4096x8192xf32, #tpu.memory_space<hbm>> -> memref<4x8192xf32, #tpu.memory_space<hbm>>
    tpu.wait_dma2 semaphore(%arg10 : memref<!tpu.dma_semaphore, #tpu.memory_space<semaphore_mem>>) src(%dma_wait3A_263 : memref<4x8192xf32, #tpu.memory_space<hbm>>) dst(%dma_wait3A_261 : memref<4x8192xf32, #tpu.memory_space<vmem>>)
    %broadcast_in_dim3A_264 = arith.constant 0.000000e+00 : f32
    %broadcast_in_dim3A_265 = vector.broadcast %broadcast_in_dim3A_264 : f32 to vector<16xf32>
    %scan3A_266 = arith.constant 0 : i32
    %scan3A_267 = arith.constant 128 : i32
    %scan3A_268 = arith.addi %scan3A_266, %scan3A_267 : i32
    %scan3A_269 = arith.constant 1 : i32
    %scan3A_270 = scf.for %scan3A_383 = %scan3A_266 to %scan3A_268 step %scan3A_269 iter_args(%scan3A_384 = %broadcast_in_dim3A_265) -> (vector<16xf32>)  : i32 {
      %mul3A_385 = arith.constant 64 : i32
      %mul3A_386 = arith.muli %scan3A_383, %mul3A_385 : i32
      %get3A = arith.constant 1 : i32
      %get3A_387 = arith.constant 0 : i32
      %get3A_388 = arith.index_cast %get3A : i32 to index
      %get3A_389 = arith.index_cast %get3A_387 : i32 to index
      %get3A_390 = arith.index_cast %mul3A_386 : i32 to index
      %get3A_391 = tpu.vector_load %arg6[%get3A_388, %get3A_389, %get3A_390] {strides = array<i32>} : memref<2x4x8192xf32, #tpu.memory_space<vmem>>, vector<16xf32>,
      %mul3A_392 = arith.constant 64 : i32
      %mul3A_393 = arith.muli %scan3A_383, %mul3A_392 : i32
      %get3A_394 = arith.index_cast %mul3A_393 : i32 to index
      %get3A_395 = tpu.vector_load %arg5[%get3A_394] {strides = array<i32>} : memref<8192xf32, #tpu.memory_space<vmem>>, vector<16xf32>,
      %mul3A_396 = arith.mulf %get3A_391, %get3A_395 : vector<16xf32>
      %add3A_397 = arith.addf %scan3A_384, %mul3A_396 : vector<16xf32>
      %mul3A_398 = arith.constant 64 : i32
      %mul3A_399 = arith.muli %scan3A_383, %mul3A_398 : i32
      %add3A_400 = arith.constant 16 : i32
      %add3A_401 = arith.addi %mul3A_399, %add3A_400 : i32
      %get3A_402 = arith.constant 1 : i32
      %get3A_403 = arith.constant 0 : i32
      %get3A_404 = arith.index_cast %get3A_402 : i32 to index
      %get3A_405 = arith.index_cast %get3A_403 : i32 to index
      %get3A_406 = arith.index_cast %add3A_401 : i32 to index
      %get3A_407 = tpu.vector_load %arg6[%get3A_404, %get3A_405, %get3A_406] {strides = array<i32>} : memref<2x4x8192xf32, #tpu.memory_space<vmem>>, vector<16xf32>,
      %mul3A_408 = arith.constant 64 : i32
      %mul3A_409 = arith.muli %scan3A_383, %mul3A_408 : i32
      %add3A_410 = arith.constant 16 : i32
      %add3A_411 = arith.addi %mul3A_409, %add3A_410 : i32
      %get3A_412 = arith.index_cast %add3A_411 : i32 to index
      %get3A_413 = tpu.vector_load %arg5[%get3A_412] {strides = array<i32>} : memref<8192xf32, #tpu.memory_space<vmem>>, vector<16xf32>,
      %mul3A_414 = arith.mulf %get3A_407, %get3A_413 : vector<16xf32>
      %add3A_415 = arith.addf %add3A_397, %mul3A_414 : vector<16xf32>
      %mul3A_416 = arith.constant 64 : i32
      %mul3A_417 = arith.muli %scan3A_383, %mul3A_416 : i32
      %add3A_418 = arith.constant 32 : i32
      %add3A_419 = arith.addi %mul3A_417, %add3A_418 : i32
      %get3A_420 = arith.constant 1 : i32
      %get3A_421 = arith.constant 0 : i32
      %get3A_422 = arith.index_cast %get3A_420 : i32 to index
      %get3A_423 = arith.index_cast %get3A_421 : i32 to index
      %get3A_424 = arith.index_cast %add3A_419 : i32 to index
      %get3A_425 = tpu.vector_load %arg6[%get3A_422, %get3A_423, %get3A_424] {strides = array<i32>} : memref<2x4x8192xf32, #tpu.memory_space<vmem>>, vector<16xf32>,
      %mul3A_426 = arith.constant 64 : i32
      %mul3A_427 = arith.muli %scan3A_383, %mul3A_426 : i32
      %add3A_428 = arith.constant 32 : i32
      %add3A_429 = arith.addi %mul3A_427, %add3A_428 : i32
      %get3A_430 = arith.index_cast %add3A_429 : i32 to index
      %get3A_431 = tpu.vector_load %arg5[%get3A_430] {strides = array<i32>} : memref<8192xf32, #tpu.memory_space<vmem>>, vector<16xf32>,
      %mul3A_432 = arith.mulf %get3A_425, %get3A_431 : vector<16xf32>
      %add3A_433 = arith.addf %add3A_415, %mul3A_432 : vector<16xf32>
      %mul3A_434 = arith.constant 64 : i32
      %mul3A_435 = arith.muli %scan3A_383, %mul3A_434 : i32
      %add3A_436 = arith.constant 48 : i32
      %add3A_437 = arith.addi %mul3A_435, %add3A_436 : i32
      %get3A_438 = arith.constant 1 : i32
      %get3A_439 = arith.constant 0 : i32
      %get3A_440 = arith.index_cast %get3A_438 : i32 to index
      %get3A_441 = arith.index_cast %get3A_439 : i32 to index
      %get3A_442 = arith.index_cast %add3A_437 : i32 to index
      %get3A_443 = tpu.vector_load %arg6[%get3A_440, %get3A_441, %get3A_442] {strides = array<i32>} : memref<2x4x8192xf32, #tpu.memory_space<vmem>>, vector<16xf32>,
      %mul3A_444 = arith.constant 64 : i32
      %mul3A_445 = arith.muli %scan3A_383, %mul3A_444 : i32
      %add3A_446 = arith.constant 48 : i32
      %add3A_447 = arith.addi %mul3A_445, %add3A_446 : i32
      %get3A_448 = arith.index_cast %add3A_447 : i32 to index
      %get3A_449 = tpu.vector_load %arg5[%get3A_448] {strides = array<i32>} : memref<8192xf32, #tpu.memory_space<vmem>>, vector<16xf32>,
      %mul3A_450 = arith.mulf %get3A_443, %get3A_449 : vector<16xf32>
      %add3A_451 = arith.addf %add3A_433, %mul3A_450 : vector<16xf32>
      scf.yield %add3A_451 : vector<16xf32>
    }
    %scan3A_271 = arith.constant 128 : i32
    %swap3A_272 = arith.constant 12 : i32
    %swap3A_273 = arith.index_cast %swap3A_272 : i32 to index
    %swap3A_274 = arith.constant 0 : index
    %swap3A_275 = tpu.vector_load %arg7[%swap3A_273, %swap3A_274] {strides = array<i32>} : memref<16x16xf32, #tpu.memory_space<vmem>>, vector<16xf32>,
    tpu.vector_store %arg7[%swap3A_273, %swap3A_274], %scan3A_270 {strides = array<i32>} : memref<16x16xf32, #tpu.memory_space<vmem>>, vector<16xf32>,
    %broadcast_in_dim3A_276 = arith.constant 0.000000e+00 : f32
    %broadcast_in_dim3A_277 = vector.broadcast %broadcast_in_dim3A_276 : f32 to vector<16xf32>
    %scan3A_278 = arith.constant 0 : i32
    %scan3A_279 = arith.constant 128 : i32
    %scan3A_280 = arith.addi %scan3A_278, %scan3A_279 : i32
    %scan3A_281 = arith.constant 1 : i32
    %scan3A_282 = scf.for %scan3A_383 = %scan3A_278 to %scan3A_280 step %scan3A_281 iter_args(%scan3A_384 = %broadcast_in_dim3A_277) -> (vector<16xf32>)  : i32 {
      %mul3A_385 = arith.constant 64 : i32
      %mul3A_386 = arith.muli %scan3A_383, %mul3A_385 : i32
      %get3A = arith.constant 1 : i32
      %get3A_387 = arith.constant 1 : i32
      %get3A_388 = arith.index_cast %get3A : i32 to index
      %get3A_389 = arith.index_cast %get3A_387 : i32 to index
      %get3A_390 = arith.index_cast %mul3A_386 : i32 to index
      %get3A_391 = tpu.vector_load %arg6[%get3A_388, %get3A_389, %get3A_390] {strides = array<i32>} : memref<2x4x8192xf32, #tpu.memory_space<vmem>>, vector<16xf32>,
      %mul3A_392 = arith.constant 64 : i32
      %mul3A_393 = arith.muli %scan3A_383, %mul3A_392 : i32
      %get3A_394 = arith.index_cast %mul3A_393 : i32 to index
      %get3A_395 = tpu.vector_load %arg5[%get3A_394] {strides = array<i32>} : memref<8192xf32, #tpu.memory_space<vmem>>, vector<16xf32>,
      %mul3A_396 = arith.mulf %get3A_391, %get3A_395 : vector<16xf32>
      %add3A_397 = arith.addf %scan3A_384, %mul3A_396 : vector<16xf32>
      %mul3A_398 = arith.constant 64 : i32
      %mul3A_399 = arith.muli %scan3A_383, %mul3A_398 : i32
      %add3A_400 = arith.constant 16 : i32
      %add3A_401 = arith.addi %mul3A_399, %add3A_400 : i32
      %get3A_402 = arith.constant 1 : i32
      %get3A_403 = arith.constant 1 : i32
      %get3A_404 = arith.index_cast %get3A_402 : i32 to index
      %get3A_405 = arith.index_cast %get3A_403 : i32 to index
      %get3A_406 = arith.index_cast %add3A_401 : i32 to index
      %get3A_407 = tpu.vector_load %arg6[%get3A_404, %get3A_405, %get3A_406] {strides = array<i32>} : memref<2x4x8192xf32, #tpu.memory_space<vmem>>, vector<16xf32>,
      %mul3A_408 = arith.constant 64 : i32
      %mul3A_409 = arith.muli %scan3A_383, %mul3A_408 : i32
      %add3A_410 = arith.constant 16 : i32
      %add3A_411 = arith.addi %mul3A_409, %add3A_410 : i32
      %get3A_412 = arith.index_cast %add3A_411 : i32 to index
      %get3A_413 = tpu.vector_load %arg5[%get3A_412] {strides = array<i32>} : memref<8192xf32, #tpu.memory_space<vmem>>, vector<16xf32>,
      %mul3A_414 = arith.mulf %get3A_407, %get3A_413 : vector<16xf32>
      %add3A_415 = arith.addf %add3A_397, %mul3A_414 : vector<16xf32>
      %mul3A_416 = arith.constant 64 : i32
      %mul3A_417 = arith.muli %scan3A_383, %mul3A_416 : i32
      %add3A_418 = arith.constant 32 : i32
      %add3A_419 = arith.addi %mul3A_417, %add3A_418 : i32
      %get3A_420 = arith.constant 1 : i32
      %get3A_421 = arith.constant 1 : i32
      %get3A_422 = arith.index_cast %get3A_420 : i32 to index
      %get3A_423 = arith.index_cast %get3A_421 : i32 to index
      %get3A_424 = arith.index_cast %add3A_419 : i32 to index
      %get3A_425 = tpu.vector_load %arg6[%get3A_422, %get3A_423, %get3A_424] {strides = array<i32>} : memref<2x4x8192xf32, #tpu.memory_space<vmem>>, vector<16xf32>,
      %mul3A_426 = arith.constant 64 : i32
      %mul3A_427 = arith.muli %scan3A_383, %mul3A_426 : i32
      %add3A_428 = arith.constant 32 : i32
      %add3A_429 = arith.addi %mul3A_427, %add3A_428 : i32
      %get3A_430 = arith.index_cast %add3A_429 : i32 to index
      %get3A_431 = tpu.vector_load %arg5[%get3A_430] {strides = array<i32>} : memref<8192xf32, #tpu.memory_space<vmem>>, vector<16xf32>,
      %mul3A_432 = arith.mulf %get3A_425, %get3A_431 : vector<16xf32>
      %add3A_433 = arith.addf %add3A_415, %mul3A_432 : vector<16xf32>
      %mul3A_434 = arith.constant 64 : i32
      %mul3A_435 = arith.muli %scan3A_383, %mul3A_434 : i32
      %add3A_436 = arith.constant 48 : i32
      %add3A_437 = arith.addi %mul3A_435, %add3A_436 : i32
      %get3A_438 = arith.constant 1 : i32
      %get3A_439 = arith.constant 1 : i32
      %get3A_440 = arith.index_cast %get3A_438 : i32 to index
      %get3A_441 = arith.index_cast %get3A_439 : i32 to index
      %get3A_442 = arith.index_cast %add3A_437 : i32 to index
      %get3A_443 = tpu.vector_load %arg6[%get3A_440, %get3A_441, %get3A_442] {strides = array<i32>} : memref<2x4x8192xf32, #tpu.memory_space<vmem>>, vector<16xf32>,
      %mul3A_444 = arith.constant 64 : i32
      %mul3A_445 = arith.muli %scan3A_383, %mul3A_444 : i32
      %add3A_446 = arith.constant 48 : i32
      %add3A_447 = arith.addi %mul3A_445, %add3A_446 : i32
      %get3A_448 = arith.index_cast %add3A_447 : i32 to index
      %get3A_449 = tpu.vector_load %arg5[%get3A_448] {strides = array<i32>} : memref<8192xf32, #tpu.memory_space<vmem>>, vector<16xf32>,
      %mul3A_450 = arith.mulf %get3A_443, %get3A_449 : vector<16xf32>
      %add3A_451 = arith.addf %add3A_433, %mul3A_450 : vector<16xf32>
      scf.yield %add3A_451 : vector<16xf32>
    }
    %scan3A_283 = arith.constant 128 : i32
    %swap3A_284 = arith.constant 13 : i32
    %swap3A_285 = arith.index_cast %swap3A_284 : i32 to index
    %swap3A_286 = arith.constant 0 : index
    %swap3A_287 = tpu.vector_load %arg7[%swap3A_285, %swap3A_286] {strides = array<i32>} : memref<16x16xf32, #tpu.memory_space<vmem>>, vector<16xf32>,
    tpu.vector_store %arg7[%swap3A_285, %swap3A_286], %scan3A_282 {strides = array<i32>} : memref<16x16xf32, #tpu.memory_space<vmem>>, vector<16xf32>,
    %broadcast_in_dim3A_288 = arith.constant 0.000000e+00 : f32
    %broadcast_in_dim3A_289 = vector.broadcast %broadcast_in_dim3A_288 : f32 to vector<16xf32>
    %scan3A_290 = arith.constant 0 : i32
    %scan3A_291 = arith.constant 128 : i32
    %scan3A_292 = arith.addi %scan3A_290, %scan3A_291 : i32
    %scan3A_293 = arith.constant 1 : i32
    %scan3A_294 = scf.for %scan3A_383 = %scan3A_290 to %scan3A_292 step %scan3A_293 iter_args(%scan3A_384 = %broadcast_in_dim3A_289) -> (vector<16xf32>)  : i32 {
      %mul3A_385 = arith.constant 64 : i32
      %mul3A_386 = arith.muli %scan3A_383, %mul3A_385 : i32
      %get3A = arith.constant 1 : i32
      %get3A_387 = arith.constant 2 : i32
      %get3A_388 = arith.index_cast %get3A : i32 to index
      %get3A_389 = arith.index_cast %get3A_387 : i32 to index
      %get3A_390 = arith.index_cast %mul3A_386 : i32 to index
      %get3A_391 = tpu.vector_load %arg6[%get3A_388, %get3A_389, %get3A_390] {strides = array<i32>} : memref<2x4x8192xf32, #tpu.memory_space<vmem>>, vector<16xf32>,
      %mul3A_392 = arith.constant 64 : i32
      %mul3A_393 = arith.muli %scan3A_383, %mul3A_392 : i32
      %get3A_394 = arith.index_cast %mul3A_393 : i32 to index
      %get3A_395 = tpu.vector_load %arg5[%get3A_394] {strides = array<i32>} : memref<8192xf32, #tpu.memory_space<vmem>>, vector<16xf32>,
      %mul3A_396 = arith.mulf %get3A_391, %get3A_395 : vector<16xf32>
      %add3A_397 = arith.addf %scan3A_384, %mul3A_396 : vector<16xf32>
      %mul3A_398 = arith.constant 64 : i32
      %mul3A_399 = arith.muli %scan3A_383, %mul3A_398 : i32
      %add3A_400 = arith.constant 16 : i32
      %add3A_401 = arith.addi %mul3A_399, %add3A_400 : i32
      %get3A_402 = arith.constant 1 : i32
      %get3A_403 = arith.constant 2 : i32
      %get3A_404 = arith.index_cast %get3A_402 : i32 to index
      %get3A_405 = arith.index_cast %get3A_403 : i32 to index
      %get3A_406 = arith.index_cast %add3A_401 : i32 to index
      %get3A_407 = tpu.vector_load %arg6[%get3A_404, %get3A_405, %get3A_406] {strides = array<i32>} : memref<2x4x8192xf32, #tpu.memory_space<vmem>>, vector<16xf32>,
      %mul3A_408 = arith.constant 64 : i32
      %mul3A_409 = arith.muli %scan3A_383, %mul3A_408 : i32
      %add3A_410 = arith.constant 16 : i32
      %add3A_411 = arith.addi %mul3A_409, %add3A_410 : i32
      %get3A_412 = arith.index_cast %add3A_411 : i32 to index
      %get3A_413 = tpu.vector_load %arg5[%get3A_412] {strides = array<i32>} : memref<8192xf32, #tpu.memory_space<vmem>>, vector<16xf32>,
      %mul3A_414 = arith.mulf %get3A_407, %get3A_413 : vector<16xf32>
      %add3A_415 = arith.addf %add3A_397, %mul3A_414 : vector<16xf32>
      %mul3A_416 = arith.constant 64 : i32
      %mul3A_417 = arith.muli %scan3A_383, %mul3A_416 : i32
      %add3A_418 = arith.constant 32 : i32
      %add3A_419 = arith.addi %mul3A_417, %add3A_418 : i32
      %get3A_420 = arith.constant 1 : i32
      %get3A_421 = arith.constant 2 : i32
      %get3A_422 = arith.index_cast %get3A_420 : i32 to index
      %get3A_423 = arith.index_cast %get3A_421 : i32 to index
      %get3A_424 = arith.index_cast %add3A_419 : i32 to index
      %get3A_425 = tpu.vector_load %arg6[%get3A_422, %get3A_423, %get3A_424] {strides = array<i32>} : memref<2x4x8192xf32, #tpu.memory_space<vmem>>, vector<16xf32>,
      %mul3A_426 = arith.constant 64 : i32
      %mul3A_427 = arith.muli %scan3A_383, %mul3A_426 : i32
      %add3A_428 = arith.constant 32 : i32
      %add3A_429 = arith.addi %mul3A_427, %add3A_428 : i32
      %get3A_430 = arith.index_cast %add3A_429 : i32 to index
      %get3A_431 = tpu.vector_load %arg5[%get3A_430] {strides = array<i32>} : memref<8192xf32, #tpu.memory_space<vmem>>, vector<16xf32>,
      %mul3A_432 = arith.mulf %get3A_425, %get3A_431 : vector<16xf32>
      %add3A_433 = arith.addf %add3A_415, %mul3A_432 : vector<16xf32>
      %mul3A_434 = arith.constant 64 : i32
      %mul3A_435 = arith.muli %scan3A_383, %mul3A_434 : i32
      %add3A_436 = arith.constant 48 : i32
      %add3A_437 = arith.addi %mul3A_435, %add3A_436 : i32
      %get3A_438 = arith.constant 1 : i32
      %get3A_439 = arith.constant 2 : i32
      %get3A_440 = arith.index_cast %get3A_438 : i32 to index
      %get3A_441 = arith.index_cast %get3A_439 : i32 to index
      %get3A_442 = arith.index_cast %add3A_437 : i32 to index
      %get3A_443 = tpu.vector_load %arg6[%get3A_440, %get3A_441, %get3A_442] {strides = array<i32>} : memref<2x4x8192xf32, #tpu.memory_space<vmem>>, vector<16xf32>,
      %mul3A_444 = arith.constant 64 : i32
      %mul3A_445 = arith.muli %scan3A_383, %mul3A_444 : i32
      %add3A_446 = arith.constant 48 : i32
      %add3A_447 = arith.addi %mul3A_445, %add3A_446 : i32
      %get3A_448 = arith.index_cast %add3A_447 : i32 to index
      %get3A_449 = tpu.vector_load %arg5[%get3A_448] {strides = array<i32>} : memref<8192xf32, #tpu.memory_space<vmem>>, vector<16xf32>,
      %mul3A_450 = arith.mulf %get3A_443, %get3A_449 : vector<16xf32>
      %add3A_451 = arith.addf %add3A_433, %mul3A_450 : vector<16xf32>
      scf.yield %add3A_451 : vector<16xf32>
    }
    %scan3A_295 = arith.constant 128 : i32
    %swap3A_296 = arith.constant 14 : i32
    %swap3A_297 = arith.index_cast %swap3A_296 : i32 to index
    %swap3A_298 = arith.constant 0 : index
    %swap3A_299 = tpu.vector_load %arg7[%swap3A_297, %swap3A_298] {strides = array<i32>} : memref<16x16xf32, #tpu.memory_space<vmem>>, vector<16xf32>,
    tpu.vector_store %arg7[%swap3A_297, %swap3A_298], %scan3A_294 {strides = array<i32>} : memref<16x16xf32, #tpu.memory_space<vmem>>, vector<16xf32>,
    %broadcast_in_dim3A_300 = arith.constant 0.000000e+00 : f32
    %broadcast_in_dim3A_301 = vector.broadcast %broadcast_in_dim3A_300 : f32 to vector<16xf32>
    %scan3A_302 = arith.constant 0 : i32
    %scan3A_303 = arith.constant 128 : i32
    %scan3A_304 = arith.addi %scan3A_302, %scan3A_303 : i32
    %scan3A_305 = arith.constant 1 : i32
    %scan3A_306 = scf.for %scan3A_383 = %scan3A_302 to %scan3A_304 step %scan3A_305 iter_args(%scan3A_384 = %broadcast_in_dim3A_301) -> (vector<16xf32>)  : i32 {
      %mul3A_385 = arith.constant 64 : i32
      %mul3A_386 = arith.muli %scan3A_383, %mul3A_385 : i32
      %get3A = arith.constant 1 : i32
      %get3A_387 = arith.constant 3 : i32
      %get3A_388 = arith.index_cast %get3A : i32 to index
      %get3A_389 = arith.index_cast %get3A_387 : i32 to index
      %get3A_390 = arith.index_cast %mul3A_386 : i32 to index
      %get3A_391 = tpu.vector_load %arg6[%get3A_388, %get3A_389, %get3A_390] {strides = array<i32>} : memref<2x4x8192xf32, #tpu.memory_space<vmem>>, vector<16xf32>,
      %mul3A_392 = arith.constant 64 : i32
      %mul3A_393 = arith.muli %scan3A_383, %mul3A_392 : i32
      %get3A_394 = arith.index_cast %mul3A_393 : i32 to index
      %get3A_395 = tpu.vector_load %arg5[%get3A_394] {strides = array<i32>} : memref<8192xf32, #tpu.memory_space<vmem>>, vector<16xf32>,
      %mul3A_396 = arith.mulf %get3A_391, %get3A_395 : vector<16xf32>
      %add3A_397 = arith.addf %scan3A_384, %mul3A_396 : vector<16xf32>
      %mul3A_398 = arith.constant 64 : i32
      %mul3A_399 = arith.muli %scan3A_383, %mul3A_398 : i32
      %add3A_400 = arith.constant 16 : i32
      %add3A_401 = arith.addi %mul3A_399, %add3A_400 : i32
      %get3A_402 = arith.constant 1 : i32
      %get3A_403 = arith.constant 3 : i32
      %get3A_404 = arith.index_cast %get3A_402 : i32 to index
      %get3A_405 = arith.index_cast %get3A_403 : i32 to index
      %get3A_406 = arith.index_cast %add3A_401 : i32 to index
      %get3A_407 = tpu.vector_load %arg6[%get3A_404, %get3A_405, %get3A_406] {strides = array<i32>} : memref<2x4x8192xf32, #tpu.memory_space<vmem>>, vector<16xf32>,
      %mul3A_408 = arith.constant 64 : i32
      %mul3A_409 = arith.muli %scan3A_383, %mul3A_408 : i32
      %add3A_410 = arith.constant 16 : i32
      %add3A_411 = arith.addi %mul3A_409, %add3A_410 : i32
      %get3A_412 = arith.index_cast %add3A_411 : i32 to index
      %get3A_413 = tpu.vector_load %arg5[%get3A_412] {strides = array<i32>} : memref<8192xf32, #tpu.memory_space<vmem>>, vector<16xf32>,
      %mul3A_414 = arith.mulf %get3A_407, %get3A_413 : vector<16xf32>
      %add3A_415 = arith.addf %add3A_397, %mul3A_414 : vector<16xf32>
      %mul3A_416 = arith.constant 64 : i32
      %mul3A_417 = arith.muli %scan3A_383, %mul3A_416 : i32
      %add3A_418 = arith.constant 32 : i32
      %add3A_419 = arith.addi %mul3A_417, %add3A_418 : i32
      %get3A_420 = arith.constant 1 : i32
      %get3A_421 = arith.constant 3 : i32
      %get3A_422 = arith.index_cast %get3A_420 : i32 to index
      %get3A_423 = arith.index_cast %get3A_421 : i32 to index
      %get3A_424 = arith.index_cast %add3A_419 : i32 to index
      %get3A_425 = tpu.vector_load %arg6[%get3A_422, %get3A_423, %get3A_424] {strides = array<i32>} : memref<2x4x8192xf32, #tpu.memory_space<vmem>>, vector<16xf32>,
      %mul3A_426 = arith.constant 64 : i32
      %mul3A_427 = arith.muli %scan3A_383, %mul3A_426 : i32
      %add3A_428 = arith.constant 32 : i32
      %add3A_429 = arith.addi %mul3A_427, %add3A_428 : i32
      %get3A_430 = arith.index_cast %add3A_429 : i32 to index
      %get3A_431 = tpu.vector_load %arg5[%get3A_430] {strides = array<i32>} : memref<8192xf32, #tpu.memory_space<vmem>>, vector<16xf32>,
      %mul3A_432 = arith.mulf %get3A_425, %get3A_431 : vector<16xf32>
      %add3A_433 = arith.addf %add3A_415, %mul3A_432 : vector<16xf32>
      %mul3A_434 = arith.constant 64 : i32
      %mul3A_435 = arith.muli %scan3A_383, %mul3A_434 : i32
      %add3A_436 = arith.constant 48 : i32
      %add3A_437 = arith.addi %mul3A_435, %add3A_436 : i32
      %get3A_438 = arith.constant 1 : i32
      %get3A_439 = arith.constant 3 : i32
      %get3A_440 = arith.index_cast %get3A_438 : i32 to index
      %get3A_441 = arith.index_cast %get3A_439 : i32 to index
      %get3A_442 = arith.index_cast %add3A_437 : i32 to index
      %get3A_443 = tpu.vector_load %arg6[%get3A_440, %get3A_441, %get3A_442] {strides = array<i32>} : memref<2x4x8192xf32, #tpu.memory_space<vmem>>, vector<16xf32>,
      %mul3A_444 = arith.constant 64 : i32
      %mul3A_445 = arith.muli %scan3A_383, %mul3A_444 : i32
      %add3A_446 = arith.constant 48 : i32
      %add3A_447 = arith.addi %mul3A_445, %add3A_446 : i32
      %get3A_448 = arith.index_cast %add3A_447 : i32 to index
      %get3A_449 = tpu.vector_load %arg5[%get3A_448] {strides = array<i32>} : memref<8192xf32, #tpu.memory_space<vmem>>, vector<16xf32>,
      %mul3A_450 = arith.mulf %get3A_443, %get3A_449 : vector<16xf32>
      %add3A_451 = arith.addf %add3A_433, %mul3A_450 : vector<16xf32>
      scf.yield %add3A_451 : vector<16xf32>
    }
    %scan3A_307 = arith.constant 128 : i32
    %swap3A_308 = arith.constant 15 : i32
    %swap3A_309 = arith.index_cast %swap3A_308 : i32 to index
    %swap3A_310 = arith.constant 0 : index
    %swap3A_311 = tpu.vector_load %arg7[%swap3A_309, %swap3A_310] {strides = array<i32>} : memref<16x16xf32, #tpu.memory_space<vmem>>, vector<16xf32>,
    tpu.vector_store %arg7[%swap3A_309, %swap3A_310], %scan3A_306 {strides = array<i32>} : memref<16x16xf32, #tpu.memory_space<vmem>>, vector<16xf32>,
    %broadcast_in_dim3A_312 = arith.constant 0.000000e+00 : f32
    %broadcast_in_dim3A_313 = vector.broadcast %broadcast_in_dim3A_312 : f32 to vector<16xf32>
    %broadcast_in_dim3A_314 = arith.constant 0 : i32
    %broadcast_in_dim3A_315 = vector.broadcast %broadcast_in_dim3A_314 : i32 to vector<16xi32>
    %gather3A = tpu.vector_load_idx %arg7[%iota3A, %broadcast_in_dim3A_315] : memref<16x16xf32, #tpu.memory_space<vmem>>[vector<16xi32>, vector<16xi32>], vector<16xf32>,
    %add3A_316 = arith.addf %broadcast_in_dim3A_313, %gather3A : vector<16xf32>
    %broadcast_in_dim3A_317 = arith.constant 1 : i32
    %broadcast_in_dim3A_318 = vector.broadcast %broadcast_in_dim3A_317 : i32 to vector<16xi32>
    %gather3A_319 = tpu.vector_load_idx %arg7[%iota3A, %broadcast_in_dim3A_318] : memref<16x16xf32, #tpu.memory_space<vmem>>[vector<16xi32>, vector<16xi32>], vector<16xf32>,
    %add3A_320 = arith.addf %add3A_316, %gather3A_319 : vector<16xf32>
    %broadcast_in_dim3A_321 = arith.constant 2 : i32
    %broadcast_in_dim3A_322 = vector.broadcast %broadcast_in_dim3A_321 : i32 to vector<16xi32>
    %gather3A_323 = tpu.vector_load_idx %arg7[%iota3A, %broadcast_in_dim3A_322] : memref<16x16xf32, #tpu.memory_space<vmem>>[vector<16xi32>, vector<16xi32>], vector<16xf32>,
    %add3A_324 = arith.addf %add3A_320, %gather3A_323 : vector<16xf32>
    %broadcast_in_dim3A_325 = arith.constant 3 : i32
    %broadcast_in_dim3A_326 = vector.broadcast %broadcast_in_dim3A_325 : i32 to vector<16xi32>
    %gather3A_327 = tpu.vector_load_idx %arg7[%iota3A, %broadcast_in_dim3A_326] : memref<16x16xf32, #tpu.memory_space<vmem>>[vector<16xi32>, vector<16xi32>], vector<16xf32>,
    %add3A_328 = arith.addf %add3A_324, %gather3A_327 : vector<16xf32>
    %broadcast_in_dim3A_329 = arith.constant 4 : i32
    %broadcast_in_dim3A_330 = vector.broadcast %broadcast_in_dim3A_329 : i32 to vector<16xi32>
    %gather3A_331 = tpu.vector_load_idx %arg7[%iota3A, %broadcast_in_dim3A_330] : memref<16x16xf32, #tpu.memory_space<vmem>>[vector<16xi32>, vector<16xi32>], vector<16xf32>,
    %add3A_332 = arith.addf %add3A_328, %gather3A_331 : vector<16xf32>
    %broadcast_in_dim3A_333 = arith.constant 5 : i32
    %broadcast_in_dim3A_334 = vector.broadcast %broadcast_in_dim3A_333 : i32 to vector<16xi32>
    %gather3A_335 = tpu.vector_load_idx %arg7[%iota3A, %broadcast_in_dim3A_334] : memref<16x16xf32, #tpu.memory_space<vmem>>[vector<16xi32>, vector<16xi32>], vector<16xf32>,
    %add3A_336 = arith.addf %add3A_332, %gather3A_335 : vector<16xf32>
    %broadcast_in_dim3A_337 = arith.constant 6 : i32
    %broadcast_in_dim3A_338 = vector.broadcast %broadcast_in_dim3A_337 : i32 to vector<16xi32>
    %gather3A_339 = tpu.vector_load_idx %arg7[%iota3A, %broadcast_in_dim3A_338] : memref<16x16xf32, #tpu.memory_space<vmem>>[vector<16xi32>, vector<16xi32>], vector<16xf32>,
    %add3A_340 = arith.addf %add3A_336, %gather3A_339 : vector<16xf32>
    %broadcast_in_dim3A_341 = arith.constant 7 : i32
    %broadcast_in_dim3A_342 = vector.broadcast %broadcast_in_dim3A_341 : i32 to vector<16xi32>
    %gather3A_343 = tpu.vector_load_idx %arg7[%iota3A, %broadcast_in_dim3A_342] : memref<16x16xf32, #tpu.memory_space<vmem>>[vector<16xi32>, vector<16xi32>], vector<16xf32>,
    %add3A_344 = arith.addf %add3A_340, %gather3A_343 : vector<16xf32>
    %broadcast_in_dim3A_345 = arith.constant 8 : i32
    %broadcast_in_dim3A_346 = vector.broadcast %broadcast_in_dim3A_345 : i32 to vector<16xi32>
    %gather3A_347 = tpu.vector_load_idx %arg7[%iota3A, %broadcast_in_dim3A_346] : memref<16x16xf32, #tpu.memory_space<vmem>>[vector<16xi32>, vector<16xi32>], vector<16xf32>,
    %add3A_348 = arith.addf %add3A_344, %gather3A_347 : vector<16xf32>
    %broadcast_in_dim3A_349 = arith.constant 9 : i32
    %broadcast_in_dim3A_350 = vector.broadcast %broadcast_in_dim3A_349 : i32 to vector<16xi32>
    %gather3A_351 = tpu.vector_load_idx %arg7[%iota3A, %broadcast_in_dim3A_350] : memref<16x16xf32, #tpu.memory_space<vmem>>[vector<16xi32>, vector<16xi32>], vector<16xf32>,
    %add3A_352 = arith.addf %add3A_348, %gather3A_351 : vector<16xf32>
    %broadcast_in_dim3A_353 = arith.constant 10 : i32
    %broadcast_in_dim3A_354 = vector.broadcast %broadcast_in_dim3A_353 : i32 to vector<16xi32>
    %gather3A_355 = tpu.vector_load_idx %arg7[%iota3A, %broadcast_in_dim3A_354] : memref<16x16xf32, #tpu.memory_space<vmem>>[vector<16xi32>, vector<16xi32>], vector<16xf32>,
    %add3A_356 = arith.addf %add3A_352, %gather3A_355 : vector<16xf32>
    %broadcast_in_dim3A_357 = arith.constant 11 : i32
    %broadcast_in_dim3A_358 = vector.broadcast %broadcast_in_dim3A_357 : i32 to vector<16xi32>
    %gather3A_359 = tpu.vector_load_idx %arg7[%iota3A, %broadcast_in_dim3A_358] : memref<16x16xf32, #tpu.memory_space<vmem>>[vector<16xi32>, vector<16xi32>], vector<16xf32>,
    %add3A_360 = arith.addf %add3A_356, %gather3A_359 : vector<16xf32>
    %broadcast_in_dim3A_361 = arith.constant 12 : i32
    %broadcast_in_dim3A_362 = vector.broadcast %broadcast_in_dim3A_361 : i32 to vector<16xi32>
    %gather3A_363 = tpu.vector_load_idx %arg7[%iota3A, %broadcast_in_dim3A_362] : memref<16x16xf32, #tpu.memory_space<vmem>>[vector<16xi32>, vector<16xi32>], vector<16xf32>,
    %add3A_364 = arith.addf %add3A_360, %gather3A_363 : vector<16xf32>
    %broadcast_in_dim3A_365 = arith.constant 13 : i32
    %broadcast_in_dim3A_366 = vector.broadcast %broadcast_in_dim3A_365 : i32 to vector<16xi32>
    %gather3A_367 = tpu.vector_load_idx %arg7[%iota3A, %broadcast_in_dim3A_366] : memref<16x16xf32, #tpu.memory_space<vmem>>[vector<16xi32>, vector<16xi32>], vector<16xf32>,
    %add3A_368 = arith.addf %add3A_364, %gather3A_367 : vector<16xf32>
    %broadcast_in_dim3A_369 = arith.constant 14 : i32
    %broadcast_in_dim3A_370 = vector.broadcast %broadcast_in_dim3A_369 : i32 to vector<16xi32>
    %gather3A_371 = tpu.vector_load_idx %arg7[%iota3A, %broadcast_in_dim3A_370] : memref<16x16xf32, #tpu.memory_space<vmem>>[vector<16xi32>, vector<16xi32>], vector<16xf32>,
    %add3A_372 = arith.addf %add3A_368, %gather3A_371 : vector<16xf32>
    %broadcast_in_dim3A_373 = arith.constant 15 : i32
    %broadcast_in_dim3A_374 = vector.broadcast %broadcast_in_dim3A_373 : i32 to vector<16xi32>
    %gather3A_375 = tpu.vector_load_idx %arg7[%iota3A, %broadcast_in_dim3A_374] : memref<16x16xf32, #tpu.memory_space<vmem>>[vector<16xi32>, vector<16xi32>], vector<16xf32>,
    %add3A_376 = arith.addf %add3A_372, %gather3A_375 : vector<16xf32>
    %max3A = arith.constant 9.99999997E-7 : f32
    %max3A_377 = vector.broadcast %max3A : f32 to vector<16xf32>
    %max3A_378 = arith.maximumf %add3A_376, %max3A_377 : vector<16xf32>
    %swap3A_379 = arith.constant 0 : index
    %swap3A_380 = tpu.vector_load %arg8[%swap3A_379] {strides = array<i32>} : memref<16xf32, #tpu.memory_space<vmem>>, vector<16xf32>,
    tpu.vector_store %arg8[%swap3A_379], %max3A_378 {strides = array<i32>} : memref<16xf32, #tpu.memory_space<vmem>>, vector<16xf32>,
    %mul3A_381 = arith.constant 16 : i32
    %mul3A_382 = arith.muli %add3A, %mul3A_381 : i32
    "tpu.region"() ({
      %run_scoped3A = tpu.sem_alloc : memref<!tpu.dma_semaphore, #tpu.memory_space<semaphore_mem>>
      %dma_start3A_383 = tpu.memref_slice %arg4[%mul3A_382] : memref<512xf32, #tpu.memory_space<hbm>> -> memref<16xf32, #tpu.memory_space<hbm>>
      %dma_start3A_384 = tpu.memref_slice %arg4[%mul3A_382] : memref<512xf32, #tpu.memory_space<hbm>> -> memref<16xf32, #tpu.memory_space<hbm>>
      tpu.enqueue_dma source(%arg8 : memref<16xf32, #tpu.memory_space<vmem>>) target(%dma_start3A_384 : memref<16xf32, #tpu.memory_space<hbm>>) target_semaphore(%run_scoped3A : memref<!tpu.dma_semaphore, #tpu.memory_space<semaphore_mem>>)
      %dma_wait3A_385 = tpu.memref_slice %arg4[%mul3A_382] : memref<512xf32, #tpu.memory_space<hbm>> -> memref<16xf32, #tpu.memory_space<hbm>>
      %dma_wait3A_386 = tpu.memref_slice %arg4[%mul3A_382] : memref<512xf32, #tpu.memory_space<hbm>> -> memref<16xf32, #tpu.memory_space<hbm>>
      tpu.wait_dma2 semaphore(%run_scoped3A : memref<!tpu.dma_semaphore, #tpu.memory_space<semaphore_mem>>) src(%arg8 : memref<16xf32, #tpu.memory_space<vmem>>) dst(%dma_wait3A_386 : memref<16xf32, #tpu.memory_space<hbm>>)
      tpu.yield
    }) : () -> ()
    return
  }
}

module attributes {stable_mosaic.version = 14 : i64} {
  func.func @_tc_body(%arg0: i32, %arg1: memref<2xf32, #tpu.memory_space<smem>>, %arg2: memref<2x8192xf32, #tpu.memory_space<vmem>>, %arg3: memref<256x8192xf32, #tpu.memory_space<vmem>>, %arg4: memref<256x1xf32, #tpu.memory_space<vmem>>, %arg5: memref<1x8192xf32, #tpu.memory_space<vmem>>) attributes {dimension_semantics = [#tpu.dimension_semantics<arbitrary>], iteration_bounds = array<i64: 14>, scalar_prefetch = 0 : i64, scratch_operands = 1 : i64, tpu.core_type = #tpu.core_type<tc>, window_params = [{transform_indices = @transform_0, window_bounds = array<i64: 2>}, {pipeline_mode = #tpu.pipeline_mode<synchronous>, transform_indices = @transform_1, window_bounds = array<i64: 2, 8192>}, {transform_indices = @transform_2, window_bounds = array<i64: 256, 8192>}, {transform_indices = @transform_3, window_bounds = array<i64: 256, 1>}]} {
    %eq3A = arith.constant 0 : i32
    %eq3A_0 = arith.cmpi eq, %arg0, %eq3A : i32
    %convert_element_type3A = arith.extui %eq3A_0 : i1 to i32
    %cond3A = arith.constant 0 : i32
    %cond3A_1 = arith.cmpi ne, %convert_element_type3A, %cond3A : i32
    scf.if %cond3A_1 {
      %get3A_12 = arith.constant 0 : index
      %get3A_13 = memref.load %arg1[%get3A_12] : memref<2xf32, #tpu.memory_space<smem>>
      %get3A_14 = arith.constant 1 : index
      %get3A_15 = memref.load %arg1[%get3A_14] : memref<2xf32, #tpu.memory_space<smem>>
      %sub3A = arith.constant 1.000000e+00 : f32
      %sub3A_16 = arith.subf %sub3A, %get3A_13 : f32
      %get3A_17 = arith.constant 0 : index
      %get3A_18 = arith.constant 0 : index
      %get3A_19 = vector.load %arg2[%get3A_17, %get3A_18] : memref<2x8192xf32, #tpu.memory_space<vmem>>, vector<1x8192xf32>
      %get3A_20 = arith.constant 1 : index
      %get3A_21 = arith.constant 0 : index
      %get3A_22 = vector.load %arg2[%get3A_20, %get3A_21] : memref<2x8192xf32, #tpu.memory_space<vmem>>, vector<1x8192xf32>
      %pow3A = vector.broadcast %sub3A_16 : f32 to vector<1x8192xf32>
      %pow3A_23 = math.powf %get3A_22, %pow3A : vector<1x8192xf32>
      %pow3A_24 = vector.broadcast %sub3A_16 : f32 to vector<1x8192xf32>
      %pow3A_25 = math.powf %get3A_19, %pow3A_24 : vector<1x8192xf32>
      %sub3A_26 = arith.subf %pow3A_23, %pow3A_25 : vector<1x8192xf32>
      %mul3A = vector.broadcast %get3A_15 : f32 to vector<1x8192xf32>
      %mul3A_27 = arith.mulf %mul3A, %sub3A_26 : vector<1x8192xf32>
      %div3A = vector.broadcast %sub3A_16 : f32 to vector<1x8192xf32>
      %div3A_28 = arith.divf %mul3A_27, %div3A : vector<1x8192xf32>
      %swap3A_29 = arith.constant 0 : index
      %swap3A_30 = arith.constant 0 : index
      %swap3A_31 = vector.load %arg5[%swap3A_29, %swap3A_30] : memref<1x8192xf32, #tpu.memory_space<vmem>>, vector<1x8192xf32>
      tpu.vector_store %arg5[%swap3A_29, %swap3A_30], %div3A_28 {strides = array<i32>} : memref<1x8192xf32, #tpu.memory_space<vmem>>, vector<1x8192xf32>,
    } else {
    }
    %get3A = arith.constant 0 : index
    %get3A_2 = arith.constant 0 : index
    %get3A_3 = vector.load %arg3[%get3A, %get3A_2] : memref<256x8192xf32, #tpu.memory_space<vmem>>, vector<256x8192xf32>
    %get3A_4 = arith.constant 0 : index
    %get3A_5 = arith.constant 0 : index
    %get3A_6 = vector.load %arg5[%get3A_4, %get3A_5] : memref<1x8192xf32, #tpu.memory_space<vmem>>, vector<1x8192xf32>
    %dot_general3A = arith.constant dense<0.000000e+00> : vector<256x1xf32>
    %dot_general3A_7 = tpu.matmul %get3A_3, %get3A_6, %dot_general3A {dimension_numbers = #tpu.dot_dimension_numbers<[1], [1], [0], [0], [0, 0, 1, 0], [], []>, transpose_lhs_hint = false} : vector<256x8192xf32>, vector<1x8192xf32>, vector<256x1xf32> -> vector<256x1xf32>
    %max3A = arith.constant 9.99999997E-7 : f32
    %max3A_8 = vector.broadcast %max3A : f32 to vector<256x1xf32>
    %max3A_9 = arith.maximumf %dot_general3A_7, %max3A_8 : vector<256x1xf32>
    %swap3A = arith.constant 0 : index
    %swap3A_10 = arith.constant 0 : index
    %swap3A_11 = vector.load %arg4[%swap3A, %swap3A_10] : memref<256x1xf32, #tpu.memory_space<vmem>>, vector<256x1xf32>
    tpu.vector_store %arg4[%swap3A, %swap3A_10], %max3A_9 {strides = array<i32>} : memref<256x1xf32, #tpu.memory_space<vmem>>, vector<256x1xf32>,
    return
  }
  func.func @transform_0(%arg0: i32) -> i32 {
    %c0_i32 = arith.constant 0 : i32
    %c0_i32_0 = arith.constant 0 : i32
    return %c0_i32 : i32
  }
  func.func @transform_1(%arg0: i32) -> (i32, i32) {
    %c0_i32 = arith.constant 0 : i32
    %c0_i32_0 = arith.constant 0 : i32
    %c0_i32_1 = arith.constant 0 : i32
    return %c0_i32, %c0_i32_0 : i32, i32
  }
  func.func @transform_2(%arg0: i32) -> (i32, i32) {
    %c0_i32 = arith.constant 0 : i32
    %c0_i32_0 = arith.constant 0 : i32
    return %arg0, %c0_i32 : i32, i32
  }
  func.func @transform_3(%arg0: i32) -> (i32, i32) {
    %c0_i32 = arith.constant 0 : i32
    %c0_i32_0 = arith.constant 0 : i32
    return %arg0, %c0_i32 : i32, i32
  }
}

module attributes {stable_mosaic.version = 14 : i64} {
  func.func @_flux_body(%arg0: memref<2xf32, #tpu.memory_space<smem>>, %arg1: memref<2x8192xf32, #tpu.memory_space<vmem>>, %arg2: memref<1x8192xf32, #tpu.memory_space<vmem>>) attributes {dimension_semantics = [], scalar_prefetch = 0 : i64, scratch_operands = 0 : i64, tpu.core_type = #tpu.core_type<tc>} {
    %get3A = arith.constant 0 : index
    %get3A_0 = memref.load %arg0[%get3A] : memref<2xf32, #tpu.memory_space<smem>>
    %get3A_1 = arith.constant 1 : index
    %get3A_2 = memref.load %arg0[%get3A_1] : memref<2xf32, #tpu.memory_space<smem>>
    %sub3A = arith.constant 1.000000e+00 : f32
    %sub3A_3 = arith.subf %sub3A, %get3A_0 : f32
    %get3A_4 = arith.constant 0 : index
    %get3A_5 = arith.constant 0 : index
    %get3A_6 = vector.load %arg1[%get3A_4, %get3A_5] : memref<2x8192xf32, #tpu.memory_space<vmem>>, vector<1x8192xf32>
    %get3A_7 = arith.constant 1 : index
    %get3A_8 = arith.constant 0 : index
    %get3A_9 = vector.load %arg1[%get3A_7, %get3A_8] : memref<2x8192xf32, #tpu.memory_space<vmem>>, vector<1x8192xf32>
    %pow3A = vector.broadcast %sub3A_3 : f32 to vector<1x8192xf32>
    %pow3A_10 = math.powf %get3A_9, %pow3A : vector<1x8192xf32>
    %pow3A_11 = vector.broadcast %sub3A_3 : f32 to vector<1x8192xf32>
    %pow3A_12 = math.powf %get3A_6, %pow3A_11 : vector<1x8192xf32>
    %sub3A_13 = arith.subf %pow3A_10, %pow3A_12 : vector<1x8192xf32>
    %mul3A = vector.broadcast %get3A_2 : f32 to vector<1x8192xf32>
    %mul3A_14 = arith.mulf %mul3A, %sub3A_13 : vector<1x8192xf32>
    %div3A = vector.broadcast %sub3A_3 : f32 to vector<1x8192xf32>
    %div3A_15 = arith.divf %mul3A_14, %div3A : vector<1x8192xf32>
    %swap3A = arith.constant 0 : index
    %swap3A_16 = arith.constant 0 : index
    %swap3A_17 = vector.load %arg2[%swap3A, %swap3A_16] : memref<1x8192xf32, #tpu.memory_space<vmem>>, vector<1x8192xf32>
    tpu.vector_store %arg2[%swap3A, %swap3A_16], %div3A_15 {strides = array<i32>} : memref<1x8192xf32, #tpu.memory_space<vmem>>, vector<1x8192xf32>,
    return
  }
}

</mosaic_0001>

<sc_bundles>
// kernel: kernel.5.cloned.1.call-start
scs
__scs_entry_jumppad:
0x0: {  	(pc) =	sbr.rel $0x88, $3  }
0x1: {  	(tag) =	ssettag $0x0;
	lr =	simm.s32 $0x1  }
0x2: {  	[smem:$0x3F9E] =	sst lr;
	_ =	strace $0xD0000000  }
0x3: {  	_ = 	snop  }
0x4: {  	_ = 	snop  }
0x5: {  	_ = 	snop  }
0x6: {  	_ = 	snop  }
0x7: {  	_ = 	snop  }
__scs_overlays_trampoline_lowered:
0x8: {  	[smem:$0x3FAD] =	sst s0  }
0x9: {  	[smem:$0x3FAE] =	sst s1  }
0xa: {  	[smem:$0x3FAF] =	sst s2  }
0xb: {  	[smem:$0x3FB0] =	sst s3  }
0xc: {  	[smem:$0x3FB1] =	sst s4  }
0xd: {  	[smem:$0x3FB2] =	sst s5  }
0xe: {  	[smem:$0x3FB3] =	sst s6  }
0xf: {  	[smem:$0x3FB4] =	sst s7  }
0x10: {  	[smem:$0x3FB5] =	sst s8  }
0x11: {  	[smem:$0x3FB6] =	sst s9;
	s0 =	simm.s32 @!p0 $0x0  }
0x12: {  	s1 =	sld [smem:$0x3F9C];
	s0 =	simm.s32 @p0 $0x1  }
0x13: {  	[smem:$0x3FB7] =	sst s0;
	s0 =	simm.s32 @!p1 $0x0  }
0x14: {  	s2 =	sld [smem:$0x3F9B];
	s0 =	simm.s32 @p1 $0x1  }
0x15: {  	[smem:$0x3FB8] =	sst s0;
	s0 =	simm.s32 @!p2 $0x0  }
0x16: {  	s3 =	sld [smem:$0x3FDB];
	s0 =	simm.s32 @p2 $0x1  }
0x17: {  	s4 =	simm.s32 $0x1BF5;
	[smem:$0x3FBA] =	sst s0  }
0x18: {  	s0 =	sld [smem:$0x3F9D];
	_ =	swait.ge [sflag:s4], $0x0  }
0x19: {  	s7 =	sld [smem:$0x3F9E]  }
0x1a: {  	s8 =	sadd.s32 $0xFFFFE003, lr  }
0x1b: {  	s9 =	sadd.s32 $0xFFFFFEF7, lr;
	s5 =	simm.s32 $0xFFFFFFFF;
	p2 =	slt.u32 s8, $0xFFFFF086  }
0x1c: {  	p1 =	slt.u32 s9, $0xF7A;
	s5 =	simm.s32 @!p2 $0x0  }
0x1d: {  	s5 =	simm.s32 @p1 $0x1;
	p0 =	seq.s32 s7, s2  }
0x1e: {  	s7 =	smul.u32 @!p0 $0xF7A, s2;
	p2 =	seq.s32 @!p0 s5, $0x0  }
0x1f: {  	s9 =	smul.u32 $0xF7A, s1;
	s8 =	simm.s32 @!p0 $0x1BF5;
	p2 =	por !p2, p0  }
0x20: {  	[sflag:s8] =	ssyncset.s32 @!p0 $0xFFFFF086;
	s6 =	sadd.s32 @!p0 s3, s7;
	s7 =	simm.s32 @!p0 $0x108  }
0x21: {  	s3 =	sadd.s32 s3, s9;
	s6 =	sadd.s32 @!p0 $0x88, s6;
	s7 =	simm.s32 @p2 $0x1082  }
0x22: {  	[simem:s7], [sflag:s8] =	dma.local @!p0 [hbm:s6], $0xF7A  }
0x23: {  	s9 =	sor.u32 $0xD0000000, s2;
	s6 =	simm.s32 $0x108;
	_ =	swait.ge @!p0 [sflag:s8], $0x0  }
0x24: {  	s3 =	sadd.s32 $0x88, s3;
	s6 =	simm.s32 @!p1 $0x1082;
	[sflag:s4] =	ssyncset.s32 $0xFFFFF086  }
0x25: {  	[simem:s6], [sflag:s4] =	dma.local [hbm:s3], $0xF7A  }
0x26: {  	[smem:$0x3F9E] =	sst s1;
	(tag) =	ssettag s2;
	_ =	strace s9  }
0x27: {  	s1 =	sld [smem:$0x3FAE]  }
0x28: {  	s2 =	sld [smem:$0x3FAF]  }
0x29: {  	s4 =	sld [smem:$0x3FB1]  }
0x2a: {  	p0 =	seq.s32 s5, $0x0;
	s5 =	sld [smem:$0x3FB2]  }
0x2b: {  	s6 =	sld [smem:$0x3FB3]  }
0x2c: {  	s7 =	sld [smem:$0x3FB4]  }
0x2d: {  	s3 =	simm.s32 $0x108;
	s8 =	sld [smem:$0x3FB5]  }
0x2e: {  	s3 =	simm.s32 @!p0 $0x1082;
	s9 =	sld [smem:$0x3FB6]  }
0x2f: {  	lr =	sadd.s32 s0, s3;
	s0 =	sld [smem:$0x3FAD]  }
0x30: {  	s3 =	sld [smem:$0x3FB0]  }
0x31: {  	[smem:$0x3FB9] =	sst s10  }
0x32: {  	s10 =	sld [smem:$0x3FB7];
	_ =	sdelay $0x3  }
0x33: {  	p0 =	seq.s32 s10, $0x1;
	s10 =	sld [smem:$0x3FB9];
	_ =	sdelay $0x3  }
0x34: {  	[smem:$0x3FB9] =	sst s10  }
0x35: {  	s10 =	sld [smem:$0x3FB8];
	_ =	sdelay $0x3  }
0x36: {  	p1 =	seq.s32 s10, $0x1;
	s10 =	sld [smem:$0x3FB9];
	_ =	sdelay $0x3  }
0x37: {  	[smem:$0x3FB9] =	sst s10  }
0x38: {  	s10 =	sld [smem:$0x3FBA]  }
0x39: {  	_ = 	snop;
	(pc) =	sbr.ind lr, $3  }
0x3a: {  	_ = 	snop  }
0x3b: {  	_ = 	snop  }
0x3c: {  	p2 =	seq.s32 s10, $0x1;
	s10 =	sld [smem:$0x3FB9]  }
0x3d: {  	_ =	shalt  }
0x3e: {  	_ =	shalt  }
0x3f: {  	_ =	shalt  }
0x40: {  	_ =	shalt  }
0x41: {  	_ =	shalt  }
0x42: {  	_ =	shalt  }
0x43: {  	_ =	shalt  }
0x44: {  	_ =	shalt  }
0x45: {  	_ =	shalt  }
0x46: {  	_ =	shalt  }
0x47: {  	_ =	shalt  }
0x48: {  	_ =	shalt  }
0x49: {  	_ =	shalt  }
0x4a: {  	_ =	shalt  }
0x4b: {  	_ =	shalt  }
0x4c: {  	_ =	shalt  }
0x4d: {  	_ =	shalt  }
0x4e: {  	_ =	shalt  }
0x4f: {  	_ =	shalt  }
0x50: {  	_ =	shalt  }
0x51: {  	_ =	shalt  }
0x52: {  	_ =	shalt  }
0x53: {  	_ =	shalt  }
0x54: {  	_ =	shalt  }
0x55: {  	_ =	shalt  }
0x56: {  	_ =	shalt  }
0x57: {  	_ =	shalt  }
0x58: {  	_ =	shalt  }
0x59: {  	_ =	shalt  }
0x5a: {  	_ =	shalt  }
0x5b: {  	_ =	shalt  }
0x5c: {  	_ =	shalt  }
0x5d: {  	_ =	shalt  }
0x5e: {  	_ =	shalt  }
0x5f: {  	_ =	shalt  }
0x60: {  	_ =	shalt  }
0x61: {  	_ =	shalt  }
0x62: {  	_ =	shalt  }
0x63: {  	_ =	shalt  }
0x64: {  	_ =	shalt  }
0x65: {  	_ =	shalt  }
0x66: {  	_ =	shalt  }
0x67: {  	_ =	shalt  }
0x68: {  	_ =	shalt  }
0x69: {  	_ =	shalt  }
0x6a: {  	_ =	shalt  }
0x6b: {  	_ =	shalt  }
0x6c: {  	_ =	shalt  }
0x6d: {  	_ =	shalt  }
0x6e: {  	_ =	shalt  }
0x6f: {  	_ =	shalt  }
0x70: {  	_ =	shalt  }
0x71: {  	_ =	shalt  }
0x72: {  	_ =	shalt  }
0x73: {  	_ =	shalt  }
0x74: {  	_ =	shalt  }
0x75: {  	_ =	shalt  }
0x76: {  	_ =	shalt  }
0x77: {  	_ =	shalt  }
0x78: {  	_ =	shalt  }
0x79: {  	_ =	shalt  }
0x7a: {  	_ =	shalt  }
0x7b: {  	_ =	shalt  }
0x7c: {  	_ =	shalt  }
0x7d: {  	_ =	shalt  }
0x7e: {  	_ =	shalt  }
0x7f: {  	_ =	shalt  }
0x80: {  	_ =	shalt  }
0x81: {  	_ =	shalt  }
0x82: {  	_ =	shalt  }
0x83: {  	_ =	shalt  }
0x84: {  	_ =	shalt  }
0x85: {  	_ =	shalt  }
0x86: {  	_ =	shalt  }
0x87: {  	_ =	shalt  }
.Lfunc_end0:
.L_simem_size_0:
called_computation_lowered:
.L_overlay_start_0:
0x88: {  	s2 =	sld [smem:$0x3FD9]  }
0x89: {  	s3 =	sld [smem:$0x3FFE];
	_ =	sdelay $0x1  }
0x8a: {  	s1 =	srdreg.scid  }
0x8b: {  	s0 =	sand.u32 $0x1, s1  }
0x8c: {  	s17 =	sshll.u32 s0, $0xA;
	s2 =	sadd.s32 s3, s2  }
0x8d: {  	s2 =	sadd.s32 s2, s17  }
0x8e: {  	[smem:$0x3FC5] =	sst s2  }
0x8f: {  	_ = 	snop  }
0x90: {  	s2 =	sld [smem:$0x3FC8];
	(tm) =	ssettm $0x1  }
0x91: {  	s18 =	sld [smem:$0x3FFB];
	_ =	sdelay $0x3  }
0x92: {  	_ =	strace s18  }
0x93: {  	s3 =	sld [smem:$0x3FFC];
	_ =	sdelay $0x3  }
0x94: {  	_ =	strace s3  }
0x95: {  	s3 =	sld [smem:$0x3FFD];
	_ =	sdelay $0x3  }
0x96: {  	_ =	strace s3  }
0x97: {  	_ =	strace $0x8FFFFFFF  }
0x98: {  	s19 =	sld [smem:$0x3FDB];
	_ =	sdelay $0x1  }
0x99: {  	s4 =	simm.s32 $_scs_section_size  }
0x9a: {  	s5 =	simm.s32 $_size__tile_overlayer_lowered;
	s6 =	simm.s32 $_tile_overlayer_lowered  }
0x9b: {  	s22 =	simm.s32 $0x1BFF;
	s21 =	sshll.u32 s6, $0x1;
	s3 =	sadd.s32 s4, s19  }
0x9c: {  	s7 =	simm.s32 $0x0;
	s20 =	sshll.u32 s5, $0x1;
	s5 =	sadd.s32 s21, s3  }
0x9d: {  	[timem:s7], [sflag:s22] =	dma.local [hbm:s5], s20  }
0x9e: {  	_ =	swait.ge [sflag:s22], s20  }
0x9f: {  	s4 =	ssub.s32 $0x0, s20;
	[sflag:s22] =	ssyncset.done $0x0  }
0xa0: {  	[sflag:s22] =	ssyncadd.s32 s4;
	_ =	sdelay $0x1  }
0xa1: {  	s23 =	simm.s32 $0x1B8B  }
0xa2: {  	_ =	swait.ge [sflag:s23], $0x1  }
0xa3: {  	[sflag:s23] =	ssyncset.done $0x0  }
0xa4: {  	s25 =	simm.s32 $0x1B8E;
	s24 =	sld [smem:$0x3FFE];
	[sflag:s23] =	ssyncadd.s32 $0xFFFFFFFF  }
0xa5: {  	s26 =	simm.s32 $execute0_lowered;
	[smem:$0x3FD2] =	sst s25  }
0xa6: {  	s5 =	sshll.u32 s26, $0x1;
	_ =	strace $0x80000046;
	[dreg:$0x1] =	wrdreg $0xFFFFFFFF  }
0xa7: {  	s28 =	simm.s32 $_size_execute0_lowered;
	s3 =	sadd.s32 s3, s5;
	[dreg:$0x0] =	wrdreg $0x0  }
0xa8: {  	s5 =	sshll.u32 s28, $0x1;
	[dreg:$0x2] =	wrdreg s3  }
0xa9: {  	[dreg:$0x3] =	wrdreg s5  }
0xaa: {  	[dreg:$0x4] =	wrdreg $0xC0  }
0xab: {  	_ =	task [dreg:s7], $0x5FFFF  }
0xac: {  	[dreg:$0x1] =	wrdreg $0xFFFFFFFF  }
0xad: {  	[dreg:$0x0] =	wrdreg $0x60  }
0xae: {  	[dreg:$0x2] =	wrdreg s2  }
0xaf: {  	[dreg:$0x3] =	wrdreg s24  }
0xb0: {  	[dreg:$0x4] =	wrdreg $0x9  }
0xb1: {  	_ =	task.clear_ibuf [dreg:s7], $0x5FFFF;
	_ =	strace $0x90000046  }
0xb2: {  	s29 =	simm.s32 $0x9;
	_ =	strace $0x80000048  }
0xb3: {  	_ =	swait.ge [sflag:s29], $0x1  }
0xb4: {  	[sflag:s29] =	ssyncadd.s32 $0xFFFFFFFF  }
0xb5: {  	_ =	strace $0x90000048  }
0xb6: {  	_ =	sfence  }
0xb7: {  	s30 =	sld [smem:$0x0];
	_ =	sdelay $0x2  }
0xb8: {  	s31 =	sshll.u32 s1, $0xD;
	s1 =	sshrl.u32 s1, $0x2  }
0xb9: {  	s3 =	sand.u32 $0x4000, s31;
	s1 =	sadd.s32 s1, s30  }
0xba: {  	s0 =	sor.u32 s3, s0;
	s1 =	sshll.u32 s1, $0x11  }
0xbb: {  	s0 =	sor.u32 s1, s0  }
0xbc: {  	s0 =	sadd.s32 $0x8F2B, s0  }
0xbd: {  	[sflag:s0] =	ssyncadd.remote.s32 $0x1  }
0xbe: {  	_ =	sfence.sel $0xFFFF  }
0xbf: {  	[dreg:$0x0] =	wrdreg $0xFFFFFFFF;
	(pc) =	sbr.abs _section_cstart, $3  }
0xc0: {  	[dreg:$0x1] =	wrdreg $0xFFFFFFFF  }
0xc1: {  	_ =	task.clear_ibuf [dreg:s7], $0x2FFFF;
	_ =	strace $0x9FFFFFFF  }
0xc2: {  	(tm) =	ssettm $0x7FFFFFFF  }
0xc3: {  	_ =	shalt  }
tec
execute0_lowered:
.L_overlay_start_1:
0x0: {  	(tag) =	ssettag $0x1  }
0x1: {  	s4 =	rddreg [dreg:$0x0]  }
0x2: {  	s5 =	rddreg [dreg:$0x1]  }
0x3: {  	s0 =	rddreg [dreg:$0x2]  }
0x4: {  	s3 =	srdreg.scid;
	s2 =	simm.s32 $0x0;
	s1 =	stileid.u32  }
0x5: {  	s11 =	simm.s32 $0x400;
	s12 =	simm.s32 $0x2000;
	s13 =	simm.s32 $0x3  }
0x6: {  	s14 =	simm.s32 $0xA000;
	s15 =	simm.s32 $0x1;
	s16 =	simm.s32 $0x2  }
0x7: {  	v0 =	vlaneseq.u32;
	s17 =	simm.s32 $0x12000;
	s18 =	simm.s32 $0x12800;
	s19 =	simm.s32 $0x0  }
0x8: {  	s6 =	sand.u32 $0x1, s3;
	[smem:$0x7FF] =	sst s2;
	s31 =	sshll.u32 s1, $0x5;
	v0 =	vmul.u32 $0x80, v0  }
0x9: {  	s3 =	sadd.s32 $0xA00, s5;
	s7 =	sshll.u32 s6, $0x4;
	s6 =	ssub.s32 $0x2, s6  }
0xa: {  	_ =	strace $0x80000047;
	s7 =	sor.u32 s7, s31;
	s9 =	sshrl.u32 s6, $0x1;
	v1 =	vor.u32 $0x1, v0;
	v2 =	vor.u32 $0x2, v0;
	v3 =	vor.u32 $0x3, v0  }
0xb: {  	v4 =	vor.u32 $0x4, v0;
	v5 =	vor.u32 $0x5, v0;
	v6 =	vor.u32 $0x6, v0;
	s8 =	sshll.u32 s7, $0xA;
	s7 =	sshrl.u32 s7, $0x3;
	s9 =	ssub.s32 s6, s9  }
0xc: {  	v9 =	vor.u32 $0x9, v0;
	v10 =	vor.u32 $0xA, v0;
	v11 =	vor.u32 $0xB, v0;
	s8 =	sadd.s32 s8, s4;
	s10 =	sadd.s32 s7, s5;
	s9 =	smax.u32 s9, $0x1  }
0xd: {  	v7 =	vor.u32 $0x7, v0;
	v12 =	vor.u32 $0xC, v0;
	v13 =	vor.u32 $0xD, v0;
	s4 =	sadd.s32 $0x380040, s8;
	s5 =	sadd.s32 $0x380000, s8;
	s6 =	sadd.s32 $0x382000, s8  }
0xe: {  	v8 =	vor.u32 $0x8, v0;
	v14 =	vor.u32 $0xE, v0;
	v15 =	vor.u32 $0xF, v0;
	s7 =	sadd.s32 $0x382040, s8;
	s8 =	sadd.s32 $0xE00, s10;
	s10 =	simm.s32 $0x200  }
.LBB2_1:
0xf: {  	[tilespmem:s12], [sflag:$0x1] =	stream.strided.gather [hbm4b:s5+s10], $0x8000, s11, s10, $0x38;
	[tilespmem:$0x12880] =	vst v63  }
0x10: {  	_ = 	snop  }
0x11: {  	[tilespmem:s2], [sflag:$0x3] =	stream.linear.gather [hbm4b:s3+s2], $0x2000, $0x38;
	[tilespmem:$0x12880] =	vst v63  }
0x12: {  	_ =	swait.ge [sflag:s13], $0x2000  }
0x13: {  	[sflag:s13] =	ssyncset.done $0x0  }
0x14: {  	[sflag:s13] =	ssyncadd.s32 $0xFFFFE000  }
0x15: {  	[tilespmem:s14], [sflag:$0x2] =	stream.strided.gather [hbm4b:s4+s10], $0x8000, s11, s10, $0x38;
	[tilespmem:$0x12880] =	vst v63  }
0x16: {  	s20 =	sand.u32 $0x1F800, s2;
	_ =	swait.ge [sflag:s15], $0x8000  }
0x17: {  	s20 =	sshrl.u32 s20, $0x2;
	[sflag:s15] =	ssyncset.done $0x0  }
0x18: {  	s21 =	sand.u32 $0x40, s2;
	s22 =	sadd.s32 $0x2000, s20;
	[sflag:s15] =	ssyncadd.s32 $0xFFFF8000  }
0x19: {  	s24 =	sand.u32 $0x1F80, s2;
	s23 =	sor.u32 $0x10, s21;
	s20 =	sor.u32 s21, s22;
	v16 =	vld [tilespmem:s2+$0x0]  }
0x1a: {  	s29 =	sor.u32 s23, s24;
	v17 =	vld [tilespmem:s20+$0x0]  }
0x1b: {  	s30 =	sor.u32 $0x20, s21;
	s23 =	sor.u32 s23, s22;
	v19 =	vld [tilespmem:s29+$0x0]  }
0x1c: {  	s31 =	sor.u32 s30, s24;
	v20 =	vld [tilespmem:s23+$0x0]  }
0x1d: {  	s25 =	simm.s32 $0x400;
	s21 =	sor.u32 $0x30, s21;
	s20 =	sor.u32 s30, s22;
	v22 =	vld [tilespmem:s31+$0x0]  }
0x1e: {  	s24 =	sor.u32 s21, s24;
	s23 =	sand.u32 $0x1F800, s25;
	v23 =	vld [tilespmem:s20+$0x0]  }
0x1f: {  	s22 =	sor.u32 s21, s22;
	v24 =	vld [tilespmem:s24+$0x0];
	s20 =	simm.s32 $0x40;
	s23 =	sshrl.u32 s23, $0x2;
	v16 =	vmul.f32 v16, v17  }
0x20: {  	v25 =	vld [tilespmem:s22+$0x0];
	s24 =	sand.u32 $0x40, s20;
	s21 =	sadd.s32 $0x2000, s23;
	v17 =	vimm.f32 $0.0e+00  }
0x21: {  	v18 =	vld [tilespmem:s20+$0x0];
	s28 =	sand.u32 $0x1F80, s20;
	s26 =	sor.u32 s24, s21;
	s29 =	sor.u32 $0x10, s24;
	v19 =	vmul.f32 v19, v20;
	v17 =	vadd.f32 v16, v17  }
0x22: {  	v21 =	vld [tilespmem:s26+$0x0];
	s30 =	sor.u32 s29, s28  }
0x23: {  	s25 =	sor.u32 $0x20, s24;
	s23 =	sor.u32 s29, s21;
	v22 =	vmul.f32 v22, v23;
	v16 =	vld [tilespmem:s30+$0x0];
	v20 =	vadd.f32 v19, v17  }
0x24: {  	s22 =	simm.s32 $0x80;
	s31 =	sor.u32 s25, s28;
	v19 =	vld [tilespmem:s23+$0x0]  }
0x25: {  	s29 =	sor.u32 s25, s21;
	s25 =	sor.u32 $0x30, s24;
	v23 =	vmul.f32 v24, v25;
	v17 =	vld [tilespmem:s31+$0x0];
	s23 =	simm.s32 $0x800;
	v22 =	vadd.f32 v22, v20  }
0x26: {  	s24 =	simm.s32 $0xC0;
	s28 =	sor.u32 s25, s28;
	s26 =	sand.u32 $0x1F800, s23;
	v20 =	vld [tilespmem:s29+$0x0]  }
.LBB2_2:
0x27: {  	p0 =	sne.s32 s24, $0x1FC0;
	s26 =	sshrl.u32 s26, $0x2;
	v21 =	vmul.f32 v18, v21;
	s25 =	sor.u32 s25, s21;
	v24 =	vld [tilespmem:s28+$0x0];
	v22 =	vadd.f32 v23, v22  }
0x28: {  	s28 =	sand.u32 $0x40, s22;
	s20 =	sadd.s32 $0x40, s20;
	s21 =	sadd.s32 $0x2000, s26;
	v23 =	vld [tilespmem:s25+$0x0]  }
0x29: {  	s29 =	sand.u32 $0x1F80, s22;
	s26 =	sor.u32 $0x10, s28;
	s25 =	sor.u32 s28, s21;
	v18 =	vld [tilespmem:s20+$0x0];
	v22 =	vadd.f32 v21, v22;
	v19 =	vmul.f32 v16, v19  }
.Ltmp0:
0x2a: {  	s22 =	smov.u32 s24;
	v21 =	vld [tilespmem:s25+$0x0];
	s25 =	sor.u32 s26, s29;
	(pc) =	sbr.rel @p0 .LBB2_2-.Ltmp0, $4  }
0x2b: {  	s26 =	sor.u32 s26, s21;
	v16 =	vld [tilespmem:s25+$0x0];
	s25 =	sor.u32 $0x20, s28;
	v22 =	vadd.f32 v19, v22;
	v20 =	vmul.f32 v17, v20  }
0x2c: {  	v19 =	vld [tilespmem:s26+$0x0];
	s26 =	sor.u32 s25, s29  }
0x2d: {  	s23 =	sadd.s32 $0x400, s23;
	s30 =	sor.u32 s25, s21;
	s25 =	sor.u32 $0x30, s28;
	v17 =	vld [tilespmem:s26+$0x0];
	v22 =	vadd.f32 v20, v22;
	v23 =	vmul.f32 v24, v23  }
0x2e: {  	s24 =	sadd.s32 $0x40, s24;
	s26 =	sand.u32 $0x1F800, s23;
	s28 =	sor.u32 s25, s29;
	v20 =	vld [tilespmem:s30+$0x0]  }
0x2f: {  	s23 =	sshrl.u32 s26, $0x2;
	v18 =	vmul.f32 v18, v21;
	s21 =	sor.u32 s25, s21;
	v21 =	vld [tilespmem:s28+$0x0];
	v22 =	vadd.f32 v23, v22  }
0x30: {  	s24 =	sand.u32 $0x40, s22;
	s20 =	sadd.s32 $0x40, s20;
	s23 =	sadd.s32 $0x2000, s23;
	v23 =	vld [tilespmem:s21+$0x0]  }
0x31: {  	s26 =	sand.u32 $0x1F80, s22;
	v24 =	vld [tilespmem:s20+$0x0];
	s25 =	sor.u32 $0x10, s24;
	s31 =	sor.u32 s24, s23;
	v18 =	vadd.f32 v18, v22;
	v16 =	vmul.f32 v16, v19  }
0x32: {  	s29 =	sor.u32 s25, s26;
	v19 =	vld [tilespmem:s31+$0x0]  }
0x33: {  	s30 =	sor.u32 $0x20, s24;
	s20 =	sor.u32 s25, s23;
	v22 =	vld [tilespmem:s29+$0x0];
	v16 =	vadd.f32 v16, v18;
	v17 =	vmul.f32 v17, v20  }
0x34: {  	s31 =	sor.u32 s30, s26;
	v18 =	vld [tilespmem:s20+$0x0]  }
0x35: {  	s21 =	sor.u32 s30, s23;
	s24 =	sor.u32 $0x30, s24;
	v20 =	vld [tilespmem:s31+$0x0];
	v16 =	vadd.f32 v17, v16;
	v17 =	vmul.f32 v21, v23  }
0x36: {  	s25 =	sor.u32 s24, s26;
	v21 =	vld [tilespmem:s21+$0x0]  }
0x37: {  	s20 =	sor.u32 s24, s23;
	v23 =	vld [tilespmem:s25+$0x0];
	v19 =	vmul.f32 v24, v19;
	v16 =	vadd.f32 v17, v16  }
0x38: {  	v17 =	vld [tilespmem:s20+$0x0]  }
0x39: {  	v18 =	vmul.f32 v22, v18;
	v16 =	vadd.f32 v19, v16;
	_ =	sdelay $0x1  }
0x3a: {  	v16 =	vadd.f32 v18, v16;
	v18 =	vmul.f32 v20, v21;
	_ =	sdelay $0x1  }
0x3b: {  	v17 =	vmul.f32 v23, v17;
	v16 =	vadd.f32 v18, v16  }
0x3c: {  	s26 =	simm.s32 $0x0  }
0x3d: {  	s29 =	sand.u32 $0x1F800, s26;
	v16 =	vadd.f32 v17, v16  }
0x3e: {  	s21 =	sshrl.u32 s29, $0x2  }
0x3f: {  	s22 =	sand.u32 $0x40, s26;
	s21 =	sadd.s32 $0x2000, s21;
	[tilespmem:$0x12000] =	vst v16  }
0x40: {  	s31 =	sor.u32 $0x10, s22;
	s30 =	sor.u32 s22, s21;
	s20 =	sand.u32 $0x1F80, s26;
	v16 =	vld [tilespmem:s26+$0x0]  }
0x41: {  	s25 =	sor.u32 s31, s20;
	v17 =	vld [tilespmem:s30+$0x80]  }
0x42: {  	s24 =	sor.u32 s31, s21;
	v19 =	vld [tilespmem:s25+$0x0];
	s26 =	sor.u32 $0x20, s22  }
0x43: {  	v20 =	vld [tilespmem:s24+$0x80];
	s29 =	sor.u32 s26, s20  }
0x44: {  	s22 =	sor.u32 $0x30, s22;
	s30 =	simm.s32 $0x400;
	s23 =	sor.u32 s26, s21;
	v22 =	vld [tilespmem:s29+$0x0]  }
0x45: {  	s24 =	sand.u32 $0x1F800, s30;
	s31 =	sor.u32 s22, s20;
	v23 =	vld [tilespmem:s23+$0x80]  }
0x46: {  	s20 =	simm.s32 $0x40;
	s22 =	sor.u32 s22, s21;
	s24 =	sshrl.u32 s24, $0x2;
	v63 =	vld [tilespmem:s31+$0x0];
	v16 =	vmul.f32 v16, v17  }
0x47: {  	s23 =	sand.u32 $0x40, s20;
	v25 =	vld [tilespmem:s22+$0x80];
	s21 =	sadd.s32 $0x2000, s24;
	v17 =	vimm.f32 $0.0e+00  }
0x48: {  	v18 =	vld [tilespmem:s20+$0x0];
	s28 =	sand.u32 $0x1F80, s20;
	s26 =	sor.u32 $0x10, s23;
	s25 =	sor.u32 s23, s21;
	v19 =	vmul.f32 v19, v20;
	v17 =	vadd.f32 v16, v17  }
0x49: {  	s29 =	sor.u32 s26, s28;
	v21 =	vld [tilespmem:s25+$0x80]  }
0x4a: {  	s30 =	sor.u32 $0x20, s23;
	s24 =	sor.u32 s26, s21;
	v16 =	vld [tilespmem:s29+$0x0];
	v22 =	vmul.f32 v22, v23;
	v20 =	vadd.f32 v19, v17  }
0x4b: {  	s22 =	simm.s32 $0x80;
	s31 =	sor.u32 s30, s28;
	v19 =	vld [tilespmem:s24+$0x80]  }
0x4c: {  	s25 =	sor.u32 $0x30, s23;
	s23 =	simm.s32 $0x800;
	s29 =	sor.u32 s30, s21;
	v23 =	vmul.f32 v63, v25;
	v17 =	vld [tilespmem:s31+$0x0];
	v22 =	vadd.f32 v22, v20  }
0x4d: {  	s26 =	sand.u32 $0x1F800, s23;
	s28 =	sor.u32 s25, s28;
	s24 =	simm.s32 $0xC0;
	v20 =	vld [tilespmem:s29+$0x80]  }
.LBB2_4:
0x4e: {  	p0 =	sne.s32 s24, $0x1FC0;
	s26 =	sshrl.u32 s26, $0x2;
	v21 =	vmul.f32 v18, v21;
	s25 =	sor.u32 s25, s21;
	v24 =	vld [tilespmem:s28+$0x0];
	v22 =	vadd.f32 v23, v22  }
0x4f: {  	s28 =	sand.u32 $0x40, s22;
	s20 =	sadd.s32 $0x40, s20;
	s21 =	sadd.s32 $0x2000, s26;
	v23 =	vld [tilespmem:s25+$0x80]  }
0x50: {  	s29 =	sand.u32 $0x1F80, s22;
	s26 =	sor.u32 $0x10, s28;
	s25 =	sor.u32 s28, s21;
	v18 =	vld [tilespmem:s20+$0x0];
	v22 =	vadd.f32 v21, v22;
	v19 =	vmul.f32 v16, v19  }
.Ltmp1:
0x51: {  	s22 =	smov.u32 s24;
	v21 =	vld [tilespmem:s25+$0x80];
	s25 =	sor.u32 s26, s29;
	(pc) =	sbr.rel @p0 .LBB2_4-.Ltmp1, $4  }
0x52: {  	s26 =	sor.u32 s26, s21;
	v16 =	vld [tilespmem:s25+$0x0];
	s25 =	sor.u32 $0x20, s28;
	v22 =	vadd.f32 v19, v22;
	v20 =	vmul.f32 v17, v20  }
0x53: {  	v19 =	vld [tilespmem:s26+$0x80];
	s26 =	sor.u32 s25, s29  }
0x54: {  	s23 =	sadd.s32 $0x400, s23;
	s30 =	sor.u32 s25, s21;
	s25 =	sor.u32 $0x30, s28;
	v17 =	vld [tilespmem:s26+$0x0];
	v22 =	vadd.f32 v20, v22;
	v23 =	vmul.f32 v24, v23  }
0x55: {  	s24 =	sadd.s32 $0x40, s24;
	s26 =	sand.u32 $0x1F800, s23;
	s28 =	sor.u32 s25, s29;
	v20 =	vld [tilespmem:s30+$0x80]  }
0x56: {  	s23 =	sshrl.u32 s26, $0x2;
	v18 =	vmul.f32 v18, v21;
	s21 =	sor.u32 s25, s21;
	v21 =	vld [tilespmem:s28+$0x0];
	v22 =	vadd.f32 v23, v22  }
0x57: {  	s24 =	sand.u32 $0x40, s22;
	s20 =	sadd.s32 $0x40, s20;
	s23 =	sadd.s32 $0x2000, s23;
	v23 =	vld [tilespmem:s21+$0x80]  }
0x58: {  	s26 =	sand.u32 $0x1F80, s22;
	v24 =	vld [tilespmem:s20+$0x0];
	s25 =	sor.u32 $0x10, s24;
	s31 =	sor.u32 s24, s23;
	v18 =	vadd.f32 v18, v22;
	v16 =	vmul.f32 v16, v19  }
0x59: {  	s29 =	sor.u32 s25, s26;
	v19 =	vld [tilespmem:s31+$0x80]  }
0x5a: {  	s30 =	sor.u32 $0x20, s24;
	s20 =	sor.u32 s25, s23;
	v22 =	vld [tilespmem:s29+$0x0];
	v16 =	vadd.f32 v16, v18;
	v17 =	vmul.f32 v17, v20  }
0x5b: {  	s31 =	sor.u32 s30, s26;
	v18 =	vld [tilespmem:s20+$0x80]  }
0x5c: {  	s21 =	sor.u32 s30, s23;
	s24 =	sor.u32 $0x30, s24;
	v20 =	vld [tilespmem:s31+$0x0];
	v16 =	vadd.f32 v17, v16;
	v17 =	vmul.f32 v21, v23  }
0x5d: {  	s25 =	sor.u32 s24, s26;
	v21 =	vld [tilespmem:s21+$0x80]  }
0x5e: {  	s20 =	sor.u32 s24, s23;
	v23 =	vld [tilespmem:s25+$0x0];
	v19 =	vmul.f32 v24, v19;
	v16 =	vadd.f32 v17, v16  }
0x5f: {  	v17 =	vld [tilespmem:s20+$0x80]  }
0x60: {  	v18 =	vmul.f32 v22, v18;
	v16 =	vadd.f32 v19, v16;
	_ =	sdelay $0x1  }
0x61: {  	v16 =	vadd.f32 v18, v16;
	v18 =	vmul.f32 v20, v21;
	_ =	sdelay $0x1  }
0x62: {  	v17 =	vmul.f32 v23, v17;
	v16 =	vadd.f32 v18, v16  }
0x63: {  	s26 =	simm.s32 $0x0  }
0x64: {  	s29 =	sand.u32 $0x1F800, s26;
	v16 =	vadd.f32 v17, v16  }
0x65: {  	s21 =	sshrl.u32 s29, $0x2  }
0x66: {  	s22 =	sand.u32 $0x40, s26;
	s21 =	sadd.s32 $0x2000, s21;
	[tilespmem:$0x12080] =	vst v16  }
0x67: {  	s31 =	sor.u32 $0x10, s22;
	s30 =	sor.u32 s22, s21;
	s20 =	sand.u32 $0x1F80, s26;
	v16 =	vld [tilespmem:s26+$0x0]  }
0x68: {  	s25 =	sor.u32 s31, s20;
	v17 =	vld [tilespmem:s30+$0x100]  }
0x69: {  	s24 =	sor.u32 s31, s21;
	v19 =	vld [tilespmem:s25+$0x0];
	s26 =	sor.u32 $0x20, s22  }
0x6a: {  	v20 =	vld [tilespmem:s24+$0x100];
	s29 =	sor.u32 s26, s20  }
0x6b: {  	s22 =	sor.u32 $0x30, s22;
	s30 =	simm.s32 $0x400;
	s23 =	sor.u32 s26, s21;
	v22 =	vld [tilespmem:s29+$0x0]  }
0x6c: {  	s24 =	sand.u32 $0x1F800, s30;
	s31 =	sor.u32 s22, s20;
	v23 =	vld [tilespmem:s23+$0x100]  }
0x6d: {  	s20 =	simm.s32 $0x40;
	s22 =	sor.u32 s22, s21;
	s24 =	sshrl.u32 s24, $0x2;
	v63 =	vld [tilespmem:s31+$0x0];
	v16 =	vmul.f32 v16, v17  }
0x6e: {  	s23 =	sand.u32 $0x40, s20;
	v25 =	vld [tilespmem:s22+$0x100];
	s21 =	sadd.s32 $0x2000, s24;
	v17 =	vimm.f32 $0.0e+00  }
0x6f: {  	v18 =	vld [tilespmem:s20+$0x0];
	s28 =	sand.u32 $0x1F80, s20;
	s26 =	sor.u32 $0x10, s23;
	s25 =	sor.u32 s23, s21;
	v19 =	vmul.f32 v19, v20;
	v17 =	vadd.f32 v16, v17  }
0x70: {  	s29 =	sor.u32 s26, s28;
	v21 =	vld [tilespmem:s25+$0x100]  }
0x71: {  	s30 =	sor.u32 $0x20, s23;
	s24 =	sor.u32 s26, s21;
	v16 =	vld [tilespmem:s29+$0x0];
	v22 =	vmul.f32 v22, v23;
	v20 =	vadd.f32 v19, v17  }
0x72: {  	s22 =	simm.s32 $0x80;
	s31 =	sor.u32 s30, s28;
	v19 =	vld [tilespmem:s24+$0x100]  }
0x73: {  	s25 =	sor.u32 $0x30, s23;
	s23 =	simm.s32 $0x800;
	s29 =	sor.u32 s30, s21;
	v23 =	vmul.f32 v63, v25;
	v17 =	vld [tilespmem:s31+$0x0];
	v22 =	vadd.f32 v22, v20  }
0x74: {  	s26 =	sand.u32 $0x1F800, s23;
	s28 =	sor.u32 s25, s28;
	s24 =	simm.s32 $0xC0;
	v20 =	vld [tilespmem:s29+$0x100]  }
.LBB2_6:
0x75: {  	p0 =	sne.s32 s24, $0x1FC0;
	s26 =	sshrl.u32 s26, $0x2;
	v21 =	vmul.f32 v18, v21;
	s25 =	sor.u32 s25, s21;
	v24 =	vld [tilespmem:s28+$0x0];
	v22 =	vadd.f32 v23, v22  }
0x76: {  	s28 =	sand.u32 $0x40, s22;
	s20 =	sadd.s32 $0x40, s20;
	s21 =	sadd.s32 $0x2000, s26;
	v23 =	vld [tilespmem:s25+$0x100]  }
0x77: {  	s29 =	sand.u32 $0x1F80, s22;
	s26 =	sor.u32 $0x10, s28;
	s25 =	sor.u32 s28, s21;
	v18 =	vld [tilespmem:s20+$0x0];
	v22 =	vadd.f32 v21, v22;
	v19 =	vmul.f32 v16, v19  }
.Ltmp2:
0x78: {  	s22 =	smov.u32 s24;
	v21 =	vld [tilespmem:s25+$0x100];
	s25 =	sor.u32 s26, s29;
	(pc) =	sbr.rel @p0 .LBB2_6-.Ltmp2, $4  }
0x79: {  	s26 =	sor.u32 s26, s21;
	v16 =	vld [tilespmem:s25+$0x0];
	s25 =	sor.u32 $0x20, s28;
	v22 =	vadd.f32 v19, v22;
	v20 =	vmul.f32 v17, v20  }
0x7a: {  	v19 =	vld [tilespmem:s26+$0x100];
	s26 =	sor.u32 s25, s29  }
0x7b: {  	s23 =	sadd.s32 $0x400, s23;
	s30 =	sor.u32 s25, s21;
	s25 =	sor.u32 $0x30, s28;
	v17 =	vld [tilespmem:s26+$0x0];
	v22 =	vadd.f32 v20, v22;
	v23 =	vmul.f32 v24, v23  }
0x7c: {  	s24 =	sadd.s32 $0x40, s24;
	s26 =	sand.u32 $0x1F800, s23;
	s28 =	sor.u32 s25, s29;
	v20 =	vld [tilespmem:s30+$0x100]  }
0x7d: {  	s23 =	sshrl.u32 s26, $0x2;
	v18 =	vmul.f32 v18, v21;
	s21 =	sor.u32 s25, s21;
	v21 =	vld [tilespmem:s28+$0x0];
	v22 =	vadd.f32 v23, v22  }
0x7e: {  	s24 =	sand.u32 $0x40, s22;
	s20 =	sadd.s32 $0x40, s20;
	s23 =	sadd.s32 $0x2000, s23;
	v23 =	vld [tilespmem:s21+$0x100]  }
0x7f: {  	s26 =	sand.u32 $0x1F80, s22;
	v24 =	vld [tilespmem:s20+$0x0];
	s25 =	sor.u32 $0x10, s24;
	s31 =	sor.u32 s24, s23;
	v18 =	vadd.f32 v18, v22;
	v16 =	vmul.f32 v16, v19  }
0x80: {  	s29 =	sor.u32 s25, s26;
	v19 =	vld [tilespmem:s31+$0x100]  }
0x81: {  	s30 =	sor.u32 $0x20, s24;
	s20 =	sor.u32 s25, s23;
	v22 =	vld [tilespmem:s29+$0x0];
	v16 =	vadd.f32 v16, v18;
	v17 =	vmul.f32 v17, v20  }
0x82: {  	s31 =	sor.u32 s30, s26;
	v18 =	vld [tilespmem:s20+$0x100]  }
0x83: {  	s21 =	sor.u32 s30, s23;
	s24 =	sor.u32 $0x30, s24;
	v20 =	vld [tilespmem:s31+$0x0];
	v16 =	vadd.f32 v17, v16;
	v17 =	vmul.f32 v21, v23  }
0x84: {  	s25 =	sor.u32 s24, s26;
	v21 =	vld [tilespmem:s21+$0x100]  }
0x85: {  	s20 =	sor.u32 s24, s23;
	v23 =	vld [tilespmem:s25+$0x0];
	v19 =	vmul.f32 v24, v19;
	v16 =	vadd.f32 v17, v16  }
0x86: {  	v17 =	vld [tilespmem:s20+$0x100]  }
0x87: {  	v18 =	vmul.f32 v22, v18;
	v16 =	vadd.f32 v19, v16;
	_ =	sdelay $0x1  }
0x88: {  	v16 =	vadd.f32 v18, v16;
	v18 =	vmul.f32 v20, v21;
	_ =	sdelay $0x1  }
0x89: {  	v17 =	vmul.f32 v23, v17;
	v16 =	vadd.f32 v18, v16  }
0x8a: {  	s26 =	simm.s32 $0x0  }
0x8b: {  	s29 =	sand.u32 $0x1F800, s26;
	v16 =	vadd.f32 v17, v16  }
0x8c: {  	s21 =	sshrl.u32 s29, $0x2  }
0x8d: {  	s22 =	sand.u32 $0x40, s26;
	s21 =	sadd.s32 $0x2000, s21;
	[tilespmem:$0x12100] =	vst v16  }
0x8e: {  	s31 =	sor.u32 $0x10, s22;
	s30 =	sor.u32 s22, s21;
	s20 =	sand.u32 $0x1F80, s26;
	v16 =	vld [tilespmem:s26+$0x0]  }
0x8f: {  	s25 =	sor.u32 s31, s20;
	v17 =	vld [tilespmem:s30+$0x180]  }
0x90: {  	s24 =	sor.u32 s31, s21;
	v19 =	vld [tilespmem:s25+$0x0];
	s26 =	sor.u32 $0x20, s22  }
0x91: {  	v20 =	vld [tilespmem:s24+$0x180];
	s29 =	sor.u32 s26, s20  }
0x92: {  	s22 =	sor.u32 $0x30, s22;
	s30 =	simm.s32 $0x400;
	s23 =	sor.u32 s26, s21;
	v22 =	vld [tilespmem:s29+$0x0]  }
0x93: {  	s24 =	sand.u32 $0x1F800, s30;
	s31 =	sor.u32 s22, s20;
	v23 =	vld [tilespmem:s23+$0x180]  }
0x94: {  	s20 =	simm.s32 $0x40;
	s22 =	sor.u32 s22, s21;
	s24 =	sshrl.u32 s24, $0x2;
	v63 =	vld [tilespmem:s31+$0x0];
	v16 =	vmul.f32 v16, v17  }
0x95: {  	s23 =	sand.u32 $0x40, s20;
	v25 =	vld [tilespmem:s22+$0x180];
	s21 =	sadd.s32 $0x2000, s24;
	v17 =	vimm.f32 $0.0e+00  }
0x96: {  	v18 =	vld [tilespmem:s20+$0x0];
	s28 =	sand.u32 $0x1F80, s20;
	s26 =	sor.u32 $0x10, s23;
	s25 =	sor.u32 s23, s21;
	v19 =	vmul.f32 v19, v20;
	v17 =	vadd.f32 v16, v17  }
0x97: {  	s29 =	sor.u32 s26, s28;
	v21 =	vld [tilespmem:s25+$0x180]  }
0x98: {  	s30 =	sor.u32 $0x20, s23;
	s24 =	sor.u32 s26, s21;
	v16 =	vld [tilespmem:s29+$0x0];
	v22 =	vmul.f32 v22, v23;
	v20 =	vadd.f32 v19, v17  }
0x99: {  	s22 =	simm.s32 $0x80;
	s31 =	sor.u32 s30, s28;
	v19 =	vld [tilespmem:s24+$0x180]  }
0x9a: {  	s25 =	sor.u32 $0x30, s23;
	s23 =	simm.s32 $0x800;
	s29 =	sor.u32 s30, s21;
	v23 =	vmul.f32 v63, v25;
	v17 =	vld [tilespmem:s31+$0x0];
	v22 =	vadd.f32 v22, v20  }
0x9b: {  	s26 =	sand.u32 $0x1F800, s23;
	s28 =	sor.u32 s25, s28;
	s24 =	simm.s32 $0xC0;
	v20 =	vld [tilespmem:s29+$0x180]  }
.LBB2_8:
0x9c: {  	p0 =	sne.s32 s24, $0x1FC0;
	s26 =	sshrl.u32 s26, $0x2;
	v21 =	vmul.f32 v18, v21;
	s25 =	sor.u32 s25, s21;
	v24 =	vld [tilespmem:s28+$0x0];
	v22 =	vadd.f32 v23, v22  }
0x9d: {  	s28 =	sand.u32 $0x40, s22;
	s20 =	sadd.s32 $0x40, s20;
	s21 =	sadd.s32 $0x2000, s26;
	v23 =	vld [tilespmem:s25+$0x180]  }
0x9e: {  	s29 =	sand.u32 $0x1F80, s22;
	s26 =	sor.u32 $0x10, s28;
	s25 =	sor.u32 s28, s21;
	v18 =	vld [tilespmem:s20+$0x0];
	v22 =	vadd.f32 v21, v22;
	v19 =	vmul.f32 v16, v19  }
.Ltmp3:
0x9f: {  	s22 =	smov.u32 s24;
	v21 =	vld [tilespmem:s25+$0x180];
	s25 =	sor.u32 s26, s29;
	(pc) =	sbr.rel @p0 .LBB2_8-.Ltmp3, $4  }
0xa0: {  	s26 =	sor.u32 s26, s21;
	v16 =	vld [tilespmem:s25+$0x0];
	s25 =	sor.u32 $0x20, s28;
	v22 =	vadd.f32 v19, v22;
	v20 =	vmul.f32 v17, v20  }
0xa1: {  	v19 =	vld [tilespmem:s26+$0x180];
	s26 =	sor.u32 s25, s29  }
0xa2: {  	s23 =	sadd.s32 $0x400, s23;
	s30 =	sor.u32 s25, s21;
	s25 =	sor.u32 $0x30, s28;
	v17 =	vld [tilespmem:s26+$0x0];
	v22 =	vadd.f32 v20, v22;
	v23 =	vmul.f32 v24, v23  }
0xa3: {  	s24 =	sadd.s32 $0x40, s24;
	s26 =	sand.u32 $0x1F800, s23;
	s28 =	sor.u32 s25, s29;
	v20 =	vld [tilespmem:s30+$0x180]  }
0xa4: {  	s23 =	sshrl.u32 s26, $0x2;
	v18 =	vmul.f32 v18, v21;
	s21 =	sor.u32 s25, s21;
	v21 =	vld [tilespmem:s28+$0x0];
	v22 =	vadd.f32 v23, v22  }
0xa5: {  	s24 =	sand.u32 $0x40, s22;
	s20 =	sadd.s32 $0x40, s20;
	s23 =	sadd.s32 $0x2000, s23;
	v23 =	vld [tilespmem:s21+$0x180]  }
0xa6: {  	s26 =	sand.u32 $0x1F80, s22;
	v24 =	vld [tilespmem:s20+$0x0];
	s25 =	sor.u32 $0x10, s24;
	s31 =	sor.u32 s24, s23;
	v18 =	vadd.f32 v18, v22;
	v16 =	vmul.f32 v16, v19  }
0xa7: {  	s29 =	sor.u32 s25, s26;
	v19 =	vld [tilespmem:s31+$0x180]  }
0xa8: {  	s30 =	sor.u32 $0x20, s24;
	s20 =	sor.u32 s25, s23;
	v22 =	vld [tilespmem:s29+$0x0];
	v16 =	vadd.f32 v16, v18;
	v17 =	vmul.f32 v17, v20  }
0xa9: {  	s31 =	sor.u32 s30, s26;
	v18 =	vld [tilespmem:s20+$0x180]  }
0xaa: {  	s21 =	sor.u32 s30, s23;
	s24 =	sor.u32 $0x30, s24;
	v20 =	vld [tilespmem:s31+$0x0];
	v16 =	vadd.f32 v17, v16;
	v17 =	vmul.f32 v21, v23  }
0xab: {  	s25 =	sor.u32 s24, s26;
	v21 =	vld [tilespmem:s21+$0x180]  }
0xac: {  	s20 =	sor.u32 s24, s23;
	v23 =	vld [tilespmem:s25+$0x0];
	v19 =	vmul.f32 v24, v19;
	v16 =	vadd.f32 v17, v16  }
0xad: {  	v17 =	vld [tilespmem:s20+$0x180]  }
0xae: {  	v18 =	vmul.f32 v22, v18;
	v16 =	vadd.f32 v19, v16;
	_ =	sdelay $0x1  }
0xaf: {  	v16 =	vadd.f32 v18, v16;
	v18 =	vmul.f32 v20, v21;
	_ =	sdelay $0x1  }
0xb0: {  	v17 =	vmul.f32 v23, v17;
	v16 =	vadd.f32 v18, v16;
	_ =	sdelay $0x1  }
0xb1: {  	v16 =	vadd.f32 v17, v16;
	_ =	sdelay $0x1  }
0xb2: {  	s26 =	simm.s32 $0x0;
	[tilespmem:$0x12180] =	vst v16  }
0xb3: {  	[tilespmem:s12], [sflag:$0x1] =	stream.strided.gather [hbm4b:s6+s10], $0x8000, s11, s10, $0x38;
	[tilespmem:$0x12880] =	vst v63  }
0xb4: {  	s29 =	sand.u32 $0x1F800, s26;
	_ =	swait.ge [sflag:s16], $0x8000  }
0xb5: {  	s21 =	sshrl.u32 s29, $0x2;
	[sflag:s16] =	ssyncset.done $0x0  }
0xb6: {  	s22 =	sand.u32 $0x40, s26;
	s21 =	sadd.s32 $0xA000, s21;
	[sflag:s16] =	ssyncadd.s32 $0xFFFF8000  }
0xb7: {  	s31 =	sor.u32 $0x10, s22;
	s30 =	sor.u32 s22, s21;
	s20 =	sand.u32 $0x1F80, s26;
	v16 =	vld [tilespmem:s26+$0x0]  }
0xb8: {  	s25 =	sor.u32 s31, s20;
	v17 =	vld [tilespmem:s30+$0x0]  }
0xb9: {  	s24 =	sor.u32 s31, s21;
	v19 =	vld [tilespmem:s25+$0x0];
	s26 =	sor.u32 $0x20, s22  }
0xba: {  	v20 =	vld [tilespmem:s24+$0x0];
	s29 =	sor.u32 s26, s20  }
0xbb: {  	s22 =	sor.u32 $0x30, s22;
	s30 =	simm.s32 $0x400;
	s23 =	sor.u32 s26, s21;
	v22 =	vld [tilespmem:s29+$0x0]  }
0xbc: {  	s24 =	sand.u32 $0x1F800, s30;
	s31 =	sor.u32 s22, s20;
	v23 =	vld [tilespmem:s23+$0x0]  }
0xbd: {  	s20 =	simm.s32 $0x40;
	s22 =	sor.u32 s22, s21;
	s24 =	sshrl.u32 s24, $0x2;
	v63 =	vld [tilespmem:s31+$0x0];
	v16 =	vmul.f32 v16, v17  }
0xbe: {  	s23 =	sand.u32 $0x40, s20;
	v25 =	vld [tilespmem:s22+$0x0];
	s21 =	sadd.s32 $0xA000, s24;
	v17 =	vimm.f32 $0.0e+00  }
0xbf: {  	v18 =	vld [tilespmem:s20+$0x0];
	s28 =	sand.u32 $0x1F80, s20;
	s26 =	sor.u32 $0x10, s23;
	s25 =	sor.u32 s23, s21;
	v19 =	vmul.f32 v19, v20;
	v17 =	vadd.f32 v16, v17  }
0xc0: {  	s29 =	sor.u32 s26, s28;
	v21 =	vld [tilespmem:s25+$0x0]  }
0xc1: {  	s30 =	sor.u32 $0x20, s23;
	s24 =	sor.u32 s26, s21;
	v16 =	vld [tilespmem:s29+$0x0];
	v22 =	vmul.f32 v22, v23;
	v20 =	vadd.f32 v19, v17  }
0xc2: {  	s22 =	simm.s32 $0x80;
	s31 =	sor.u32 s30, s28;
	v19 =	vld [tilespmem:s24+$0x0]  }
0xc3: {  	s25 =	sor.u32 $0x30, s23;
	s23 =	simm.s32 $0x800;
	s29 =	sor.u32 s30, s21;
	v23 =	vmul.f32 v63, v25;
	v17 =	vld [tilespmem:s31+$0x0];
	v22 =	vadd.f32 v22, v20  }
0xc4: {  	s26 =	sand.u32 $0x1F800, s23;
	s28 =	sor.u32 s25, s28;
	s24 =	simm.s32 $0xC0;
	v20 =	vld [tilespmem:s29+$0x0]  }
.LBB2_10:
0xc5: {  	p0 =	sne.s32 s24, $0x1FC0;
	s26 =	sshrl.u32 s26, $0x2;
	v21 =	vmul.f32 v18, v21;
	s25 =	sor.u32 s25, s21;
	v24 =	vld [tilespmem:s28+$0x0];
	v22 =	vadd.f32 v23, v22  }
0xc6: {  	s28 =	sand.u32 $0x40, s22;
	s20 =	sadd.s32 $0x40, s20;
	s21 =	sadd.s32 $0xA000, s26;
	v23 =	vld [tilespmem:s25+$0x0]  }
0xc7: {  	s29 =	sand.u32 $0x1F80, s22;
	s26 =	sor.u32 $0x10, s28;
	s25 =	sor.u32 s28, s21;
	v18 =	vld [tilespmem:s20+$0x0];
	v22 =	vadd.f32 v21, v22;
	v19 =	vmul.f32 v16, v19  }
.Ltmp4:
0xc8: {  	s22 =	smov.u32 s24;
	v21 =	vld [tilespmem:s25+$0x0];
	s25 =	sor.u32 s26, s29;
	(pc) =	sbr.rel @p0 .LBB2_10-.Ltmp4, $4  }
0xc9: {  	s26 =	sor.u32 s26, s21;
	v16 =	vld [tilespmem:s25+$0x0];
	s25 =	sor.u32 $0x20, s28;
	v22 =	vadd.f32 v19, v22;
	v20 =	vmul.f32 v17, v20  }
0xca: {  	v19 =	vld [tilespmem:s26+$0x0];
	s26 =	sor.u32 s25, s29  }
0xcb: {  	s23 =	sadd.s32 $0x400, s23;
	s30 =	sor.u32 s25, s21;
	s25 =	sor.u32 $0x30, s28;
	v17 =	vld [tilespmem:s26+$0x0];
	v22 =	vadd.f32 v20, v22;
	v23 =	vmul.f32 v24, v23  }
0xcc: {  	s24 =	sadd.s32 $0x40, s24;
	s26 =	sand.u32 $0x1F800, s23;
	s28 =	sor.u32 s25, s29;
	v20 =	vld [tilespmem:s30+$0x0]  }
0xcd: {  	s23 =	sshrl.u32 s26, $0x2;
	v18 =	vmul.f32 v18, v21;
	s21 =	sor.u32 s25, s21;
	v21 =	vld [tilespmem:s28+$0x0];
	v22 =	vadd.f32 v23, v22  }
0xce: {  	s24 =	sand.u32 $0x40, s22;
	s20 =	sadd.s32 $0x40, s20;
	s23 =	sadd.s32 $0xA000, s23;
	v23 =	vld [tilespmem:s21+$0x0]  }
0xcf: {  	s26 =	sand.u32 $0x1F80, s22;
	v24 =	vld [tilespmem:s20+$0x0];
	s25 =	sor.u32 $0x10, s24;
	s31 =	sor.u32 s24, s23;
	v18 =	vadd.f32 v18, v22;
	v16 =	vmul.f32 v16, v19  }
0xd0: {  	s29 =	sor.u32 s25, s26;
	v19 =	vld [tilespmem:s31+$0x0]  }
0xd1: {  	s30 =	sor.u32 $0x20, s24;
	s20 =	sor.u32 s25, s23;
	v22 =	vld [tilespmem:s29+$0x0];
	v16 =	vadd.f32 v16, v18;
	v17 =	vmul.f32 v17, v20  }
0xd2: {  	s31 =	sor.u32 s30, s26;
	v18 =	vld [tilespmem:s20+$0x0]  }
0xd3: {  	s21 =	sor.u32 s30, s23;
	s24 =	sor.u32 $0x30, s24;
	v20 =	vld [tilespmem:s31+$0x0];
	v16 =	vadd.f32 v17, v16;
	v17 =	vmul.f32 v21, v23  }
0xd4: {  	s25 =	sor.u32 s24, s26;
	v21 =	vld [tilespmem:s21+$0x0]  }
0xd5: {  	s20 =	sor.u32 s24, s23;
	v23 =	vld [tilespmem:s25+$0x0];
	v19 =	vmul.f32 v24, v19;
	v16 =	vadd.f32 v17, v16  }
0xd6: {  	v17 =	vld [tilespmem:s20+$0x0]  }
0xd7: {  	v18 =	vmul.f32 v22, v18;
	v16 =	vadd.f32 v19, v16;
	_ =	sdelay $0x1  }
0xd8: {  	v16 =	vadd.f32 v18, v16;
	v18 =	vmul.f32 v20, v21;
	_ =	sdelay $0x1  }
0xd9: {  	v17 =	vmul.f32 v23, v17;
	v16 =	vadd.f32 v18, v16  }
0xda: {  	s26 =	simm.s32 $0x0  }
0xdb: {  	s29 =	sand.u32 $0x1F800, s26;
	v16 =	vadd.f32 v17, v16  }
0xdc: {  	s21 =	sshrl.u32 s29, $0x2  }
0xdd: {  	s22 =	sand.u32 $0x40, s26;
	s21 =	sadd.s32 $0xA080, s21;
	[tilespmem:$0x12200] =	vst v16  }
0xde: {  	s31 =	sor.u32 $0x10, s22;
	s30 =	sor.u32 s22, s21;
	s20 =	sand.u32 $0x1F80, s26;
	v16 =	vld [tilespmem:s26+$0x0]  }
0xdf: {  	s25 =	sor.u32 s31, s20;
	v17 =	vld [tilespmem:s30+$0x0]  }
0xe0: {  	s24 =	sor.u32 s31, s21;
	v19 =	vld [tilespmem:s25+$0x0];
	s26 =	sor.u32 $0x20, s22  }
0xe1: {  	v20 =	vld [tilespmem:s24+$0x0];
	s29 =	sor.u32 s26, s20  }
0xe2: {  	s22 =	sor.u32 $0x30, s22;
	s30 =	simm.s32 $0x400;
	s23 =	sor.u32 s26, s21;
	v22 =	vld [tilespmem:s29+$0x0]  }
0xe3: {  	s24 =	sand.u32 $0x1F800, s30;
	s31 =	sor.u32 s22, s20;
	v23 =	vld [tilespmem:s23+$0x0]  }
0xe4: {  	s20 =	simm.s32 $0x40;
	s22 =	sor.u32 s22, s21;
	s24 =	sshrl.u32 s24, $0x2;
	v63 =	vld [tilespmem:s31+$0x0];
	v16 =	vmul.f32 v16, v17  }
0xe5: {  	s23 =	sand.u32 $0x40, s20;
	v25 =	vld [tilespmem:s22+$0x0];
	s21 =	sadd.s32 $0xA080, s24;
	v17 =	vimm.f32 $0.0e+00  }
0xe6: {  	v18 =	vld [tilespmem:s20+$0x0];
	s28 =	sand.u32 $0x1F80, s20;
	s26 =	sor.u32 $0x10, s23;
	s25 =	sor.u32 s23, s21;
	v19 =	vmul.f32 v19, v20;
	v17 =	vadd.f32 v16, v17  }
0xe7: {  	s29 =	sor.u32 s26, s28;
	v21 =	vld [tilespmem:s25+$0x0]  }
0xe8: {  	s30 =	sor.u32 $0x20, s23;
	s24 =	sor.u32 s26, s21;
	v16 =	vld [tilespmem:s29+$0x0];
	v22 =	vmul.f32 v22, v23;
	v20 =	vadd.f32 v19, v17  }
0xe9: {  	s22 =	simm.s32 $0x80;
	s31 =	sor.u32 s30, s28;
	v19 =	vld [tilespmem:s24+$0x0]  }
0xea: {  	s25 =	sor.u32 $0x30, s23;
	s23 =	simm.s32 $0x800;
	s29 =	sor.u32 s30, s21;
	v23 =	vmul.f32 v63, v25;
	v17 =	vld [tilespmem:s31+$0x0];
	v22 =	vadd.f32 v22, v20  }
0xeb: {  	s26 =	sand.u32 $0x1F800, s23;
	s28 =	sor.u32 s25, s28;
	s24 =	simm.s32 $0xC0;
	v20 =	vld [tilespmem:s29+$0x0]  }
.LBB2_12:
0xec: {  	p0 =	sne.s32 s24, $0x1FC0;
	s26 =	sshrl.u32 s26, $0x2;
	v21 =	vmul.f32 v18, v21;
	s25 =	sor.u32 s25, s21;
	v24 =	vld [tilespmem:s28+$0x0];
	v22 =	vadd.f32 v23, v22  }
0xed: {  	s28 =	sand.u32 $0x40, s22;
	s20 =	sadd.s32 $0x40, s20;
	s21 =	sadd.s32 $0xA080, s26;
	v23 =	vld [tilespmem:s25+$0x0]  }
0xee: {  	s29 =	sand.u32 $0x1F80, s22;
	s26 =	sor.u32 $0x10, s28;
	s25 =	sor.u32 s28, s21;
	v18 =	vld [tilespmem:s20+$0x0];
	v22 =	vadd.f32 v21, v22;
	v19 =	vmul.f32 v16, v19  }
.Ltmp5:
0xef: {  	s22 =	smov.u32 s24;
	v21 =	vld [tilespmem:s25+$0x0];
	s25 =	sor.u32 s26, s29;
	(pc) =	sbr.rel @p0 .LBB2_12-.Ltmp5, $4  }
0xf0: {  	s26 =	sor.u32 s26, s21;
	v16 =	vld [tilespmem:s25+$0x0];
	s25 =	sor.u32 $0x20, s28;
	v22 =	vadd.f32 v19, v22;
	v20 =	vmul.f32 v17, v20  }
0xf1: {  	v19 =	vld [tilespmem:s26+$0x0];
	s26 =	sor.u32 s25, s29  }
0xf2: {  	s23 =	sadd.s32 $0x400, s23;
	s30 =	sor.u32 s25, s21;
	s25 =	sor.u32 $0x30, s28;
	v17 =	vld [tilespmem:s26+$0x0];
	v22 =	vadd.f32 v20, v22;
	v23 =	vmul.f32 v24, v23  }
0xf3: {  	s24 =	sadd.s32 $0x40, s24;
	s26 =	sand.u32 $0x1F800, s23;
	s28 =	sor.u32 s25, s29;
	v20 =	vld [tilespmem:s30+$0x0]  }
0xf4: {  	s23 =	sshrl.u32 s26, $0x2;
	v18 =	vmul.f32 v18, v21;
	s21 =	sor.u32 s25, s21;
	v21 =	vld [tilespmem:s28+$0x0];
	v22 =	vadd.f32 v23, v22  }
0xf5: {  	s24 =	sand.u32 $0x40, s22;
	s20 =	sadd.s32 $0x40, s20;
	s23 =	sadd.s32 $0xA080, s23;
	v23 =	vld [tilespmem:s21+$0x0]  }
0xf6: {  	s26 =	sand.u32 $0x1F80, s22;
	v24 =	vld [tilespmem:s20+$0x0];
	s25 =	sor.u32 $0x10, s24;
	s31 =	sor.u32 s24, s23;
	v18 =	vadd.f32 v18, v22;
	v16 =	vmul.f32 v16, v19  }
0xf7: {  	s29 =	sor.u32 s25, s26;
	v19 =	vld [tilespmem:s31+$0x0]  }
0xf8: {  	s30 =	sor.u32 $0x20, s24;
	s20 =	sor.u32 s25, s23;
	v22 =	vld [tilespmem:s29+$0x0];
	v16 =	vadd.f32 v16, v18;
	v17 =	vmul.f32 v17, v20  }
0xf9: {  	s31 =	sor.u32 s30, s26;
	v18 =	vld [tilespmem:s20+$0x0]  }
0xfa: {  	s21 =	sor.u32 s30, s23;
	s24 =	sor.u32 $0x30, s24;
	v20 =	vld [tilespmem:s31+$0x0];
	v16 =	vadd.f32 v17, v16;
	v17 =	vmul.f32 v21, v23  }
0xfb: {  	s25 =	sor.u32 s24, s26;
	v21 =	vld [tilespmem:s21+$0x0]  }
0xfc: {  	s20 =	sor.u32 s24, s23;
	v23 =	vld [tilespmem:s25+$0x0];
	v19 =	vmul.f32 v24, v19;
	v16 =	vadd.f32 v17, v16  }
0xfd: {  	v17 =	vld [tilespmem:s20+$0x0]  }
0xfe: {  	v18 =	vmul.f32 v22, v18;
	v16 =	vadd.f32 v19, v16;
	_ =	sdelay $0x1  }
0xff: {  	v16 =	vadd.f32 v18, v16;
	v18 =	vmul.f32 v20, v21;
	_ =	sdelay $0x1  }
0x100: {  	v17 =	vmul.f32 v23, v17;
	v16 =	vadd.f32 v18, v16  }
0x101: {  	s26 =	simm.s32 $0x0  }
0x102: {  	s29 =	sand.u32 $0x1F800, s26;
	v16 =	vadd.f32 v17, v16  }
0x103: {  	s21 =	sshrl.u32 s29, $0x2  }
0x104: {  	s22 =	sand.u32 $0x40, s26;
	s21 =	sadd.s32 $0xA100, s21;
	[tilespmem:$0x12280] =	vst v16  }
0x105: {  	s31 =	sor.u32 $0x10, s22;
	s30 =	sor.u32 s22, s21;
	s20 =	sand.u32 $0x1F80, s26;
	v16 =	vld [tilespmem:s26+$0x0]  }
0x106: {  	s25 =	sor.u32 s31, s20;
	v17 =	vld [tilespmem:s30+$0x0]  }
0x107: {  	s24 =	sor.u32 s31, s21;
	v19 =	vld [tilespmem:s25+$0x0];
	s26 =	sor.u32 $0x20, s22  }
0x108: {  	v20 =	vld [tilespmem:s24+$0x0];
	s29 =	sor.u32 s26, s20  }
0x109: {  	s22 =	sor.u32 $0x30, s22;
	s30 =	simm.s32 $0x400;
	s23 =	sor.u32 s26, s21;
	v22 =	vld [tilespmem:s29+$0x0]  }
0x10a: {  	s24 =	sand.u32 $0x1F800, s30;
	s31 =	sor.u32 s22, s20;
	v23 =	vld [tilespmem:s23+$0x0]  }
0x10b: {  	s20 =	simm.s32 $0x40;
	s22 =	sor.u32 s22, s21;
	s24 =	sshrl.u32 s24, $0x2;
	v63 =	vld [tilespmem:s31+$0x0];
	v16 =	vmul.f32 v16, v17  }
0x10c: {  	s23 =	sand.u32 $0x40, s20;
	v25 =	vld [tilespmem:s22+$0x0];
	s21 =	sadd.s32 $0xA100, s24;
	v17 =	vimm.f32 $0.0e+00  }
0x10d: {  	v18 =	vld [tilespmem:s20+$0x0];
	s28 =	sand.u32 $0x1F80, s20;
	s26 =	sor.u32 $0x10, s23;
	s25 =	sor.u32 s23, s21;
	v19 =	vmul.f32 v19, v20;
	v17 =	vadd.f32 v16, v17  }
0x10e: {  	s29 =	sor.u32 s26, s28;
	v21 =	vld [tilespmem:s25+$0x0]  }
0x10f: {  	s30 =	sor.u32 $0x20, s23;
	s24 =	sor.u32 s26, s21;
	v16 =	vld [tilespmem:s29+$0x0];
	v22 =	vmul.f32 v22, v23;
	v20 =	vadd.f32 v19, v17  }
0x110: {  	s22 =	simm.s32 $0x80;
	s31 =	sor.u32 s30, s28;
	v19 =	vld [tilespmem:s24+$0x0]  }
0x111: {  	s25 =	sor.u32 $0x30, s23;
	s23 =	simm.s32 $0x800;
	s29 =	sor.u32 s30, s21;
	v23 =	vmul.f32 v63, v25;
	v17 =	vld [tilespmem:s31+$0x0];
	v22 =	vadd.f32 v22, v20  }
0x112: {  	s26 =	sand.u32 $0x1F800, s23;
	s28 =	sor.u32 s25, s28;
	s24 =	simm.s32 $0xC0;
	v20 =	vld [tilespmem:s29+$0x0]  }
.LBB2_14:
0x113: {  	p0 =	sne.s32 s24, $0x1FC0;
	s26 =	sshrl.u32 s26, $0x2;
	v21 =	vmul.f32 v18, v21;
	s25 =	sor.u32 s25, s21;
	v24 =	vld [tilespmem:s28+$0x0];
	v22 =	vadd.f32 v23, v22  }
0x114: {  	s28 =	sand.u32 $0x40, s22;
	s20 =	sadd.s32 $0x40, s20;
	s21 =	sadd.s32 $0xA100, s26;
	v23 =	vld [tilespmem:s25+$0x0]  }
0x115: {  	s29 =	sand.u32 $0x1F80, s22;
	s26 =	sor.u32 $0x10, s28;
	s25 =	sor.u32 s28, s21;
	v18 =	vld [tilespmem:s20+$0x0];
	v22 =	vadd.f32 v21, v22;
	v19 =	vmul.f32 v16, v19  }
.Ltmp6:
0x116: {  	s22 =	smov.u32 s24;
	v21 =	vld [tilespmem:s25+$0x0];
	s25 =	sor.u32 s26, s29;
	(pc) =	sbr.rel @p0 .LBB2_14-.Ltmp6, $4  }
0x117: {  	s26 =	sor.u32 s26, s21;
	v16 =	vld [tilespmem:s25+$0x0];
	s25 =	sor.u32 $0x20, s28;
	v22 =	vadd.f32 v19, v22;
	v20 =	vmul.f32 v17, v20  }
0x118: {  	v19 =	vld [tilespmem:s26+$0x0];
	s26 =	sor.u32 s25, s29  }
0x119: {  	s23 =	sadd.s32 $0x400, s23;
	s30 =	sor.u32 s25, s21;
	s25 =	sor.u32 $0x30, s28;
	v17 =	vld [tilespmem:s26+$0x0];
	v22 =	vadd.f32 v20, v22;
	v23 =	vmul.f32 v24, v23  }
0x11a: {  	s24 =	sadd.s32 $0x40, s24;
	s26 =	sand.u32 $0x1F800, s23;
	s28 =	sor.u32 s25, s29;
	v20 =	vld [tilespmem:s30+$0x0]  }
0x11b: {  	s23 =	sshrl.u32 s26, $0x2;
	v18 =	vmul.f32 v18, v21;
	s21 =	sor.u32 s25, s21;
	v21 =	vld [tilespmem:s28+$0x0];
	v22 =	vadd.f32 v23, v22  }
0x11c: {  	s24 =	sand.u32 $0x40, s22;
	s20 =	sadd.s32 $0x40, s20;
	s23 =	sadd.s32 $0xA100, s23;
	v23 =	vld [tilespmem:s21+$0x0]  }
0x11d: {  	s26 =	sand.u32 $0x1F80, s22;
	v24 =	vld [tilespmem:s20+$0x0];
	s25 =	sor.u32 $0x10, s24;
	s31 =	sor.u32 s24, s23;
	v18 =	vadd.f32 v18, v22;
	v16 =	vmul.f32 v16, v19  }
0x11e: {  	s29 =	sor.u32 s25, s26;
	v19 =	vld [tilespmem:s31+$0x0]  }
0x11f: {  	s30 =	sor.u32 $0x20, s24;
	s20 =	sor.u32 s25, s23;
	v22 =	vld [tilespmem:s29+$0x0];
	v16 =	vadd.f32 v16, v18;
	v17 =	vmul.f32 v17, v20  }
0x120: {  	s31 =	sor.u32 s30, s26;
	v18 =	vld [tilespmem:s20+$0x0]  }
0x121: {  	s21 =	sor.u32 s30, s23;
	s24 =	sor.u32 $0x30, s24;
	v20 =	vld [tilespmem:s31+$0x0];
	v16 =	vadd.f32 v17, v16;
	v17 =	vmul.f32 v21, v23  }
0x122: {  	s25 =	sor.u32 s24, s26;
	v21 =	vld [tilespmem:s21+$0x0]  }
0x123: {  	s20 =	sor.u32 s24, s23;
	v23 =	vld [tilespmem:s25+$0x0];
	v19 =	vmul.f32 v24, v19;
	v16 =	vadd.f32 v17, v16  }
0x124: {  	v17 =	vld [tilespmem:s20+$0x0]  }
0x125: {  	v18 =	vmul.f32 v22, v18;
	v16 =	vadd.f32 v19, v16;
	_ =	sdelay $0x1  }
0x126: {  	v16 =	vadd.f32 v18, v16;
	v18 =	vmul.f32 v20, v21;
	_ =	sdelay $0x1  }
0x127: {  	v17 =	vmul.f32 v23, v17;
	v16 =	vadd.f32 v18, v16  }
0x128: {  	s26 =	simm.s32 $0x0  }
0x129: {  	s29 =	sand.u32 $0x1F800, s26;
	v16 =	vadd.f32 v17, v16  }
0x12a: {  	s21 =	sshrl.u32 s29, $0x2  }
0x12b: {  	s22 =	sand.u32 $0x40, s26;
	s21 =	sadd.s32 $0xA180, s21;
	[tilespmem:$0x12300] =	vst v16  }
0x12c: {  	s31 =	sor.u32 $0x10, s22;
	s30 =	sor.u32 s22, s21;
	s20 =	sand.u32 $0x1F80, s26;
	v16 =	vld [tilespmem:s26+$0x0]  }
0x12d: {  	s25 =	sor.u32 s31, s20;
	v17 =	vld [tilespmem:s30+$0x0]  }
0x12e: {  	s24 =	sor.u32 s31, s21;
	v19 =	vld [tilespmem:s25+$0x0];
	s26 =	sor.u32 $0x20, s22  }
0x12f: {  	v20 =	vld [tilespmem:s24+$0x0];
	s29 =	sor.u32 s26, s20  }
0x130: {  	s22 =	sor.u32 $0x30, s22;
	s30 =	simm.s32 $0x400;
	s23 =	sor.u32 s26, s21;
	v22 =	vld [tilespmem:s29+$0x0]  }
0x131: {  	s24 =	sand.u32 $0x1F800, s30;
	s31 =	sor.u32 s22, s20;
	v23 =	vld [tilespmem:s23+$0x0]  }
0x132: {  	s20 =	simm.s32 $0x40;
	s22 =	sor.u32 s22, s21;
	s24 =	sshrl.u32 s24, $0x2;
	v63 =	vld [tilespmem:s31+$0x0];
	v16 =	vmul.f32 v16, v17  }
0x133: {  	s23 =	sand.u32 $0x40, s20;
	v25 =	vld [tilespmem:s22+$0x0];
	s21 =	sadd.s32 $0xA180, s24;
	v17 =	vimm.f32 $0.0e+00  }
0x134: {  	v18 =	vld [tilespmem:s20+$0x0];
	s28 =	sand.u32 $0x1F80, s20;
	s26 =	sor.u32 $0x10, s23;
	s25 =	sor.u32 s23, s21;
	v19 =	vmul.f32 v19, v20;
	v17 =	vadd.f32 v16, v17  }
0x135: {  	s29 =	sor.u32 s26, s28;
	v21 =	vld [tilespmem:s25+$0x0]  }
0x136: {  	s30 =	sor.u32 $0x20, s23;
	s24 =	sor.u32 s26, s21;
	v16 =	vld [tilespmem:s29+$0x0];
	v22 =	vmul.f32 v22, v23;
	v20 =	vadd.f32 v19, v17  }
0x137: {  	s22 =	simm.s32 $0x80;
	s31 =	sor.u32 s30, s28;
	v19 =	vld [tilespmem:s24+$0x0]  }
0x138: {  	s25 =	sor.u32 $0x30, s23;
	s23 =	simm.s32 $0x800;
	s29 =	sor.u32 s30, s21;
	v23 =	vmul.f32 v63, v25;
	v17 =	vld [tilespmem:s31+$0x0];
	v22 =	vadd.f32 v22, v20  }
0x139: {  	s26 =	sand.u32 $0x1F800, s23;
	s28 =	sor.u32 s25, s28;
	s24 =	simm.s32 $0xC0;
	v20 =	vld [tilespmem:s29+$0x0]  }
.LBB2_16:
0x13a: {  	p0 =	sne.s32 s24, $0x1FC0;
	s26 =	sshrl.u32 s26, $0x2;
	v21 =	vmul.f32 v18, v21;
	s25 =	sor.u32 s25, s21;
	v24 =	vld [tilespmem:s28+$0x0];
	v22 =	vadd.f32 v23, v22  }
0x13b: {  	s28 =	sand.u32 $0x40, s22;
	s20 =	sadd.s32 $0x40, s20;
	s21 =	sadd.s32 $0xA180, s26;
	v23 =	vld [tilespmem:s25+$0x0]  }
0x13c: {  	s29 =	sand.u32 $0x1F80, s22;
	s26 =	sor.u32 $0x10, s28;
	s25 =	sor.u32 s28, s21;
	v18 =	vld [tilespmem:s20+$0x0];
	v22 =	vadd.f32 v21, v22;
	v19 =	vmul.f32 v16, v19  }
.Ltmp7:
0x13d: {  	s22 =	smov.u32 s24;
	v21 =	vld [tilespmem:s25+$0x0];
	s25 =	sor.u32 s26, s29;
	(pc) =	sbr.rel @p0 .LBB2_16-.Ltmp7, $4  }
0x13e: {  	s26 =	sor.u32 s26, s21;
	v16 =	vld [tilespmem:s25+$0x0];
	s25 =	sor.u32 $0x20, s28;
	v22 =	vadd.f32 v19, v22;
	v20 =	vmul.f32 v17, v20  }
0x13f: {  	v19 =	vld [tilespmem:s26+$0x0];
	s26 =	sor.u32 s25, s29  }
0x140: {  	s23 =	sadd.s32 $0x400, s23;
	s30 =	sor.u32 s25, s21;
	s25 =	sor.u32 $0x30, s28;
	v17 =	vld [tilespmem:s26+$0x0];
	v22 =	vadd.f32 v20, v22;
	v23 =	vmul.f32 v24, v23  }
0x141: {  	s24 =	sadd.s32 $0x40, s24;
	s26 =	sand.u32 $0x1F800, s23;
	s28 =	sor.u32 s25, s29;
	v20 =	vld [tilespmem:s30+$0x0]  }
0x142: {  	s23 =	sshrl.u32 s26, $0x2;
	v18 =	vmul.f32 v18, v21;
	s21 =	sor.u32 s25, s21;
	v21 =	vld [tilespmem:s28+$0x0];
	v22 =	vadd.f32 v23, v22  }
0x143: {  	s24 =	sand.u32 $0x40, s22;
	s20 =	sadd.s32 $0x40, s20;
	s23 =	sadd.s32 $0xA180, s23;
	v23 =	vld [tilespmem:s21+$0x0]  }
0x144: {  	s26 =	sand.u32 $0x1F80, s22;
	v24 =	vld [tilespmem:s20+$0x0];
	s25 =	sor.u32 $0x10, s24;
	s31 =	sor.u32 s24, s23;
	v18 =	vadd.f32 v18, v22;
	v16 =	vmul.f32 v16, v19  }
0x145: {  	s29 =	sor.u32 s25, s26;
	v19 =	vld [tilespmem:s31+$0x0]  }
0x146: {  	s30 =	sor.u32 $0x20, s24;
	s20 =	sor.u32 s25, s23;
	v22 =	vld [tilespmem:s29+$0x0];
	v16 =	vadd.f32 v16, v18;
	v17 =	vmul.f32 v17, v20  }
0x147: {  	s31 =	sor.u32 s30, s26;
	v18 =	vld [tilespmem:s20+$0x0]  }
0x148: {  	s21 =	sor.u32 s30, s23;
	s24 =	sor.u32 $0x30, s24;
	v20 =	vld [tilespmem:s31+$0x0];
	v16 =	vadd.f32 v17, v16;
	v17 =	vmul.f32 v21, v23  }
0x149: {  	s25 =	sor.u32 s24, s26;
	v21 =	vld [tilespmem:s21+$0x0]  }
0x14a: {  	s20 =	sor.u32 s24, s23;
	v23 =	vld [tilespmem:s25+$0x0];
	v19 =	vmul.f32 v24, v19;
	v16 =	vadd.f32 v17, v16  }
0x14b: {  	v17 =	vld [tilespmem:s20+$0x0]  }
0x14c: {  	v18 =	vmul.f32 v22, v18;
	v16 =	vadd.f32 v19, v16;
	_ =	sdelay $0x1  }
0x14d: {  	v16 =	vadd.f32 v18, v16;
	v18 =	vmul.f32 v20, v21;
	_ =	sdelay $0x1  }
0x14e: {  	v17 =	vmul.f32 v23, v17;
	v16 =	vadd.f32 v18, v16;
	_ =	sdelay $0x1  }
0x14f: {  	v16 =	vadd.f32 v17, v16;
	_ =	sdelay $0x1  }
0x150: {  	s26 =	simm.s32 $0x0;
	[tilespmem:$0x12380] =	vst v16  }
0x151: {  	[tilespmem:s14], [sflag:$0x2] =	stream.strided.gather [hbm4b:s7+s10], $0x8000, s11, s10, $0x38;
	[tilespmem:$0x12880] =	vst v63  }
0x152: {  	s29 =	sand.u32 $0x1F800, s26;
	_ =	swait.ge [sflag:s15], $0x8000  }
0x153: {  	s21 =	sshrl.u32 s29, $0x2;
	[sflag:s15] =	ssyncset.done $0x0  }
0x154: {  	s22 =	sand.u32 $0x40, s26;
	s21 =	sadd.s32 $0x2000, s21;
	[sflag:s15] =	ssyncadd.s32 $0xFFFF8000  }
0x155: {  	s31 =	sor.u32 $0x10, s22;
	s30 =	sor.u32 s22, s21;
	s20 =	sand.u32 $0x1F80, s26;
	v16 =	vld [tilespmem:s26+$0x0]  }
0x156: {  	s25 =	sor.u32 s31, s20;
	v17 =	vld [tilespmem:s30+$0x0]  }
0x157: {  	s24 =	sor.u32 s31, s21;
	v19 =	vld [tilespmem:s25+$0x0];
	s26 =	sor.u32 $0x20, s22  }
0x158: {  	v20 =	vld [tilespmem:s24+$0x0];
	s29 =	sor.u32 s26, s20  }
0x159: {  	s22 =	sor.u32 $0x30, s22;
	s30 =	simm.s32 $0x400;
	s23 =	sor.u32 s26, s21;
	v22 =	vld [tilespmem:s29+$0x0]  }
0x15a: {  	s24 =	sand.u32 $0x1F800, s30;
	s31 =	sor.u32 s22, s20;
	v23 =	vld [tilespmem:s23+$0x0]  }
0x15b: {  	s20 =	simm.s32 $0x40;
	s22 =	sor.u32 s22, s21;
	s24 =	sshrl.u32 s24, $0x2;
	v63 =	vld [tilespmem:s31+$0x0];
	v16 =	vmul.f32 v16, v17  }
0x15c: {  	s23 =	sand.u32 $0x40, s20;
	v25 =	vld [tilespmem:s22+$0x0];
	s21 =	sadd.s32 $0x2000, s24;
	v17 =	vimm.f32 $0.0e+00  }
0x15d: {  	v18 =	vld [tilespmem:s20+$0x0];
	s28 =	sand.u32 $0x1F80, s20;
	s26 =	sor.u32 $0x10, s23;
	s25 =	sor.u32 s23, s21;
	v19 =	vmul.f32 v19, v20;
	v17 =	vadd.f32 v16, v17  }
0x15e: {  	s29 =	sor.u32 s26, s28;
	v21 =	vld [tilespmem:s25+$0x0]  }
0x15f: {  	s30 =	sor.u32 $0x20, s23;
	s24 =	sor.u32 s26, s21;
	v16 =	vld [tilespmem:s29+$0x0];
	v22 =	vmul.f32 v22, v23;
	v20 =	vadd.f32 v19, v17  }
0x160: {  	s22 =	simm.s32 $0x80;
	s31 =	sor.u32 s30, s28;
	v19 =	vld [tilespmem:s24+$0x0]  }
0x161: {  	s25 =	sor.u32 $0x30, s23;
	s23 =	simm.s32 $0x800;
	s29 =	sor.u32 s30, s21;
	v23 =	vmul.f32 v63, v25;
	v17 =	vld [tilespmem:s31+$0x0];
	v22 =	vadd.f32 v22, v20  }
0x162: {  	s26 =	sand.u32 $0x1F800, s23;
	s28 =	sor.u32 s25, s28;
	s24 =	simm.s32 $0xC0;
	v20 =	vld [tilespmem:s29+$0x0]  }
.LBB2_18:
0x163: {  	p0 =	sne.s32 s24, $0x1FC0;
	s26 =	sshrl.u32 s26, $0x2;
	v21 =	vmul.f32 v18, v21;
	s25 =	sor.u32 s25, s21;
	v24 =	vld [tilespmem:s28+$0x0];
	v22 =	vadd.f32 v23, v22  }
0x164: {  	s28 =	sand.u32 $0x40, s22;
	s20 =	sadd.s32 $0x40, s20;
	s21 =	sadd.s32 $0x2000, s26;
	v23 =	vld [tilespmem:s25+$0x0]  }
0x165: {  	s29 =	sand.u32 $0x1F80, s22;
	s26 =	sor.u32 $0x10, s28;
	s25 =	sor.u32 s28, s21;
	v18 =	vld [tilespmem:s20+$0x0];
	v22 =	vadd.f32 v21, v22;
	v19 =	vmul.f32 v16, v19  }
.Ltmp8:
0x166: {  	s22 =	smov.u32 s24;
	v21 =	vld [tilespmem:s25+$0x0];
	s25 =	sor.u32 s26, s29;
	(pc) =	sbr.rel @p0 .LBB2_18-.Ltmp8, $4  }
0x167: {  	s26 =	sor.u32 s26, s21;
	v16 =	vld [tilespmem:s25+$0x0];
	s25 =	sor.u32 $0x20, s28;
	v22 =	vadd.f32 v19, v22;
	v20 =	vmul.f32 v17, v20  }
0x168: {  	v19 =	vld [tilespmem:s26+$0x0];
	s26 =	sor.u32 s25, s29  }
0x169: {  	s23 =	sadd.s32 $0x400, s23;
	s30 =	sor.u32 s25, s21;
	s25 =	sor.u32 $0x30, s28;
	v17 =	vld [tilespmem:s26+$0x0];
	v22 =	vadd.f32 v20, v22;
	v23 =	vmul.f32 v24, v23  }
0x16a: {  	s24 =	sadd.s32 $0x40, s24;
	s26 =	sand.u32 $0x1F800, s23;
	s28 =	sor.u32 s25, s29;
	v20 =	vld [tilespmem:s30+$0x0]  }
0x16b: {  	s23 =	sshrl.u32 s26, $0x2;
	v18 =	vmul.f32 v18, v21;
	s21 =	sor.u32 s25, s21;
	v21 =	vld [tilespmem:s28+$0x0];
	v22 =	vadd.f32 v23, v22  }
0x16c: {  	s24 =	sand.u32 $0x40, s22;
	s20 =	sadd.s32 $0x40, s20;
	s23 =	sadd.s32 $0x2000, s23;
	v23 =	vld [tilespmem:s21+$0x0]  }
0x16d: {  	s26 =	sand.u32 $0x1F80, s22;
	v24 =	vld [tilespmem:s20+$0x0];
	s25 =	sor.u32 $0x10, s24;
	s31 =	sor.u32 s24, s23;
	v18 =	vadd.f32 v18, v22;
	v16 =	vmul.f32 v16, v19  }
0x16e: {  	s29 =	sor.u32 s25, s26;
	v19 =	vld [tilespmem:s31+$0x0]  }
0x16f: {  	s30 =	sor.u32 $0x20, s24;
	s20 =	sor.u32 s25, s23;
	v22 =	vld [tilespmem:s29+$0x0];
	v16 =	vadd.f32 v16, v18;
	v17 =	vmul.f32 v17, v20  }
0x170: {  	s31 =	sor.u32 s30, s26;
	v18 =	vld [tilespmem:s20+$0x0]  }
0x171: {  	s21 =	sor.u32 s30, s23;
	s24 =	sor.u32 $0x30, s24;
	v20 =	vld [tilespmem:s31+$0x0];
	v16 =	vadd.f32 v17, v16;
	v17 =	vmul.f32 v21, v23  }
0x172: {  	s25 =	sor.u32 s24, s26;
	v21 =	vld [tilespmem:s21+$0x0]  }
0x173: {  	s20 =	sor.u32 s24, s23;
	v23 =	vld [tilespmem:s25+$0x0];
	v19 =	vmul.f32 v24, v19;
	v16 =	vadd.f32 v17, v16  }
0x174: {  	v17 =	vld [tilespmem:s20+$0x0]  }
0x175: {  	v18 =	vmul.f32 v22, v18;
	v16 =	vadd.f32 v19, v16;
	_ =	sdelay $0x1  }
0x176: {  	v16 =	vadd.f32 v18, v16;
	v18 =	vmul.f32 v20, v21;
	_ =	sdelay $0x1  }
0x177: {  	v17 =	vmul.f32 v23, v17;
	v16 =	vadd.f32 v18, v16  }
0x178: {  	s26 =	simm.s32 $0x0  }
0x179: {  	s29 =	sand.u32 $0x1F800, s26;
	v16 =	vadd.f32 v17, v16  }
0x17a: {  	s21 =	sshrl.u32 s29, $0x2  }
0x17b: {  	s22 =	sand.u32 $0x40, s26;
	s21 =	sadd.s32 $0x2000, s21;
	[tilespmem:$0x12400] =	vst v16  }
0x17c: {  	s31 =	sor.u32 $0x10, s22;
	s30 =	sor.u32 s22, s21;
	s20 =	sand.u32 $0x1F80, s26;
	v16 =	vld [tilespmem:s26+$0x0]  }
0x17d: {  	s25 =	sor.u32 s31, s20;
	v17 =	vld [tilespmem:s30+$0x80]  }
0x17e: {  	s24 =	sor.u32 s31, s21;
	v19 =	vld [tilespmem:s25+$0x0];
	s26 =	sor.u32 $0x20, s22  }
0x17f: {  	v20 =	vld [tilespmem:s24+$0x80];
	s29 =	sor.u32 s26, s20  }
0x180: {  	s22 =	sor.u32 $0x30, s22;
	s30 =	simm.s32 $0x400;
	s23 =	sor.u32 s26, s21;
	v22 =	vld [tilespmem:s29+$0x0]  }
0x181: {  	s24 =	sand.u32 $0x1F800, s30;
	s31 =	sor.u32 s22, s20;
	v23 =	vld [tilespmem:s23+$0x80]  }
0x182: {  	s20 =	simm.s32 $0x40;
	s22 =	sor.u32 s22, s21;
	s24 =	sshrl.u32 s24, $0x2;
	v63 =	vld [tilespmem:s31+$0x0];
	v16 =	vmul.f32 v16, v17  }
0x183: {  	s23 =	sand.u32 $0x40, s20;
	v25 =	vld [tilespmem:s22+$0x80];
	s21 =	sadd.s32 $0x2000, s24;
	v17 =	vimm.f32 $0.0e+00  }
0x184: {  	v18 =	vld [tilespmem:s20+$0x0];
	s28 =	sand.u32 $0x1F80, s20;
	s26 =	sor.u32 $0x10, s23;
	s25 =	sor.u32 s23, s21;
	v19 =	vmul.f32 v19, v20;
	v17 =	vadd.f32 v16, v17  }
0x185: {  	s29 =	sor.u32 s26, s28;
	v21 =	vld [tilespmem:s25+$0x80]  }
0x186: {  	s30 =	sor.u32 $0x20, s23;
	s24 =	sor.u32 s26, s21;
	v16 =	vld [tilespmem:s29+$0x0];
	v22 =	vmul.f32 v22, v23;
	v20 =	vadd.f32 v19, v17  }
0x187: {  	s22 =	simm.s32 $0x80;
	s31 =	sor.u32 s30, s28;
	v19 =	vld [tilespmem:s24+$0x80]  }
0x188: {  	s25 =	sor.u32 $0x30, s23;
	s23 =	simm.s32 $0x800;
	s29 =	sor.u32 s30, s21;
	v23 =	vmul.f32 v63, v25;
	v17 =	vld [tilespmem:s31+$0x0];
	v22 =	vadd.f32 v22, v20  }
0x189: {  	s26 =	sand.u32 $0x1F800, s23;
	s28 =	sor.u32 s25, s28;
	s24 =	simm.s32 $0xC0;
	v20 =	vld [tilespmem:s29+$0x80]  }
.LBB2_20:
0x18a: {  	p0 =	sne.s32 s24, $0x1FC0;
	s26 =	sshrl.u32 s26, $0x2;
	v21 =	vmul.f32 v18, v21;
	s25 =	sor.u32 s25, s21;
	v24 =	vld [tilespmem:s28+$0x0];
	v22 =	vadd.f32 v23, v22  }
0x18b: {  	s28 =	sand.u32 $0x40, s22;
	s20 =	sadd.s32 $0x40, s20;
	s21 =	sadd.s32 $0x2000, s26;
	v23 =	vld [tilespmem:s25+$0x80]  }
0x18c: {  	s29 =	sand.u32 $0x1F80, s22;
	s26 =	sor.u32 $0x10, s28;
	s25 =	sor.u32 s28, s21;
	v18 =	vld [tilespmem:s20+$0x0];
	v22 =	vadd.f32 v21, v22;
	v19 =	vmul.f32 v16, v19  }
.Ltmp9:
0x18d: {  	s22 =	smov.u32 s24;
	v21 =	vld [tilespmem:s25+$0x80];
	s25 =	sor.u32 s26, s29;
	(pc) =	sbr.rel @p0 .LBB2_20-.Ltmp9, $4  }
0x18e: {  	s26 =	sor.u32 s26, s21;
	v16 =	vld [tilespmem:s25+$0x0];
	s25 =	sor.u32 $0x20, s28;
	v22 =	vadd.f32 v19, v22;
	v20 =	vmul.f32 v17, v20  }
0x18f: {  	v19 =	vld [tilespmem:s26+$0x80];
	s26 =	sor.u32 s25, s29  }
0x190: {  	s23 =	sadd.s32 $0x400, s23;
	s30 =	sor.u32 s25, s21;
	s25 =	sor.u32 $0x30, s28;
	v17 =	vld [tilespmem:s26+$0x0];
	v22 =	vadd.f32 v20, v22;
	v23 =	vmul.f32 v24, v23  }
0x191: {  	s24 =	sadd.s32 $0x40, s24;
	s26 =	sand.u32 $0x1F800, s23;
	s28 =	sor.u32 s25, s29;
	v20 =	vld [tilespmem:s30+$0x80]  }
0x192: {  	s23 =	sshrl.u32 s26, $0x2;
	v18 =	vmul.f32 v18, v21;
	s21 =	sor.u32 s25, s21;
	v21 =	vld [tilespmem:s28+$0x0];
	v22 =	vadd.f32 v23, v22  }
0x193: {  	s24 =	sand.u32 $0x40, s22;
	s20 =	sadd.s32 $0x40, s20;
	s23 =	sadd.s32 $0x2000, s23;
	v23 =	vld [tilespmem:s21+$0x80]  }
0x194: {  	s26 =	sand.u32 $0x1F80, s22;
	v24 =	vld [tilespmem:s20+$0x0];
	s25 =	sor.u32 $0x10, s24;
	s31 =	sor.u32 s24, s23;
	v18 =	vadd.f32 v18, v22;
	v16 =	vmul.f32 v16, v19  }
0x195: {  	s29 =	sor.u32 s25, s26;
	v19 =	vld [tilespmem:s31+$0x80]  }
0x196: {  	s30 =	sor.u32 $0x20, s24;
	s20 =	sor.u32 s25, s23;
	v22 =	vld [tilespmem:s29+$0x0];
	v16 =	vadd.f32 v16, v18;
	v17 =	vmul.f32 v17, v20  }
0x197: {  	s31 =	sor.u32 s30, s26;
	v18 =	vld [tilespmem:s20+$0x80]  }
0x198: {  	s21 =	sor.u32 s30, s23;
	s24 =	sor.u32 $0x30, s24;
	v20 =	vld [tilespmem:s31+$0x0];
	v16 =	vadd.f32 v17, v16;
	v17 =	vmul.f32 v21, v23  }
0x199: {  	s25 =	sor.u32 s24, s26;
	v21 =	vld [tilespmem:s21+$0x80]  }
0x19a: {  	s20 =	sor.u32 s24, s23;
	v23 =	vld [tilespmem:s25+$0x0];
	v19 =	vmul.f32 v24, v19;
	v16 =	vadd.f32 v17, v16  }
0x19b: {  	v17 =	vld [tilespmem:s20+$0x80]  }
0x19c: {  	v18 =	vmul.f32 v22, v18;
	v16 =	vadd.f32 v19, v16;
	_ =	sdelay $0x1  }
0x19d: {  	v16 =	vadd.f32 v18, v16;
	v18 =	vmul.f32 v20, v21;
	_ =	sdelay $0x1  }
0x19e: {  	v17 =	vmul.f32 v23, v17;
	v16 =	vadd.f32 v18, v16  }
0x19f: {  	s26 =	simm.s32 $0x0  }
0x1a0: {  	s29 =	sand.u32 $0x1F800, s26;
	v16 =	vadd.f32 v17, v16  }
0x1a1: {  	s21 =	sshrl.u32 s29, $0x2  }
0x1a2: {  	s22 =	sand.u32 $0x40, s26;
	s21 =	sadd.s32 $0x2000, s21;
	[tilespmem:$0x12480] =	vst v16  }
0x1a3: {  	s31 =	sor.u32 $0x10, s22;
	s30 =	sor.u32 s22, s21;
	s20 =	sand.u32 $0x1F80, s26;
	v16 =	vld [tilespmem:s26+$0x0]  }
0x1a4: {  	s25 =	sor.u32 s31, s20;
	v17 =	vld [tilespmem:s30+$0x100]  }
0x1a5: {  	s24 =	sor.u32 s31, s21;
	v19 =	vld [tilespmem:s25+$0x0];
	s26 =	sor.u32 $0x20, s22  }
0x1a6: {  	v20 =	vld [tilespmem:s24+$0x100];
	s29 =	sor.u32 s26, s20  }
0x1a7: {  	s22 =	sor.u32 $0x30, s22;
	s30 =	simm.s32 $0x400;
	s23 =	sor.u32 s26, s21;
	v22 =	vld [tilespmem:s29+$0x0]  }
0x1a8: {  	s24 =	sand.u32 $0x1F800, s30;
	s31 =	sor.u32 s22, s20;
	v23 =	vld [tilespmem:s23+$0x100]  }
0x1a9: {  	s20 =	simm.s32 $0x40;
	s22 =	sor.u32 s22, s21;
	s24 =	sshrl.u32 s24, $0x2;
	v63 =	vld [tilespmem:s31+$0x0];
	v16 =	vmul.f32 v16, v17  }
0x1aa: {  	s23 =	sand.u32 $0x40, s20;
	v25 =	vld [tilespmem:s22+$0x100];
	s21 =	sadd.s32 $0x2000, s24;
	v17 =	vimm.f32 $0.0e+00  }
0x1ab: {  	v18 =	vld [tilespmem:s20+$0x0];
	s28 =	sand.u32 $0x1F80, s20;
	s26 =	sor.u32 $0x10, s23;
	s25 =	sor.u32 s23, s21;
	v19 =	vmul.f32 v19, v20;
	v17 =	vadd.f32 v16, v17  }
0x1ac: {  	s29 =	sor.u32 s26, s28;
	v21 =	vld [tilespmem:s25+$0x100]  }
0x1ad: {  	s30 =	sor.u32 $0x20, s23;
	s24 =	sor.u32 s26, s21;
	v16 =	vld [tilespmem:s29+$0x0];
	v22 =	vmul.f32 v22, v23;
	v20 =	vadd.f32 v19, v17  }
0x1ae: {  	s22 =	simm.s32 $0x80;
	s31 =	sor.u32 s30, s28;
	v19 =	vld [tilespmem:s24+$0x100]  }
0x1af: {  	s25 =	sor.u32 $0x30, s23;
	s23 =	simm.s32 $0x800;
	s29 =	sor.u32 s30, s21;
	v23 =	vmul.f32 v63, v25;
	v17 =	vld [tilespmem:s31+$0x0];
	v22 =	vadd.f32 v22, v20  }
0x1b0: {  	s26 =	sand.u32 $0x1F800, s23;
	s28 =	sor.u32 s25, s28;
	s24 =	simm.s32 $0xC0;
	v20 =	vld [tilespmem:s29+$0x100]  }
.LBB2_22:
0x1b1: {  	p0 =	sne.s32 s24, $0x1FC0;
	s26 =	sshrl.u32 s26, $0x2;
	v21 =	vmul.f32 v18, v21;
	s25 =	sor.u32 s25, s21;
	v24 =	vld [tilespmem:s28+$0x0];
	v22 =	vadd.f32 v23, v22  }
0x1b2: {  	s28 =	sand.u32 $0x40, s22;
	s20 =	sadd.s32 $0x40, s20;
	s21 =	sadd.s32 $0x2000, s26;
	v23 =	vld [tilespmem:s25+$0x100]  }
0x1b3: {  	s29 =	sand.u32 $0x1F80, s22;
	s26 =	sor.u32 $0x10, s28;
	s25 =	sor.u32 s28, s21;
	v18 =	vld [tilespmem:s20+$0x0];
	v22 =	vadd.f32 v21, v22;
	v19 =	vmul.f32 v16, v19  }
.Ltmp10:
0x1b4: {  	s22 =	smov.u32 s24;
	v21 =	vld [tilespmem:s25+$0x100];
	s25 =	sor.u32 s26, s29;
	(pc) =	sbr.rel @p0 .LBB2_22-.Ltmp10, $4  }
0x1b5: {  	s26 =	sor.u32 s26, s21;
	v16 =	vld [tilespmem:s25+$0x0];
	s25 =	sor.u32 $0x20, s28;
	v22 =	vadd.f32 v19, v22;
	v20 =	vmul.f32 v17, v20  }
0x1b6: {  	v19 =	vld [tilespmem:s26+$0x100];
	s26 =	sor.u32 s25, s29  }
0x1b7: {  	s23 =	sadd.s32 $0x400, s23;
	s30 =	sor.u32 s25, s21;
	s25 =	sor.u32 $0x30, s28;
	v17 =	vld [tilespmem:s26+$0x0];
	v22 =	vadd.f32 v20, v22;
	v23 =	vmul.f32 v24, v23  }
0x1b8: {  	s24 =	sadd.s32 $0x40, s24;
	s26 =	sand.u32 $0x1F800, s23;
	s28 =	sor.u32 s25, s29;
	v20 =	vld [tilespmem:s30+$0x100]  }
0x1b9: {  	s23 =	sshrl.u32 s26, $0x2;
	v18 =	vmul.f32 v18, v21;
	s21 =	sor.u32 s25, s21;
	v21 =	vld [tilespmem:s28+$0x0];
	v22 =	vadd.f32 v23, v22  }
0x1ba: {  	s24 =	sand.u32 $0x40, s22;
	s20 =	sadd.s32 $0x40, s20;
	s23 =	sadd.s32 $0x2000, s23;
	v23 =	vld [tilespmem:s21+$0x100]  }
0x1bb: {  	s26 =	sand.u32 $0x1F80, s22;
	v24 =	vld [tilespmem:s20+$0x0];
	s25 =	sor.u32 $0x10, s24;
	s31 =	sor.u32 s24, s23;
	v18 =	vadd.f32 v18, v22;
	v16 =	vmul.f32 v16, v19  }
0x1bc: {  	s29 =	sor.u32 s25, s26;
	v19 =	vld [tilespmem:s31+$0x100]  }
0x1bd: {  	s30 =	sor.u32 $0x20, s24;
	s20 =	sor.u32 s25, s23;
	v22 =	vld [tilespmem:s29+$0x0];
	v16 =	vadd.f32 v16, v18;
	v17 =	vmul.f32 v17, v20  }
0x1be: {  	s31 =	sor.u32 s30, s26;
	v18 =	vld [tilespmem:s20+$0x100]  }
0x1bf: {  	s21 =	sor.u32 s30, s23;
	s24 =	sor.u32 $0x30, s24;
	v20 =	vld [tilespmem:s31+$0x0];
	v16 =	vadd.f32 v17, v16;
	v17 =	vmul.f32 v21, v23  }
0x1c0: {  	s25 =	sor.u32 s24, s26;
	v21 =	vld [tilespmem:s21+$0x100]  }
0x1c1: {  	s20 =	sor.u32 s24, s23;
	v23 =	vld [tilespmem:s25+$0x0];
	v19 =	vmul.f32 v24, v19;
	v16 =	vadd.f32 v17, v16  }
0x1c2: {  	v17 =	vld [tilespmem:s20+$0x100]  }
0x1c3: {  	v18 =	vmul.f32 v22, v18;
	v16 =	vadd.f32 v19, v16;
	_ =	sdelay $0x1  }
0x1c4: {  	v16 =	vadd.f32 v18, v16;
	v18 =	vmul.f32 v20, v21;
	_ =	sdelay $0x1  }
0x1c5: {  	v17 =	vmul.f32 v23, v17;
	v16 =	vadd.f32 v18, v16  }
0x1c6: {  	s26 =	simm.s32 $0x0  }
0x1c7: {  	s29 =	sand.u32 $0x1F800, s26;
	v16 =	vadd.f32 v17, v16  }
0x1c8: {  	s21 =	sshrl.u32 s29, $0x2  }
0x1c9: {  	s22 =	sand.u32 $0x40, s26;
	s21 =	sadd.s32 $0x2000, s21;
	[tilespmem:$0x12500] =	vst v16  }
0x1ca: {  	s31 =	sor.u32 $0x10, s22;
	s30 =	sor.u32 s22, s21;
	s20 =	sand.u32 $0x1F80, s26;
	v16 =	vld [tilespmem:s26+$0x0]  }
0x1cb: {  	s25 =	sor.u32 s31, s20;
	v17 =	vld [tilespmem:s30+$0x180]  }
0x1cc: {  	s24 =	sor.u32 s31, s21;
	v19 =	vld [tilespmem:s25+$0x0];
	s26 =	sor.u32 $0x20, s22  }
0x1cd: {  	v20 =	vld [tilespmem:s24+$0x180];
	s29 =	sor.u32 s26, s20  }
0x1ce: {  	s22 =	sor.u32 $0x30, s22;
	s30 =	simm.s32 $0x400;
	s23 =	sor.u32 s26, s21;
	v22 =	vld [tilespmem:s29+$0x0]  }
0x1cf: {  	s24 =	sand.u32 $0x1F800, s30;
	s31 =	sor.u32 s22, s20;
	v23 =	vld [tilespmem:s23+$0x180]  }
0x1d0: {  	s20 =	simm.s32 $0x40;
	s22 =	sor.u32 s22, s21;
	s24 =	sshrl.u32 s24, $0x2;
	v63 =	vld [tilespmem:s31+$0x0];
	v16 =	vmul.f32 v16, v17  }
0x1d1: {  	s23 =	sand.u32 $0x40, s20;
	v25 =	vld [tilespmem:s22+$0x180];
	s21 =	sadd.s32 $0x2000, s24;
	v17 =	vimm.f32 $0.0e+00  }
0x1d2: {  	v18 =	vld [tilespmem:s20+$0x0];
	s28 =	sand.u32 $0x1F80, s20;
	s26 =	sor.u32 $0x10, s23;
	s25 =	sor.u32 s23, s21;
	v19 =	vmul.f32 v19, v20;
	v17 =	vadd.f32 v16, v17  }
0x1d3: {  	s29 =	sor.u32 s26, s28;
	v21 =	vld [tilespmem:s25+$0x180]  }
0x1d4: {  	s30 =	sor.u32 $0x20, s23;
	s24 =	sor.u32 s26, s21;
	v16 =	vld [tilespmem:s29+$0x0];
	v22 =	vmul.f32 v22, v23;
	v20 =	vadd.f32 v19, v17  }
0x1d5: {  	s22 =	simm.s32 $0x80;
	s31 =	sor.u32 s30, s28;
	v19 =	vld [tilespmem:s24+$0x180]  }
0x1d6: {  	s25 =	sor.u32 $0x30, s23;
	s23 =	simm.s32 $0x800;
	s29 =	sor.u32 s30, s21;
	v23 =	vmul.f32 v63, v25;
	v17 =	vld [tilespmem:s31+$0x0];
	v22 =	vadd.f32 v22, v20  }
0x1d7: {  	s26 =	sand.u32 $0x1F800, s23;
	s28 =	sor.u32 s25, s28;
	s24 =	simm.s32 $0xC0;
	v20 =	vld [tilespmem:s29+$0x180]  }
.LBB2_24:
0x1d8: {  	p0 =	sne.s32 s24, $0x1FC0;
	s26 =	sshrl.u32 s26, $0x2;
	v21 =	vmul.f32 v18, v21;
	s25 =	sor.u32 s25, s21;
	v24 =	vld [tilespmem:s28+$0x0];
	v22 =	vadd.f32 v23, v22  }
0x1d9: {  	s28 =	sand.u32 $0x40, s22;
	s20 =	sadd.s32 $0x40, s20;
	s21 =	sadd.s32 $0x2000, s26;
	v23 =	vld [tilespmem:s25+$0x180]  }
0x1da: {  	s29 =	sand.u32 $0x1F80, s22;
	s26 =	sor.u32 $0x10, s28;
	s25 =	sor.u32 s28, s21;
	v18 =	vld [tilespmem:s20+$0x0];
	v22 =	vadd.f32 v21, v22;
	v19 =	vmul.f32 v16, v19  }
.Ltmp11:
0x1db: {  	s22 =	smov.u32 s24;
	v21 =	vld [tilespmem:s25+$0x180];
	s25 =	sor.u32 s26, s29;
	(pc) =	sbr.rel @p0 .LBB2_24-.Ltmp11, $4  }
0x1dc: {  	s26 =	sor.u32 s26, s21;
	v16 =	vld [tilespmem:s25+$0x0];
	s25 =	sor.u32 $0x20, s28;
	v22 =	vadd.f32 v19, v22;
	v20 =	vmul.f32 v17, v20  }
0x1dd: {  	v19 =	vld [tilespmem:s26+$0x180];
	s26 =	sor.u32 s25, s29  }
0x1de: {  	s23 =	sadd.s32 $0x400, s23;
	s30 =	sor.u32 s25, s21;
	s25 =	sor.u32 $0x30, s28;
	v17 =	vld [tilespmem:s26+$0x0];
	v22 =	vadd.f32 v20, v22;
	v23 =	vmul.f32 v24, v23  }
0x1df: {  	s24 =	sadd.s32 $0x40, s24;
	s26 =	sand.u32 $0x1F800, s23;
	s28 =	sor.u32 s25, s29;
	v20 =	vld [tilespmem:s30+$0x180]  }
0x1e0: {  	s23 =	sshrl.u32 s26, $0x2;
	v18 =	vmul.f32 v18, v21;
	s21 =	sor.u32 s25, s21;
	v21 =	vld [tilespmem:s28+$0x0];
	v22 =	vadd.f32 v23, v22  }
0x1e1: {  	s24 =	sand.u32 $0x40, s22;
	s20 =	sadd.s32 $0x40, s20;
	s23 =	sadd.s32 $0x2000, s23;
	v23 =	vld [tilespmem:s21+$0x180]  }
0x1e2: {  	s26 =	sand.u32 $0x1F80, s22;
	v24 =	vld [tilespmem:s20+$0x0];
	s25 =	sor.u32 $0x10, s24;
	s31 =	sor.u32 s24, s23;
	v18 =	vadd.f32 v18, v22;
	v16 =	vmul.f32 v16, v19  }
0x1e3: {  	s29 =	sor.u32 s25, s26;
	v19 =	vld [tilespmem:s31+$0x180]  }
0x1e4: {  	s30 =	sor.u32 $0x20, s24;
	s20 =	sor.u32 s25, s23;
	v22 =	vld [tilespmem:s29+$0x0];
	v16 =	vadd.f32 v16, v18;
	v17 =	vmul.f32 v17, v20  }
0x1e5: {  	s31 =	sor.u32 s30, s26;
	v18 =	vld [tilespmem:s20+$0x180]  }
0x1e6: {  	s21 =	sor.u32 s30, s23;
	s24 =	sor.u32 $0x30, s24;
	v20 =	vld [tilespmem:s31+$0x0];
	v16 =	vadd.f32 v17, v16;
	v17 =	vmul.f32 v21, v23  }
0x1e7: {  	s25 =	sor.u32 s24, s26;
	v21 =	vld [tilespmem:s21+$0x180]  }
0x1e8: {  	s20 =	sor.u32 s24, s23;
	v23 =	vld [tilespmem:s25+$0x0];
	v19 =	vmul.f32 v24, v19;
	v16 =	vadd.f32 v17, v16  }
0x1e9: {  	v17 =	vld [tilespmem:s20+$0x180]  }
0x1ea: {  	v18 =	vmul.f32 v22, v18;
	v16 =	vadd.f32 v19, v16;
	_ =	sdelay $0x1  }
0x1eb: {  	v16 =	vadd.f32 v18, v16;
	v18 =	vmul.f32 v20, v21;
	_ =	sdelay $0x1  }
0x1ec: {  	v17 =	vmul.f32 v23, v17;
	v16 =	vadd.f32 v18, v16;
	_ =	sdelay $0x1  }
0x1ed: {  	v16 =	vadd.f32 v17, v16;
	_ =	sdelay $0x1  }
0x1ee: {  	s26 =	simm.s32 $0x0;
	[tilespmem:$0x12580] =	vst v16  }
0x1ef: {  	s29 =	sand.u32 $0x1F800, s26;
	_ =	swait.ge [sflag:s16], $0x8000  }
0x1f0: {  	s21 =	sshrl.u32 s29, $0x2;
	[sflag:s16] =	ssyncset.done $0x0  }
0x1f1: {  	s22 =	sand.u32 $0x40, s26;
	s21 =	sadd.s32 $0xA000, s21;
	[sflag:s16] =	ssyncadd.s32 $0xFFFF8000  }
0x1f2: {  	s31 =	sor.u32 $0x10, s22;
	s30 =	sor.u32 s22, s21;
	s20 =	sand.u32 $0x1F80, s26;
	v16 =	vld [tilespmem:s26+$0x0]  }
0x1f3: {  	s25 =	sor.u32 s31, s20;
	v17 =	vld [tilespmem:s30+$0x0]  }
0x1f4: {  	s24 =	sor.u32 s31, s21;
	v19 =	vld [tilespmem:s25+$0x0];
	s26 =	sor.u32 $0x20, s22  }
0x1f5: {  	v20 =	vld [tilespmem:s24+$0x0];
	s29 =	sor.u32 s26, s20  }
0x1f6: {  	s22 =	sor.u32 $0x30, s22;
	s30 =	simm.s32 $0x400;
	s23 =	sor.u32 s26, s21;
	v22 =	vld [tilespmem:s29+$0x0]  }
0x1f7: {  	s24 =	sand.u32 $0x1F800, s30;
	s31 =	sor.u32 s22, s20;
	v23 =	vld [tilespmem:s23+$0x0]  }
0x1f8: {  	s20 =	simm.s32 $0x40;
	s22 =	sor.u32 s22, s21;
	s24 =	sshrl.u32 s24, $0x2;
	v63 =	vld [tilespmem:s31+$0x0];
	v16 =	vmul.f32 v16, v17  }
0x1f9: {  	s23 =	sand.u32 $0x40, s20;
	v25 =	vld [tilespmem:s22+$0x0];
	s21 =	sadd.s32 $0xA000, s24;
	v17 =	vimm.f32 $0.0e+00  }
0x1fa: {  	v18 =	vld [tilespmem:s20+$0x0];
	s28 =	sand.u32 $0x1F80, s20;
	s26 =	sor.u32 $0x10, s23;
	s25 =	sor.u32 s23, s21;
	v19 =	vmul.f32 v19, v20;
	v17 =	vadd.f32 v16, v17  }
0x1fb: {  	s29 =	sor.u32 s26, s28;
	v21 =	vld [tilespmem:s25+$0x0]  }
0x1fc: {  	s30 =	sor.u32 $0x20, s23;
	s24 =	sor.u32 s26, s21;
	v16 =	vld [tilespmem:s29+$0x0];
	v22 =	vmul.f32 v22, v23;
	v20 =	vadd.f32 v19, v17  }
0x1fd: {  	s22 =	simm.s32 $0x80;
	s31 =	sor.u32 s30, s28;
	v19 =	vld [tilespmem:s24+$0x0]  }
0x1fe: {  	s25 =	sor.u32 $0x30, s23;
	s23 =	simm.s32 $0x800;
	s29 =	sor.u32 s30, s21;
	v23 =	vmul.f32 v63, v25;
	v17 =	vld [tilespmem:s31+$0x0];
	v22 =	vadd.f32 v22, v20  }
0x1ff: {  	s26 =	sand.u32 $0x1F800, s23;
	s28 =	sor.u32 s25, s28;
	s24 =	simm.s32 $0xC0;
	v20 =	vld [tilespmem:s29+$0x0]  }
.LBB2_26:
0x200: {  	p0 =	sne.s32 s24, $0x1FC0;
	s26 =	sshrl.u32 s26, $0x2;
	v21 =	vmul.f32 v18, v21;
	s25 =	sor.u32 s25, s21;
	v24 =	vld [tilespmem:s28+$0x0];
	v22 =	vadd.f32 v23, v22  }
0x201: {  	s28 =	sand.u32 $0x40, s22;
	s20 =	sadd.s32 $0x40, s20;
	s21 =	sadd.s32 $0xA000, s26;
	v23 =	vld [tilespmem:s25+$0x0]  }
0x202: {  	s29 =	sand.u32 $0x1F80, s22;
	s26 =	sor.u32 $0x10, s28;
	s25 =	sor.u32 s28, s21;
	v18 =	vld [tilespmem:s20+$0x0];
	v22 =	vadd.f32 v21, v22;
	v19 =	vmul.f32 v16, v19  }
.Ltmp12:
0x203: {  	s22 =	smov.u32 s24;
	v21 =	vld [tilespmem:s25+$0x0];
	s25 =	sor.u32 s26, s29;
	(pc) =	sbr.rel @p0 .LBB2_26-.Ltmp12, $4  }
0x204: {  	s26 =	sor.u32 s26, s21;
	v16 =	vld [tilespmem:s25+$0x0];
	s25 =	sor.u32 $0x20, s28;
	v22 =	vadd.f32 v19, v22;
	v20 =	vmul.f32 v17, v20  }
0x205: {  	v19 =	vld [tilespmem:s26+$0x0];
	s26 =	sor.u32 s25, s29  }
0x206: {  	s23 =	sadd.s32 $0x400, s23;
	s30 =	sor.u32 s25, s21;
	s25 =	sor.u32 $0x30, s28;
	v17 =	vld [tilespmem:s26+$0x0];
	v22 =	vadd.f32 v20, v22;
	v23 =	vmul.f32 v24, v23  }
0x207: {  	s24 =	sadd.s32 $0x40, s24;
	s26 =	sand.u32 $0x1F800, s23;
	s28 =	sor.u32 s25, s29;
	v20 =	vld [tilespmem:s30+$0x0]  }
0x208: {  	s23 =	sshrl.u32 s26, $0x2;
	v18 =	vmul.f32 v18, v21;
	s21 =	sor.u32 s25, s21;
	v21 =	vld [tilespmem:s28+$0x0];
	v22 =	vadd.f32 v23, v22  }
0x209: {  	s24 =	sand.u32 $0x40, s22;
	s20 =	sadd.s32 $0x40, s20;
	s23 =	sadd.s32 $0xA000, s23;
	v23 =	vld [tilespmem:s21+$0x0]  }
0x20a: {  	s26 =	sand.u32 $0x1F80, s22;
	v24 =	vld [tilespmem:s20+$0x0];
	s25 =	sor.u32 $0x10, s24;
	s31 =	sor.u32 s24, s23;
	v18 =	vadd.f32 v18, v22;
	v16 =	vmul.f32 v16, v19  }
0x20b: {  	s29 =	sor.u32 s25, s26;
	v19 =	vld [tilespmem:s31+$0x0]  }
0x20c: {  	s30 =	sor.u32 $0x20, s24;
	s20 =	sor.u32 s25, s23;
	v22 =	vld [tilespmem:s29+$0x0];
	v16 =	vadd.f32 v16, v18;
	v17 =	vmul.f32 v17, v20  }
0x20d: {  	s31 =	sor.u32 s30, s26;
	v18 =	vld [tilespmem:s20+$0x0]  }
0x20e: {  	s21 =	sor.u32 s30, s23;
	s24 =	sor.u32 $0x30, s24;
	v20 =	vld [tilespmem:s31+$0x0];
	v16 =	vadd.f32 v17, v16;
	v17 =	vmul.f32 v21, v23  }
0x20f: {  	s25 =	sor.u32 s24, s26;
	v21 =	vld [tilespmem:s21+$0x0]  }
0x210: {  	s20 =	sor.u32 s24, s23;
	v23 =	vld [tilespmem:s25+$0x0];
	v19 =	vmul.f32 v24, v19;
	v16 =	vadd.f32 v17, v16  }
0x211: {  	v17 =	vld [tilespmem:s20+$0x0]  }
0x212: {  	v18 =	vmul.f32 v22, v18;
	v16 =	vadd.f32 v19, v16;
	_ =	sdelay $0x1  }
0x213: {  	v16 =	vadd.f32 v18, v16;
	v18 =	vmul.f32 v20, v21;
	_ =	sdelay $0x1  }
0x214: {  	v17 =	vmul.f32 v23, v17;
	v16 =	vadd.f32 v18, v16  }
0x215: {  	s26 =	simm.s32 $0x0  }
0x216: {  	s29 =	sand.u32 $0x1F800, s26;
	v16 =	vadd.f32 v17, v16  }
0x217: {  	s21 =	sshrl.u32 s29, $0x2  }
0x218: {  	s22 =	sand.u32 $0x40, s26;
	s21 =	sadd.s32 $0xA080, s21;
	[tilespmem:$0x12600] =	vst v16  }
0x219: {  	s31 =	sor.u32 $0x10, s22;
	s30 =	sor.u32 s22, s21;
	s20 =	sand.u32 $0x1F80, s26;
	v16 =	vld [tilespmem:s26+$0x0]  }
0x21a: {  	s25 =	sor.u32 s31, s20;
	v17 =	vld [tilespmem:s30+$0x0]  }
0x21b: {  	s24 =	sor.u32 s31, s21;
	v19 =	vld [tilespmem:s25+$0x0];
	s26 =	sor.u32 $0x20, s22  }
0x21c: {  	v20 =	vld [tilespmem:s24+$0x0];
	s29 =	sor.u32 s26, s20  }
0x21d: {  	s22 =	sor.u32 $0x30, s22;
	s30 =	simm.s32 $0x400;
	s23 =	sor.u32 s26, s21;
	v22 =	vld [tilespmem:s29+$0x0]  }
0x21e: {  	s24 =	sand.u32 $0x1F800, s30;
	s31 =	sor.u32 s22, s20;
	v23 =	vld [tilespmem:s23+$0x0]  }
0x21f: {  	s20 =	simm.s32 $0x40;
	s22 =	sor.u32 s22, s21;
	s24 =	sshrl.u32 s24, $0x2;
	v63 =	vld [tilespmem:s31+$0x0];
	v16 =	vmul.f32 v16, v17  }
0x220: {  	s23 =	sand.u32 $0x40, s20;
	v25 =	vld [tilespmem:s22+$0x0];
	s21 =	sadd.s32 $0xA080, s24;
	v17 =	vimm.f32 $0.0e+00  }
0x221: {  	v18 =	vld [tilespmem:s20+$0x0];
	s28 =	sand.u32 $0x1F80, s20;
	s26 =	sor.u32 $0x10, s23;
	s25 =	sor.u32 s23, s21;
	v19 =	vmul.f32 v19, v20;
	v17 =	vadd.f32 v16, v17  }
0x222: {  	s29 =	sor.u32 s26, s28;
	v21 =	vld [tilespmem:s25+$0x0]  }
0x223: {  	s30 =	sor.u32 $0x20, s23;
	s24 =	sor.u32 s26, s21;
	v16 =	vld [tilespmem:s29+$0x0];
	v22 =	vmul.f32 v22, v23;
	v20 =	vadd.f32 v19, v17  }
0x224: {  	s22 =	simm.s32 $0x80;
	s31 =	sor.u32 s30, s28;
	v19 =	vld [tilespmem:s24+$0x0]  }
0x225: {  	s25 =	sor.u32 $0x30, s23;
	s23 =	simm.s32 $0x800;
	s29 =	sor.u32 s30, s21;
	v23 =	vmul.f32 v63, v25;
	v17 =	vld [tilespmem:s31+$0x0];
	v22 =	vadd.f32 v22, v20  }
0x226: {  	s26 =	sand.u32 $0x1F800, s23;
	s28 =	sor.u32 s25, s28;
	s24 =	simm.s32 $0xC0;
	v20 =	vld [tilespmem:s29+$0x0]  }
.LBB2_28:
0x227: {  	p0 =	sne.s32 s24, $0x1FC0;
	s26 =	sshrl.u32 s26, $0x2;
	v21 =	vmul.f32 v18, v21;
	s25 =	sor.u32 s25, s21;
	v24 =	vld [tilespmem:s28+$0x0];
	v22 =	vadd.f32 v23, v22  }
0x228: {  	s28 =	sand.u32 $0x40, s22;
	s20 =	sadd.s32 $0x40, s20;
	s21 =	sadd.s32 $0xA080, s26;
	v23 =	vld [tilespmem:s25+$0x0]  }
0x229: {  	s29 =	sand.u32 $0x1F80, s22;
	s26 =	sor.u32 $0x10, s28;
	s25 =	sor.u32 s28, s21;
	v18 =	vld [tilespmem:s20+$0x0];
	v22 =	vadd.f32 v21, v22;
	v19 =	vmul.f32 v16, v19  }
.Ltmp13:
0x22a: {  	s22 =	smov.u32 s24;
	v21 =	vld [tilespmem:s25+$0x0];
	s25 =	sor.u32 s26, s29;
	(pc) =	sbr.rel @p0 .LBB2_28-.Ltmp13, $4  }
0x22b: {  	s26 =	sor.u32 s26, s21;
	v16 =	vld [tilespmem:s25+$0x0];
	s25 =	sor.u32 $0x20, s28;
	v22 =	vadd.f32 v19, v22;
	v20 =	vmul.f32 v17, v20  }
0x22c: {  	v19 =	vld [tilespmem:s26+$0x0];
	s26 =	sor.u32 s25, s29  }
0x22d: {  	s23 =	sadd.s32 $0x400, s23;
	s30 =	sor.u32 s25, s21;
	s25 =	sor.u32 $0x30, s28;
	v17 =	vld [tilespmem:s26+$0x0];
	v22 =	vadd.f32 v20, v22;
	v23 =	vmul.f32 v24, v23  }
0x22e: {  	s24 =	sadd.s32 $0x40, s24;
	s26 =	sand.u32 $0x1F800, s23;
	s28 =	sor.u32 s25, s29;
	v20 =	vld [tilespmem:s30+$0x0]  }
0x22f: {  	s23 =	sshrl.u32 s26, $0x2;
	v18 =	vmul.f32 v18, v21;
	s21 =	sor.u32 s25, s21;
	v21 =	vld [tilespmem:s28+$0x0];
	v22 =	vadd.f32 v23, v22  }
0x230: {  	s24 =	sand.u32 $0x40, s22;
	s20 =	sadd.s32 $0x40, s20;
	s23 =	sadd.s32 $0xA080, s23;
	v23 =	vld [tilespmem:s21+$0x0]  }
0x231: {  	s26 =	sand.u32 $0x1F80, s22;
	v24 =	vld [tilespmem:s20+$0x0];
	s25 =	sor.u32 $0x10, s24;
	s31 =	sor.u32 s24, s23;
	v18 =	vadd.f32 v18, v22;
	v16 =	vmul.f32 v16, v19  }
0x232: {  	s29 =	sor.u32 s25, s26;
	v19 =	vld [tilespmem:s31+$0x0]  }
0x233: {  	s30 =	sor.u32 $0x20, s24;
	s20 =	sor.u32 s25, s23;
	v22 =	vld [tilespmem:s29+$0x0];
	v16 =	vadd.f32 v16, v18;
	v17 =	vmul.f32 v17, v20  }
0x234: {  	s31 =	sor.u32 s30, s26;
	v18 =	vld [tilespmem:s20+$0x0]  }
0x235: {  	s21 =	sor.u32 s30, s23;
	s24 =	sor.u32 $0x30, s24;
	v20 =	vld [tilespmem:s31+$0x0];
	v16 =	vadd.f32 v17, v16;
	v17 =	vmul.f32 v21, v23  }
0x236: {  	s25 =	sor.u32 s24, s26;
	v21 =	vld [tilespmem:s21+$0x0]  }
0x237: {  	s20 =	sor.u32 s24, s23;
	v23 =	vld [tilespmem:s25+$0x0];
	v19 =	vmul.f32 v24, v19;
	v16 =	vadd.f32 v17, v16  }
0x238: {  	v17 =	vld [tilespmem:s20+$0x0]  }
0x239: {  	v18 =	vmul.f32 v22, v18;
	v16 =	vadd.f32 v19, v16;
	_ =	sdelay $0x1  }
0x23a: {  	v16 =	vadd.f32 v18, v16;
	v18 =	vmul.f32 v20, v21;
	_ =	sdelay $0x1  }
0x23b: {  	v17 =	vmul.f32 v23, v17;
	v16 =	vadd.f32 v18, v16  }
0x23c: {  	s26 =	simm.s32 $0x0  }
0x23d: {  	s29 =	sand.u32 $0x1F800, s26;
	v16 =	vadd.f32 v17, v16  }
0x23e: {  	s21 =	sshrl.u32 s29, $0x2  }
0x23f: {  	s22 =	sand.u32 $0x40, s26;
	s21 =	sadd.s32 $0xA100, s21;
	[tilespmem:$0x12680] =	vst v16  }
0x240: {  	s31 =	sor.u32 $0x10, s22;
	s30 =	sor.u32 s22, s21;
	s20 =	sand.u32 $0x1F80, s26;
	v16 =	vld [tilespmem:s26+$0x0]  }
0x241: {  	s25 =	sor.u32 s31, s20;
	v17 =	vld [tilespmem:s30+$0x0]  }
0x242: {  	s24 =	sor.u32 s31, s21;
	v19 =	vld [tilespmem:s25+$0x0];
	s26 =	sor.u32 $0x20, s22  }
0x243: {  	v20 =	vld [tilespmem:s24+$0x0];
	s29 =	sor.u32 s26, s20  }
0x244: {  	s22 =	sor.u32 $0x30, s22;
	s30 =	simm.s32 $0x400;
	s23 =	sor.u32 s26, s21;
	v22 =	vld [tilespmem:s29+$0x0]  }
0x245: {  	s24 =	sand.u32 $0x1F800, s30;
	s31 =	sor.u32 s22, s20;
	v23 =	vld [tilespmem:s23+$0x0]  }
0x246: {  	s20 =	simm.s32 $0x40;
	s22 =	sor.u32 s22, s21;
	s24 =	sshrl.u32 s24, $0x2;
	v63 =	vld [tilespmem:s31+$0x0];
	v16 =	vmul.f32 v16, v17  }
0x247: {  	s23 =	sand.u32 $0x40, s20;
	v25 =	vld [tilespmem:s22+$0x0];
	s21 =	sadd.s32 $0xA100, s24;
	v17 =	vimm.f32 $0.0e+00  }
0x248: {  	v18 =	vld [tilespmem:s20+$0x0];
	s28 =	sand.u32 $0x1F80, s20;
	s26 =	sor.u32 $0x10, s23;
	s25 =	sor.u32 s23, s21;
	v19 =	vmul.f32 v19, v20;
	v17 =	vadd.f32 v16, v17  }
0x249: {  	s29 =	sor.u32 s26, s28;
	v21 =	vld [tilespmem:s25+$0x0]  }
0x24a: {  	s30 =	sor.u32 $0x20, s23;
	s24 =	sor.u32 s26, s21;
	v16 =	vld [tilespmem:s29+$0x0];
	v22 =	vmul.f32 v22, v23;
	v20 =	vadd.f32 v19, v17  }
0x24b: {  	s22 =	simm.s32 $0x80;
	s31 =	sor.u32 s30, s28;
	v19 =	vld [tilespmem:s24+$0x0]  }
0x24c: {  	s25 =	sor.u32 $0x30, s23;
	s23 =	simm.s32 $0x800;
	s29 =	sor.u32 s30, s21;
	v23 =	vmul.f32 v63, v25;
	v17 =	vld [tilespmem:s31+$0x0];
	v22 =	vadd.f32 v22, v20  }
0x24d: {  	s26 =	sand.u32 $0x1F800, s23;
	s28 =	sor.u32 s25, s28;
	s24 =	simm.s32 $0xC0;
	v20 =	vld [tilespmem:s29+$0x0]  }
.LBB2_30:
0x24e: {  	p0 =	sne.s32 s24, $0x1FC0;
	s26 =	sshrl.u32 s26, $0x2;
	v21 =	vmul.f32 v18, v21;
	s25 =	sor.u32 s25, s21;
	v24 =	vld [tilespmem:s28+$0x0];
	v22 =	vadd.f32 v23, v22  }
0x24f: {  	s28 =	sand.u32 $0x40, s22;
	s20 =	sadd.s32 $0x40, s20;
	s21 =	sadd.s32 $0xA100, s26;
	v23 =	vld [tilespmem:s25+$0x0]  }
0x250: {  	s29 =	sand.u32 $0x1F80, s22;
	s26 =	sor.u32 $0x10, s28;
	s25 =	sor.u32 s28, s21;
	v18 =	vld [tilespmem:s20+$0x0];
	v22 =	vadd.f32 v21, v22;
	v19 =	vmul.f32 v16, v19  }
.Ltmp14:
0x251: {  	s22 =	smov.u32 s24;
	v21 =	vld [tilespmem:s25+$0x0];
	s25 =	sor.u32 s26, s29;
	(pc) =	sbr.rel @p0 .LBB2_30-.Ltmp14, $4  }
0x252: {  	s26 =	sor.u32 s26, s21;
	v16 =	vld [tilespmem:s25+$0x0];
	s25 =	sor.u32 $0x20, s28;
	v22 =	vadd.f32 v19, v22;
	v20 =	vmul.f32 v17, v20  }
0x253: {  	v19 =	vld [tilespmem:s26+$0x0];
	s26 =	sor.u32 s25, s29  }
0x254: {  	s23 =	sadd.s32 $0x400, s23;
	s30 =	sor.u32 s25, s21;
	s25 =	sor.u32 $0x30, s28;
	v17 =	vld [tilespmem:s26+$0x0];
	v22 =	vadd.f32 v20, v22;
	v23 =	vmul.f32 v24, v23  }
0x255: {  	s24 =	sadd.s32 $0x40, s24;
	s26 =	sand.u32 $0x1F800, s23;
	s28 =	sor.u32 s25, s29;
	v20 =	vld [tilespmem:s30+$0x0]  }
0x256: {  	s23 =	sshrl.u32 s26, $0x2;
	v18 =	vmul.f32 v18, v21;
	s21 =	sor.u32 s25, s21;
	v21 =	vld [tilespmem:s28+$0x0];
	v22 =	vadd.f32 v23, v22  }
0x257: {  	s24 =	sand.u32 $0x40, s22;
	s20 =	sadd.s32 $0x40, s20;
	s23 =	sadd.s32 $0xA100, s23;
	v23 =	vld [tilespmem:s21+$0x0]  }
0x258: {  	s26 =	sand.u32 $0x1F80, s22;
	v24 =	vld [tilespmem:s20+$0x0];
	s25 =	sor.u32 $0x10, s24;
	s31 =	sor.u32 s24, s23;
	v18 =	vadd.f32 v18, v22;
	v16 =	vmul.f32 v16, v19  }
0x259: {  	s29 =	sor.u32 s25, s26;
	v19 =	vld [tilespmem:s31+$0x0]  }
0x25a: {  	s30 =	sor.u32 $0x20, s24;
	s20 =	sor.u32 s25, s23;
	v22 =	vld [tilespmem:s29+$0x0];
	v16 =	vadd.f32 v16, v18;
	v17 =	vmul.f32 v17, v20  }
0x25b: {  	s31 =	sor.u32 s30, s26;
	v18 =	vld [tilespmem:s20+$0x0]  }
0x25c: {  	s21 =	sor.u32 s30, s23;
	s24 =	sor.u32 $0x30, s24;
	v20 =	vld [tilespmem:s31+$0x0];
	v16 =	vadd.f32 v17, v16;
	v17 =	vmul.f32 v21, v23  }
0x25d: {  	s25 =	sor.u32 s24, s26;
	v21 =	vld [tilespmem:s21+$0x0]  }
0x25e: {  	s20 =	sor.u32 s24, s23;
	v23 =	vld [tilespmem:s25+$0x0];
	v19 =	vmul.f32 v24, v19;
	v16 =	vadd.f32 v17, v16  }
0x25f: {  	v17 =	vld [tilespmem:s20+$0x0]  }
0x260: {  	v18 =	vmul.f32 v22, v18;
	v16 =	vadd.f32 v19, v16;
	_ =	sdelay $0x1  }
0x261: {  	v16 =	vadd.f32 v18, v16;
	v18 =	vmul.f32 v20, v21;
	_ =	sdelay $0x1  }
0x262: {  	v17 =	vmul.f32 v23, v17;
	v16 =	vadd.f32 v18, v16  }
0x263: {  	s26 =	simm.s32 $0x0  }
0x264: {  	s29 =	sand.u32 $0x1F800, s26;
	v16 =	vadd.f32 v17, v16  }
0x265: {  	s21 =	sshrl.u32 s29, $0x2  }
0x266: {  	s22 =	sand.u32 $0x40, s26;
	s21 =	sadd.s32 $0xA180, s21;
	[tilespmem:$0x12700] =	vst v16  }
0x267: {  	s31 =	sor.u32 $0x10, s22;
	s30 =	sor.u32 s22, s21;
	s20 =	sand.u32 $0x1F80, s26;
	v16 =	vld [tilespmem:s26+$0x0]  }
0x268: {  	s25 =	sor.u32 s31, s20;
	v17 =	vld [tilespmem:s30+$0x0]  }
0x269: {  	s24 =	sor.u32 s31, s21;
	v19 =	vld [tilespmem:s25+$0x0];
	s26 =	sor.u32 $0x20, s22  }
0x26a: {  	v20 =	vld [tilespmem:s24+$0x0];
	s29 =	sor.u32 s26, s20  }
0x26b: {  	s22 =	sor.u32 $0x30, s22;
	s30 =	simm.s32 $0x400;
	s23 =	sor.u32 s26, s21;
	v22 =	vld [tilespmem:s29+$0x0]  }
0x26c: {  	s24 =	sand.u32 $0x1F800, s30;
	s31 =	sor.u32 s22, s20;
	v23 =	vld [tilespmem:s23+$0x0]  }
0x26d: {  	s20 =	simm.s32 $0x40;
	s22 =	sor.u32 s22, s21;
	s24 =	sshrl.u32 s24, $0x2;
	v63 =	vld [tilespmem:s31+$0x0];
	v16 =	vmul.f32 v16, v17  }
0x26e: {  	s23 =	sand.u32 $0x40, s20;
	v25 =	vld [tilespmem:s22+$0x0];
	s21 =	sadd.s32 $0xA180, s24;
	v17 =	vimm.f32 $0.0e+00  }
0x26f: {  	v18 =	vld [tilespmem:s20+$0x0];
	s28 =	sand.u32 $0x1F80, s20;
	s26 =	sor.u32 $0x10, s23;
	s25 =	sor.u32 s23, s21;
	v19 =	vmul.f32 v19, v20;
	v17 =	vadd.f32 v16, v17  }
0x270: {  	s29 =	sor.u32 s26, s28;
	v21 =	vld [tilespmem:s25+$0x0]  }
0x271: {  	s30 =	sor.u32 $0x20, s23;
	s24 =	sor.u32 s26, s21;
	v16 =	vld [tilespmem:s29+$0x0];
	v22 =	vmul.f32 v22, v23;
	v20 =	vadd.f32 v19, v17  }
0x272: {  	s22 =	simm.s32 $0x80;
	s31 =	sor.u32 s30, s28;
	v19 =	vld [tilespmem:s24+$0x0]  }
0x273: {  	s25 =	sor.u32 $0x30, s23;
	s23 =	simm.s32 $0x800;
	s29 =	sor.u32 s30, s21;
	v23 =	vmul.f32 v63, v25;
	v17 =	vld [tilespmem:s31+$0x0];
	v22 =	vadd.f32 v22, v20  }
0x274: {  	s26 =	sand.u32 $0x1F800, s23;
	s28 =	sor.u32 s25, s28;
	s24 =	simm.s32 $0xC0;
	v20 =	vld [tilespmem:s29+$0x0]  }
.LBB2_32:
0x275: {  	p0 =	sne.s32 s24, $0x1FC0;
	s26 =	sshrl.u32 s26, $0x2;
	v21 =	vmul.f32 v18, v21;
	s25 =	sor.u32 s25, s21;
	v24 =	vld [tilespmem:s28+$0x0];
	v22 =	vadd.f32 v23, v22  }
0x276: {  	s28 =	sand.u32 $0x40, s22;
	s20 =	sadd.s32 $0x40, s20;
	s21 =	sadd.s32 $0xA180, s26;
	v23 =	vld [tilespmem:s25+$0x0]  }
0x277: {  	s29 =	sand.u32 $0x1F80, s22;
	s26 =	sor.u32 $0x10, s28;
	s25 =	sor.u32 s28, s21;
	v18 =	vld [tilespmem:s20+$0x0];
	v22 =	vadd.f32 v21, v22;
	v19 =	vmul.f32 v16, v19  }
.Ltmp15:
0x278: {  	s22 =	smov.u32 s24;
	v21 =	vld [tilespmem:s25+$0x0];
	s25 =	sor.u32 s26, s29;
	(pc) =	sbr.rel @p0 .LBB2_32-.Ltmp15, $4  }
0x279: {  	s26 =	sor.u32 s26, s21;
	v16 =	vld [tilespmem:s25+$0x0];
	s25 =	sor.u32 $0x20, s28;
	v22 =	vadd.f32 v19, v22;
	v20 =	vmul.f32 v17, v20  }
0x27a: {  	v19 =	vld [tilespmem:s26+$0x0];
	s26 =	sor.u32 s25, s29  }
0x27b: {  	s23 =	sadd.s32 $0x400, s23;
	s30 =	sor.u32 s25, s21;
	s25 =	sor.u32 $0x30, s28;
	v17 =	vld [tilespmem:s26+$0x0];
	v22 =	vadd.f32 v20, v22;
	v23 =	vmul.f32 v24, v23  }
0x27c: {  	s24 =	sadd.s32 $0x40, s24;
	s26 =	sand.u32 $0x1F800, s23;
	s28 =	sor.u32 s25, s29;
	v20 =	vld [tilespmem:s30+$0x0]  }
0x27d: {  	s23 =	sshrl.u32 s26, $0x2;
	v18 =	vmul.f32 v18, v21;
	s21 =	sor.u32 s25, s21;
	v45 =	vld [tilespmem:s28+$0x0];
	v22 =	vadd.f32 v23, v22  }
0x27e: {  	s24 =	sand.u32 $0x40, s22;
	s20 =	sadd.s32 $0x40, s20;
	s23 =	sadd.s32 $0xA180, s23;
	v46 =	vld [tilespmem:s21+$0x0]  }
0x27f: {  	s25 =	sand.u32 $0x1F80, s22;
	v24 =	vld [tilespmem:s20+$0x0];
	s31 =	sor.u32 $0x10, s24;
	s30 =	sor.u32 s24, s23;
	v18 =	vadd.f32 v18, v22;
	v16 =	vmul.f32 v16, v19  }
0x280: {  	s26 =	sor.u32 s31, s25;
	v47 =	vld [tilespmem:s30+$0x0]  }
0x281: {  	s28 =	sor.u32 $0x20, s24;
	s20 =	sor.u32 s31, s23;
	v48 =	vld [tilespmem:s26+$0x0];
	v16 =	vadd.f32 v16, v18;
	v17 =	vmul.f32 v17, v20  }
0x282: {  	s29 =	sor.u32 s28, s25;
	v49 =	vld [tilespmem:s20+$0x0]  }
0x283: {  	s21 =	sor.u32 s28, s23;
	v50 =	vld [tilespmem:s29+$0x0];
	s30 =	sor.u32 $0x30, s24;
	v16 =	vadd.f32 v17, v16;
	v17 =	vmul.f32 v45, v46  }
0x284: {  	v51 =	vld [tilespmem:s21+$0x0];
	s31 =	sor.u32 s30, s25  }
0x285: {  	s20 =	sor.u32 s30, s23;
	v52 =	vld [tilespmem:s31+$0x0];
	v19 =	vmul.f32 v24, v47;
	v16 =	vadd.f32 v17, v16  }
0x286: {  	v17 =	vld [tilespmem:s20+$0x0]  }
0x287: {  	v18 =	vmul.f32 v48, v49;
	v16 =	vadd.f32 v19, v16;
	_ =	sdelay $0x1  }
0x288: {  	v53 =	vmul.f32 v50, v51;
	v16 =	vadd.f32 v18, v16;
	_ =	sdelay $0x1  }
0x289: {  	v17 =	vmul.f32 v52, v17;
	v16 =	vadd.f32 v53, v16;
	_ =	sdelay $0x1  }
0x28a: {  	v16 =	vadd.f32 v17, v16;
	_ =	sdelay $0x1  }
0x28b: {  	[tilespmem:$0x12780] =	vst v16  }
0x28c: {  	v16 =	vld.idx.msk [tilespmem:v0+s17+$0x0], $0xffff;
	_ =	sdelay $0x1  }
0x28d: {  	v17 =	vld.idx.msk [tilespmem:v1+s17+$0x0], $0xffff;
	_ =	sdelay $0x1  }
0x28e: {  	v54 =	vld.idx.msk [tilespmem:v2+s17+$0x0], $0xffff  }
0x28f: {  	v16 =	vadd.f32 $0.0e+00, v16  }
0x290: {  	v55 =	vld.idx.msk [tilespmem:v3+s17+$0x0], $0xffff  }
0x291: {  	v16 =	vadd.f32 v17, v16  }
0x292: {  	v17 =	vld.idx.msk [tilespmem:v4+s17+$0x0], $0xffff  }
0x293: {  	v16 =	vadd.f32 v54, v16  }
0x294: {  	v56 =	vld.idx.msk [tilespmem:v5+s17+$0x0], $0xffff  }
0x295: {  	v16 =	vadd.f32 v55, v16  }
0x296: {  	v57 =	vld.idx.msk [tilespmem:v6+s17+$0x0], $0xffff  }
0x297: {  	v16 =	vadd.f32 v17, v16  }
0x298: {  	v17 =	vld.idx.msk [tilespmem:v7+s17+$0x0], $0xffff  }
0x299: {  	v16 =	vadd.f32 v56, v16  }
0x29a: {  	v58 =	vld.idx.msk [tilespmem:v8+s17+$0x0], $0xffff  }
0x29b: {  	v16 =	vadd.f32 v57, v16  }
0x29c: {  	v59 =	vld.idx.msk [tilespmem:v9+s17+$0x0], $0xffff  }
0x29d: {  	v16 =	vadd.f32 v17, v16  }
0x29e: {  	v17 =	vld.idx.msk [tilespmem:v10+s17+$0x0], $0xffff  }
0x29f: {  	v16 =	vadd.f32 v58, v16  }
0x2a0: {  	v60 =	vld.idx.msk [tilespmem:v11+s17+$0x0], $0xffff  }
0x2a1: {  	v16 =	vadd.f32 v59, v16  }
0x2a2: {  	v61 =	vld.idx.msk [tilespmem:v12+s17+$0x0], $0xffff  }
0x2a3: {  	v16 =	vadd.f32 v17, v16  }
0x2a4: {  	v17 =	vld.idx.msk [tilespmem:v13+s17+$0x0], $0xffff  }
0x2a5: {  	v16 =	vadd.f32 v60, v16  }
0x2a6: {  	v62 =	vld.idx.msk [tilespmem:v14+s17+$0x0], $0xffff  }
0x2a7: {  	v16 =	vadd.f32 v61, v16  }
0x2a8: {  	v63 =	vld.idx.msk [tilespmem:v15+s17+$0x0], $0xffff  }
0x2a9: {  	v16 =	vadd.f32 v17, v16;
	_ =	sdelay $0x1  }
0x2aa: {  	v16 =	vadd.f32 v62, v16;
	_ =	sdelay $0x1  }
0x2ab: {  	v16 =	vadd.f32 v63, v16  }
0x2ac: {  	s19 =	sadd.s32 $0x1, s19  }
0x2ad: {  	p0 =	sne.s32 s19, s9;
	v16 =	vmax.f32 v16, $9.999999970e-07  }
.Ltmp16:
0x2ae: {  	[tilespmem:$0x12800] =	vst v16;
	(pc) =	sbr.rel @p0 .LBB2_1-.Ltmp16, $4  }
0x2af: {  	[hbm4b:s8+s2] =	stream.linear.scatter [tilespmem:s18], [sflag:$0x3], $0x10, $0x38;
	[tilespmem:$0x12880] =	vst v63  }
0x2b0: {  	_ =	swait.ge [sflag:s13], $0x10  }
0x2b1: {  	[sflag:s13] =	ssyncset.done $0x0  }
0x2b2: {  	[sflag:s13] =	ssyncadd.s32 $0xFFFFFFF0  }
0x2b3: {  	_ =	sfence.sel $0x180000  }
0x2b4: {  	[bflag:$0x0] =	sbarrier.arrive $0xFFFF  }
0x2b5: {  	p0 =	sne.s32 s1, $0x0;
	_ =	strace $0x90000047  }
0x2b6: {  	s0 =	sadd.s32 @!p0 $0x100000, s0;
	[bflag:$0x2] =	sbarrier.arrive $0xFFFF  }
0x2b7: {  	[sflag:s0] =	ssyncadd.tile.s32 @!p0 $0x1;
	_ =	shalt  }
.Lfunc_end2:
_tile_overlayer_lowered:
.L_overlay_start_2:
0x2b8: {  	(tag) =	ssettag $0x2  }
0x2b9: {  	s0 =	rddreg [dreg:$0x0];
	s2 =	stileid.u32  }
0x2ba: {  	s1 =	rddreg [dreg:$0x1];
	p0 =	sne.s32 s2, $0x0  }
0x2bb: {  	s3 =	rddreg [dreg:$0x2];
	[bflag:$0x3] =	sbarrier.arrive $0xFFFF;
	s2 =	simm.s32 @!p0 $0x1C03  }
0x2bc: {  	[timem:s3], [sflag:s2] =	dma.local @!p0 [hbm:s0], s1  }
0x2bd: {  	s0 =	simm.s32 @!p0 $0x3  }
0x2be: {  	_ =	swait.ge @!p0 [sflag:s0], s1  }
0x2bf: {  	s1 =	ssub.s32 @!p0 $0x0, s1;
	[sflag:s0] =	ssyncset.done @!p0 $0x0  }
0x2c0: {  	[sflag:s0] =	ssyncadd.s32 @!p0 s1  }
0x2c1: {  	[bflag:$0x3] =	sbarrier.arrive $0xFFFF  }
0x2c2: {  	_ =	shalt  }

</sc_bundles>
